<compile_context>
chip_gen: v7x
topology: tpu7x:2x2x1
jax: 0.10.2.dev20260603
libtpu: 0.0.44.dev20260713+nightly
codegen_flags: <defaults>
</compile_context>

<pallas_src>
import functools

import jax
import jax.numpy as jnp
import numpy as np
from jax import lax
from jax.experimental import pallas as pl
from jax.experimental.pallas import tpu as pltpu
from jax.experimental.pallas import tpu_sc as plsc

F32 = jnp.float32
I32 = jnp.int32

E = 8
ENC = 256
WID = 256
NXF = 10
NDF = 4
T = 2048

SC_CORES = 2
SC_SUBCORES = 16
NWORK = SC_CORES * SC_SUBCORES
CHUNK = 128


BF16 = jnp.bfloat16


def _split3(a):
    ah = a.astype(BF16)
    al = (a - ah.astype(F32)).astype(BF16)
    return ah, al


def _dot3(a, b):
    ah, al = _split3(a)
    bh, bl = _split3(b)
    return (jnp.dot(ah, bh, preferred_element_type=F32)
            + jnp.dot(ah, bl, preferred_element_type=F32)
            + jnp.dot(al, bh, preferred_element_type=F32))


def _dot3_pre(ah, al, bh, bl):
    return (jnp.dot(ah, bh, preferred_element_type=F32)
            + jnp.dot(ah, bl, preferred_element_type=F32)
            + jnp.dot(al, bh, preferred_element_type=F32))


def _pe_matrix(degree, width):
    m = np.zeros((3, width), np.float32)
    half = width // 2
    for d in range(degree):
        for c in range(3):
            m[c, 3 * d + c] = 2.0 ** d
            m[c, half + 3 * d + c] = 2.0 ** d
    return jnp.asarray(m)


def _pe_sincos(x, mat):
    t = (x[:, 0:1] * mat[0:1, :] + x[:, 1:2] * mat[1:2, :]
         + x[:, 2:3] * mat[2:3, :])
    half = t.shape[1] // 2
    return jnp.sin(t[:, :half]), jnp.cos(t[:, half:])


_DN0 = (((0,), (0,)), ((), ()))


def _gating_body(temp_ref, xyzT_ref, wsin_ref, wcos_ref, wid_ref, benc_ref,
                 wg_ref, bg_ref,
                 ya_ref, yb_ref, gates_ref, onehot_ref, gtop_ref,
                 counts_ref, gsum_ref):
    i = pl.program_id(0)
    xt = xyzT_ref[...]
    t30 = jnp.concatenate([xt * (2.0 ** d) for d in range(NXF)], axis=0)
    s = jnp.sin(t30)
    c = jnp.cos(t30)
    y = (lax.dot_general(s, wsin_ref[...], _DN0, preferred_element_type=F32)
         + lax.dot_general(c, wcos_ref[...], _DN0, preferred_element_type=F32)
         + lax.dot_general(xt, wid_ref[...], _DN0, preferred_element_type=F32)
         + benc_ref[...])
    ya_ref[...] = y[:, :128]
    yb_ref[...] = y[:, 128:]
    logits = jnp.dot(y, wg_ref[...], preferred_element_type=F32) + bg_ref[...]
    lt = logits / temp_ref[0, 0]
    m = jnp.max(lt, axis=1, keepdims=True)
    ex = jnp.exp(lt - m)
    g = ex / jnp.sum(ex, axis=1, keepdims=True)
    gates_ref[...] = g
    li = lax.broadcasted_iota(I32, g.shape, 1)
    gm = jnp.max(g, axis=1, keepdims=True)
    am = jnp.min(jnp.where(g == gm, li, E), axis=1, keepdims=True)
    oh = (li == am).astype(F32)
    onehot_ref[...] = oh
    gtop_ref[...] = gm

    @pl.when(i == 0)
    def _():
        counts_ref[...] = jnp.zeros_like(counts_ref)
        gsum_ref[...] = jnp.zeros_like(gsum_ref)

    counts_ref[...] += jnp.sum(oh, axis=0, keepdims=True)
    gsum_ref[...] += jnp.sum(g, axis=0, keepdims=True)


def _gating(xyzT, temp11, wsin30, wcos30, wid3, b_enc, W_g, b_g, n):
    ba = 4096
    grid = (n // ba,)
    return pl.pallas_call(
        _gating_body,
        grid=grid,
        in_specs=[
            pl.BlockSpec(memory_space=pltpu.SMEM),
            pl.BlockSpec((3, ba), lambda i: (0, i)),
            pl.BlockSpec((3 * NXF, ENC), lambda i: (0, 0)),
            pl.BlockSpec((3 * NXF, ENC), lambda i: (0, 0)),
            pl.BlockSpec((3, ENC), lambda i: (0, 0)),
            pl.BlockSpec((1, ENC), lambda i: (0, 0)),
            pl.BlockSpec((ENC, E), lambda i: (0, 0)),
            pl.BlockSpec((1, E), lambda i: (0, 0)),
        ],
        out_specs=[
            pl.BlockSpec((ba, 128), lambda i: (i, 0)),
            pl.BlockSpec((ba, 128), lambda i: (i, 0)),
            pl.BlockSpec((ba, E), lambda i: (i, 0)),
            pl.BlockSpec((ba, E), lambda i: (i, 0)),
            pl.BlockSpec((ba, 1), lambda i: (i, 0)),
            pl.BlockSpec((1, E), lambda i: (0, 0)),
            pl.BlockSpec((1, E), lambda i: (0, 0)),
        ],
        out_shape=[
            jax.ShapeDtypeStruct((n, 128), F32),
            jax.ShapeDtypeStruct((n, 128), F32),
            jax.ShapeDtypeStruct((n, E), F32),
            jax.ShapeDtypeStruct((n, E), F32),
            jax.ShapeDtypeStruct((n, 1), F32),
            jax.ShapeDtypeStruct((1, E), F32),
            jax.ShapeDtypeStruct((1, E), F32),
        ],
    )(temp11, xyzT, wsin30, wcos30, wid3,
      b_enc.reshape(1, ENC), W_g, b_g.reshape(1, E))


def _dest_body(onehot_ref, starts_ref, ltri_ref, dest_ref, carry_ref):
    i = pl.program_id(0)

    @pl.when(i == 0)
    def _():
        carry_ref[...] = jnp.zeros_like(carry_ref)

    oh = onehot_ref[...]
    ranks = jnp.dot(ltri_ref[...], oh, preferred_element_type=F32,
                    precision=lax.Precision.DEFAULT)
    base = starts_ref[...] + carry_ref[...]
    destf = jnp.sum(oh * (base + ranks), axis=1, keepdims=True)
    dest_ref[...] = destf.astype(I32)
    carry_ref[...] += jnp.sum(oh, axis=0, keepdims=True)


def _dest(onehot, starts18, n):
    tb = 1024
    r = np.arange(tb)
    ltri = jnp.asarray((r[:, None] > r[None, :]).astype(np.float32))
    return pl.pallas_call(
        _dest_body,
        grid=(n // tb,),
        in_specs=[
            pl.BlockSpec((tb, E), lambda i: (i, 0)),
            pl.BlockSpec((1, E), lambda i: (0, 0)),
            pl.BlockSpec((tb, tb), lambda i: (0, 0)),
        ],
        out_specs=pl.BlockSpec((tb, 1), lambda i: (i, 0)),
        out_shape=jax.ShapeDtypeStruct((n, 1), I32),
        scratch_shapes=[pltpu.VMEM((1, E), F32)],
    )(onehot, starts18, ltri)


def _dispatch_scatter(ya, yb, dest3, npad):
    n = ya.shape[0]
    per_w = n // NWORK
    nchunks = per_w // CHUNK
    mesh = plsc.VectorSubcoreMesh(core_axis_name="c", subcore_axis_name="s")

    @functools.partial(
        pl.kernel,
        mesh=mesh,
        out_type=[jax.ShapeDtypeStruct((npad, 128), F32),
                  jax.ShapeDtypeStruct((npad, 128), F32)],
        scratch_types=[
            pltpu.VMEM((nchunks, CHUNK), I32),
            pltpu.VMEM((CHUNK, 128), F32),
            pltpu.VMEM((CHUNK, 128), F32),
            pltpu.SemaphoreType.DMA,
            pltpu.SemaphoreType.DMA,
        ],
    )
    def k(ya_hbm, yb_hbm, dest_hbm, ysa_hbm, ysb_hbm, idx_v, rowa_v, rowb_v,
          sema, semb):
        wid = lax.axis_index("s") * SC_CORES + lax.axis_index("c")
        pltpu.sync_copy(dest_hbm.at[wid], idx_v)
        base = wid * per_w
        for j in range(nchunks):
            pltpu.sync_copy(ya_hbm.at[pl.ds(base + j * CHUNK, CHUNK)], rowa_v)
            pltpu.sync_copy(yb_hbm.at[pl.ds(base + j * CHUNK, CHUNK)], rowb_v)
            ca = pltpu.async_copy(rowa_v, ysa_hbm.at[idx_v.at[j]], sema)
            cb = pltpu.async_copy(rowb_v, ysb_hbm.at[idx_v.at[j]], semb)
            ca.wait()
            cb.wait()

    return k(ya, yb, dest3)


def _expert_body(eid_ref, ysa_ref, ysb_ref, w1_ref, b1_ref, w2_ref, b2_ref,
                 w3_ref, b3_ref, w4_ref, b4_ref, outa_ref, outb_ref):
    t = pl.program_id(0)
    e = eid_ref[t]
    a = jnp.concatenate([ysa_ref[...], ysb_ref[...]], axis=1)
    h = jnp.maximum(jnp.dot(a, w1_ref[e], preferred_element_type=F32) + b1_ref[e], 0.0)
    h = jnp.maximum(jnp.dot(h, w2_ref[e], preferred_element_type=F32) + b2_ref[e], 0.0)
    h = jnp.maximum(jnp.dot(h, w3_ref[e], preferred_element_type=F32) + b3_ref[e], 0.0)
    h = jnp.dot(h, w4_ref[e], preferred_element_type=F32) + b4_ref[e]
    outa_ref[...] = h[:, :128]
    outb_ref[...] = h[:, 128:]


def _experts(tile_eid, ysa, ysb, We1, be1, We2, be2, We3, be3, We4, be4,
             npad):
    nt = npad // T
    wspec = pl.BlockSpec((E, ENC, WID), lambda t, eid: (0, 0, 0))
    bspec = pl.BlockSpec((E, 1, WID), lambda t, eid: (0, 0, 0))
    grid_spec = pltpu.PrefetchScalarGridSpec(
        num_scalar_prefetch=1,
        grid=(nt,),
        in_specs=[
            pl.BlockSpec((T, 128), lambda t, eid: (t, 0)),
            pl.BlockSpec((T, 128), lambda t, eid: (t, 0)),
            wspec, bspec, wspec, bspec, wspec, bspec, wspec, bspec,
        ],
        out_specs=[pl.BlockSpec((T, 128), lambda t, eid: (t, 0)),
                   pl.BlockSpec((T, 128), lambda t, eid: (t, 0))],
    )
    return pl.pallas_call(
        _expert_body,
        grid_spec=grid_spec,
        out_shape=[jax.ShapeDtypeStruct((npad, 128), F32),
                   jax.ShapeDtypeStruct((npad, 128), F32)],
    )(tile_eid, ysa, ysb,
      We1, be1.reshape(E, 1, WID), We2, be2.reshape(E, 1, WID),
      We3, be3.reshape(E, 1, WID), We4, be4.reshape(E, 1, WID))


def _combine_gather(hsa, hsb, dest3, n):
    per_w = n // NWORK
    nchunks = per_w // CHUNK
    mesh = plsc.VectorSubcoreMesh(core_axis_name="c", subcore_axis_name="s")

    @functools.partial(
        pl.kernel,
        mesh=mesh,
        out_type=[jax.ShapeDtypeStruct((n, 128), F32),
                  jax.ShapeDtypeStruct((n, 128), F32)],
        scratch_types=[
            pltpu.VMEM((nchunks, CHUNK), I32),
            pltpu.VMEM((CHUNK, 128), F32),
            pltpu.VMEM((CHUNK, 128), F32),
            pltpu.SemaphoreType.DMA,
            pltpu.SemaphoreType.DMA,
        ],
    )
    def k(hsa_hbm, hsb_hbm, dest_hbm, outa_hbm, outb_hbm, idx_v, rowa_v,
          rowb_v, sema, semb):
        wid = lax.axis_index("s") * SC_CORES + lax.axis_index("c")
        pltpu.sync_copy(dest_hbm.at[wid], idx_v)
        base = wid * per_w
        for j in range(nchunks):
            ca = pltpu.async_copy(hsa_hbm.at[idx_v.at[j]], rowa_v, sema)
            cb = pltpu.async_copy(hsb_hbm.at[idx_v.at[j]], rowb_v, semb)
            ca.wait()
            cb.wait()
            pltpu.sync_copy(rowa_v, outa_hbm.at[pl.ds(base + j * CHUNK, CHUNK)])
            pltpu.sync_copy(rowb_v, outb_hbm.at[pl.ds(base + j * CHUNK, CHUNK)])

    return k(hsa, hsb, dest3)


def _head_body(hrawa_ref, hrawb_ref, gtop_ref, vdirT_ref,
               wr1az_ref, wvs_ref, wvc_ref, wvi_ref, br1z_ref,
               wr2_ref, br2_ref,
               sig_ref, rgb_ref, ssum_ref):
    i = pl.program_id(0)
    so = jnp.concatenate([hrawa_ref[...], hrawb_ref[...]],
                         axis=1) * gtop_ref[...]
    vt = vdirT_ref[...]
    t12 = jnp.concatenate([vt * (2.0 ** d) for d in range(NDF)], axis=0)
    s = jnp.sin(t12)
    c = jnp.cos(t12)
    u = (jnp.dot(so, wr1az_ref[...], preferred_element_type=F32)
         + lax.dot_general(s, wvs_ref[...], _DN0, preferred_element_type=F32)
         + lax.dot_general(c, wvc_ref[...], _DN0, preferred_element_type=F32)
         + lax.dot_general(vt, wvi_ref[...], _DN0, preferred_element_type=F32)
         + br1z_ref[...])
    z = u[:, 128:129]
    sig = jnp.maximum(z, 0.0) + jnp.log(1.0 + jnp.exp(-jnp.abs(z)))
    sig_ref[...] = sig
    hr = jnp.maximum(u[:, :128], 0.0)
    t = jnp.dot(hr, wr2_ref[...], preferred_element_type=F32) + br2_ref[...]
    rgb_ref[...] = 1.0 / (1.0 + jnp.exp(-t))

    @pl.when(i == 0)
    def _():
        ssum_ref[...] = jnp.zeros_like(ssum_ref)

    ssum_ref[...] += jnp.sum(sig, axis=0, keepdims=True)


def _heads(hrawa, hrawb, gtop, vdirT, wr1az, wvs, wvc, wvi, br1z, wr2p,
           br2p, n):
    bf = 4096
    return pl.pallas_call(
        _head_body,
        grid=(n // bf,),
        in_specs=[
            pl.BlockSpec((bf, 128), lambda i: (i, 0)),
            pl.BlockSpec((bf, 128), lambda i: (i, 0)),
            pl.BlockSpec((bf, 1), lambda i: (i, 0)),
            pl.BlockSpec((3, bf), lambda i: (0, i)),
            pl.BlockSpec((ENC, 256), lambda i: (0, 0)),
            pl.BlockSpec((3 * NDF, 256), lambda i: (0, 0)),
            pl.BlockSpec((3 * NDF, 256), lambda i: (0, 0)),
            pl.BlockSpec((3, 256), lambda i: (0, 0)),
            pl.BlockSpec((1, 256), lambda i: (0, 0)),
            pl.BlockSpec((128, 128), lambda i: (0, 0)),
            pl.BlockSpec((1, 128), lambda i: (0, 0)),
        ],
        out_specs=[
            pl.BlockSpec((bf, 1), lambda i: (i, 0)),
            pl.BlockSpec((bf, 128), lambda i: (i, 0)),
            pl.BlockSpec((1, 1), lambda i: (0, 0)),
        ],
        out_shape=[
            jax.ShapeDtypeStruct((n, 1), F32),
            jax.ShapeDtypeStruct((n, 128), F32),
            jax.ShapeDtypeStruct((1, 1), F32),
        ],
    )(hrawa, hrawb, gtop, vdirT, wr1az, wvs, wvc, wvi,
      br1z, wr2p, br2p)


def kernel(xyz, viewdir, shape_latent, texture_latent, temperature,
           W_enc, b_enc, W_g, b_g,
           We1, be1, We2, be2, We3, be3, We4, be4,
           W_sig, b_sig, W_r1, b_r1, W_r2, b_r2):
    nrays, nsamples, _ = xyz.shape
    n = nrays * nsamples
    npad = (n // T + E) * T

    xyzT = jnp.transpose(xyz, (2, 1, 0)).reshape(3, n)
    vdirT = jnp.transpose(viewdir, (2, 1, 0)).reshape(3, n)
    temp11 = temperature.reshape(1, 1)
    nsf = 3 * NXF
    wsin30 = W_enc[3:3 + nsf]
    wcos30 = W_enc[3 + nsf:3 + 2 * nsf]
    wid3 = W_enc[:3]

    ya, yb, gates, onehot, gtop, counts, gsum = _gating(
        xyzT, temp11, wsin30, wcos30, wid3, b_enc, W_g, b_g, n)

    cnt = counts.reshape(E)
    tile_cnt = jnp.ceil(cnt / T).astype(I32)
    tile_start = jnp.concatenate(
        [jnp.zeros((1,), I32), jnp.cumsum(tile_cnt)[:-1]])
    starts18 = (tile_start * T).astype(F32).reshape(1, E)
    nt = npad // T
    cum = jnp.cumsum(tile_cnt)
    tidx = jnp.arange(nt, dtype=I32)
    tile_eid = jnp.minimum(
        jnp.sum((tidx[:, None] >= cum[None, :]).astype(I32), axis=1),
        E - 1).astype(I32)

    dest = _dest(onehot, starts18, n)
    dest3 = dest.reshape(NWORK, (n // NWORK) // CHUNK, CHUNK)

    ysa, ysb = _dispatch_scatter(ya, yb, dest3, npad)
    hsa, hsb = _experts(tile_eid, ysa, ysb, We1, be1, We2, be2, We3, be3,
                        We4, be4, npad)
    hrawa, hrawb = _combine_gather(hsa, hsb, dest3, n)

    ncf = 3 * NDF
    wr1az = jnp.concatenate(
        [W_r1[:ENC], W_sig, jnp.zeros((ENC, 127), F32)], axis=1)
    wvs = jnp.zeros((ncf, 256), F32).at[:, :128].set(W_r1[ENC + 3:ENC + 3 + ncf])
    wvc = jnp.zeros((ncf, 256), F32).at[:, :128].set(W_r1[ENC + 3 + ncf:])
    wvi = jnp.zeros((3, 256), F32).at[:, :128].set(W_r1[ENC:ENC + 3])
    br1z = jnp.concatenate(
        [b_r1, b_sig, jnp.zeros((127,), F32)]).reshape(1, 256)
    wr2p = jnp.concatenate([W_r2, jnp.zeros((128, 125), F32)], axis=1)
    br2p = jnp.concatenate([b_r2, jnp.zeros((125,), F32)]).reshape(1, 128)

    sig, rgbp, ssum = _heads(hrawa, hrawb, gtop, vdirT, wr1az, wvs, wvc,
                             wvi, br1z, wr2p, br2p, n)

    sigmas = sig.reshape(nsamples, nrays, 1).transpose(1, 0, 2)
    rgbs = rgbp[:, :3].reshape(nsamples, nrays, 3).transpose(1, 0, 2)
    gates_soft_o = gates.reshape(nsamples, nrays, E).transpose(1, 0, 2)
    gates_hard_o = onehot.reshape(nsamples, nrays, E).transpose(1, 0, 2)
    mean_sigma = (ssum / n).reshape(1)
    num_pts = cnt
    aux_loss = E * jnp.sum((cnt / n) * (gsum.reshape(E) / n))
    return (sigmas, rgbs, gates_soft_o, gates_hard_o,
            mean_sigma, num_pts, aux_loss)

# --- scband reference (transcript-rebuilt; emitter-appended) ---
"""Pipeline reference for scband-switch-ne-rf-53403623358647 (READ-ONLY COPY).

The authoritative reference and input builder live on the scoring server;
editing this copy changes nothing except your own understanding.
"""

import jax, jax.numpy as jnp
import numpy as np

NRAYS = 1024
NSAMPLES = 32
E = 8
ENC = 256
W = 256
NXF = 10
NDF = 4
D_XYZ = 3 + 6 * NXF
D_DIR = 3 + 6 * NDF


def pe(x, degree):
    y = jnp.concatenate([(2.0 ** i) * x for i in range(degree)], axis=-1)
    return jnp.concatenate([x, jnp.sin(y), jnp.cos(y)], axis=-1)


def setup_inputs(seed: int = 0):
    key = jax.random.key(seed)
    ks = jax.random.split(key, 16)
    s = 0.05
    inp = {}
    inp["xyz"] = jax.random.normal(ks[0], (NRAYS, NSAMPLES, 3), jnp.float32)
    inp["viewdir"] = jax.random.normal(ks[1], (NRAYS, NSAMPLES, 3), jnp.float32)
    inp["shape_latent"] = jnp.zeros((1,), jnp.float32)
    inp["texture_latent"] = jnp.zeros((1,), jnp.float32)
    inp["temperature"] = jnp.ones((1,), jnp.float32)
    inp["W_enc"] = jax.random.normal(ks[2], (D_XYZ, ENC), jnp.float32) * s
    inp["b_enc"] = jnp.zeros((ENC,), jnp.float32)
    inp["W_g"] = jax.random.normal(ks[3], (ENC, E), jnp.float32) * s
    inp["b_g"] = jnp.zeros((E,), jnp.float32)
    inp["We1"] = jax.random.normal(ks[4], (E, ENC, W), jnp.float32) * s
    inp["be1"] = jnp.zeros((E, W), jnp.float32)
    inp["We2"] = jax.random.normal(ks[5], (E, W, W), jnp.float32) * s
    inp["be2"] = jnp.zeros((E, W), jnp.float32)
    inp["We3"] = jax.random.normal(ks[6], (E, W, W), jnp.float32) * s
    inp["be3"] = jnp.zeros((E, W), jnp.float32)
    inp["We4"] = jax.random.normal(ks[7], (E, W, W), jnp.float32) * s
    inp["be4"] = jnp.zeros((E, W), jnp.float32)
    inp["W_sig"] = jax.random.normal(ks[8], (W, 1), jnp.float32) * s
    inp["b_sig"] = jnp.zeros((1,), jnp.float32)
    inp["W_r1"] = jax.random.normal(ks[9], (W + D_DIR, 128), jnp.float32) * s
    inp["b_r1"] = jnp.zeros((128,), jnp.float32)
    inp["W_r2"] = jax.random.normal(ks[10], (128, 3), jnp.float32) * s
    inp["b_r2"] = jnp.zeros((3,), jnp.float32)
    return inp


def reference(xyz, viewdir, shape_latent, texture_latent, temperature,
              W_enc, b_enc, W_g, b_g,
              We1, be1, We2, be2, We3, be3, We4, be4,
              W_sig, b_sig, W_r1, b_r1, W_r2, b_r2):
    nrays, nsamples, _ = xyz.shape
    x = pe(xyz.reshape(-1, 3), NXF)
    y = x @ W_enc + b_enc
    logits = y @ W_g + b_g
    gates_soft = jax.nn.softmax(logits / temperature[0], axis=-1)
    h = jax.nn.relu(jnp.einsum('nd,edh->neh', y, We1) + be1[None, :, :])
    h = jax.nn.relu(jnp.einsum('neh,ehk->nek', h, We2) + be2[None, :, :])
    h = jax.nn.relu(jnp.einsum('neh,ehk->nek', h, We3) + be3[None, :, :])
    h = jnp.einsum('neh,ehk->nek', h, We4) + be4[None, :, :]
    index = jnp.argmax(gates_soft, axis=-1)
    one_hot = jax.nn.one_hot(index, E, dtype=gates_soft.dtype)
    gates_hard = jax.lax.stop_gradient(one_hot - gates_soft) + gates_soft
    dispatch = one_hot * gates_soft
    shape_out = jnp.einsum('ne,nek->nk', dispatch, h)
    num_pts = jnp.sum(one_hot, axis=0)
    P = jnp.mean(gates_soft, axis=0)
    f = num_pts / gates_soft.shape[0]
    aux_loss = E * jnp.sum(jax.lax.stop_gradient(f) * P)
    sigmas = jax.nn.softplus(shape_out @ W_sig + b_sig)
    mean_sigma = jnp.mean(sigmas, axis=0)
    vd = pe(viewdir.reshape(-1, 3), NDF)
    hr = jax.nn.relu(jnp.concatenate([shape_out, vd], axis=-1) @ W_r1 + b_r1)
    rgbs = jax.nn.sigmoid(hr @ W_r2 + b_r2)
    sigmas = sigmas.reshape(nrays, nsamples, -1)
    rgbs = rgbs.reshape(nrays, nsamples, -1)
    gates_soft_o = gates_soft.reshape(nrays, nsamples, -1)
    gates_hard_o = gates_hard.reshape(nrays, nsamples, -1)
    return (sigmas, rgbs, gates_soft_o, gates_hard_o, mean_sigma, num_pts, aux_loss)

if __name__ == "__main__":
    import jax
    _d = setup_inputs()
    print(jax.jit(kernel)(*tuple(_d.values())))

</pallas_src>

<mosaic_0001>
#map = affine_map<(d0, d1) -> (0, 0)>
#map1 = affine_map<(d0, d1) -> (0, 0, 0)>
module attributes {stable_mosaic.version = 14 : i64} {
  func.func @k(%arg0: i32, %arg1: i32, %arg2: memref<49152x128xf32, #tpu.memory_space<hbm>>, %arg3: memref<49152x128xf32, #tpu.memory_space<hbm>>, %arg4: memref<32x8x128xi32, #tpu.memory_space<hbm>>, %arg5: memref<32768x128xf32, #tpu.memory_space<hbm>>, %arg6: memref<32768x128xf32, #tpu.memory_space<hbm>>, %arg7: memref<8x128xi32, #tpu.memory_space<vmem>>, %arg8: memref<128x128xf32, #tpu.memory_space<vmem>>, %arg9: memref<128x128xf32, #tpu.memory_space<vmem>>, %arg10: memref<!tpu.dma_semaphore, #tpu.memory_space<semaphore_mem>>, %arg11: memref<!tpu.dma_semaphore, #tpu.memory_space<semaphore_mem>>) attributes {dimension_semantics = [#tpu.dimension_semantics<core_parallel>, #tpu.dimension_semantics<subcore_parallel>], iteration_bounds = array<i64: 2, 16>, scalar_prefetch = 0 : i64, scratch_operands = 5 : i64, tpu.core_type = #tpu.core_type<sc_vector_subcore>, window_params = [{transform_indices = #map}, {transform_indices = #map}, {transform_indices = #map1}, {transform_indices = #map}, {transform_indices = #map}]} {
    %mul3A = arith.constant 2 : i32
    %mul3A_0 = arith.muli %arg1, %mul3A : i32
    %add3A = arith.addi %mul3A_0, %arg0 : i32
    "tpu.region"() ({
      %run_scoped3A = tpu.sem_alloc : memref<!tpu.dma_semaphore, #tpu.memory_space<semaphore_mem>>
      %dma_start3A_257 = arith.constant 0 : i32
      %dma_start3A_258 = arith.constant 0 : i32
      %dma_start3A_259 = tpu.memref_slice %arg4[%add3A, %dma_start3A_257, %dma_start3A_258] : memref<32x8x128xi32, #tpu.memory_space<hbm>> -> memref<1x8x128xi32, #tpu.memory_space<hbm>>
      %dma_start3A_260 = tpu.memref_squeeze %dma_start3A_259 : memref<1x8x128xi32, #tpu.memory_space<hbm>> -> memref<8x128xi32, #tpu.memory_space<hbm>>
      %dma_start3A_261 = arith.constant 0 : i32
      %dma_start3A_262 = arith.constant 0 : i32
      %dma_start3A_263 = tpu.memref_slice %arg4[%add3A, %dma_start3A_261, %dma_start3A_262] : memref<32x8x128xi32, #tpu.memory_space<hbm>> -> memref<1x8x128xi32, #tpu.memory_space<hbm>>
      %dma_start3A_264 = tpu.memref_squeeze %dma_start3A_263 : memref<1x8x128xi32, #tpu.memory_space<hbm>> -> memref<8x128xi32, #tpu.memory_space<hbm>>
      tpu.enqueue_dma source(%dma_start3A_264 : memref<8x128xi32, #tpu.memory_space<hbm>>) target(%arg7 : memref<8x128xi32, #tpu.memory_space<vmem>>) target_semaphore(%run_scoped3A : memref<!tpu.dma_semaphore, #tpu.memory_space<semaphore_mem>>)
      %dma_wait3A_265 = arith.constant 0 : i32
      %dma_wait3A_266 = arith.constant 0 : i32
      %dma_wait3A_267 = tpu.memref_slice %arg4[%add3A, %dma_wait3A_265, %dma_wait3A_266] : memref<32x8x128xi32, #tpu.memory_space<hbm>> -> memref<1x8x128xi32, #tpu.memory_space<hbm>>
      %dma_wait3A_268 = tpu.memref_squeeze %dma_wait3A_267 : memref<1x8x128xi32, #tpu.memory_space<hbm>> -> memref<8x128xi32, #tpu.memory_space<hbm>>
      %dma_wait3A_269 = arith.constant 0 : i32
      %dma_wait3A_270 = arith.constant 0 : i32
      %dma_wait3A_271 = tpu.memref_slice %arg4[%add3A, %dma_wait3A_269, %dma_wait3A_270] : memref<32x8x128xi32, #tpu.memory_space<hbm>> -> memref<1x8x128xi32, #tpu.memory_space<hbm>>
      %dma_wait3A_272 = tpu.memref_squeeze %dma_wait3A_271 : memref<1x8x128xi32, #tpu.memory_space<hbm>> -> memref<8x128xi32, #tpu.memory_space<hbm>>
      tpu.wait_dma2 semaphore(%run_scoped3A : memref<!tpu.dma_semaphore, #tpu.memory_space<semaphore_mem>>) src(%dma_wait3A_272 : memref<8x128xi32, #tpu.memory_space<hbm>>) dst(%arg7 : memref<8x128xi32, #tpu.memory_space<vmem>>)
      tpu.yield
    }) : () -> ()
    %mul3A_1 = arith.constant 1024 : i32
    %mul3A_2 = arith.muli %add3A, %mul3A_1 : i32
    %dma_start3A = arith.constant 0 : i32
    %dma_start3A_3 = arith.constant 0 : i32
    %dma_start3A_4 = tpu.memref_slice %arg7[%dma_start3A, %dma_start3A_3] : memref<8x128xi32, #tpu.memory_space<vmem>> -> memref<1x128xi32, #tpu.memory_space<vmem>>
    %dma_start3A_5 = tpu.memref_squeeze %dma_start3A_4 : memref<1x128xi32, #tpu.memory_space<vmem>> -> memref<128xi32, #tpu.memory_space<vmem>>
    %dma_start3A_6 = arith.constant 0 : i32
    %dma_start3A_7 = arith.constant 0 : i32
    %dma_start3A_8 = tpu.memref_slice %arg2[%dma_start3A_6, %dma_start3A_7] : memref<49152x128xf32, #tpu.memory_space<hbm>> -> memref<49152x128xf32, #tpu.memory_space<hbm>>
    tpu.enqueue_indirect_dma source(%dma_start3A_8 : memref<49152x128xf32, #tpu.memory_space<hbm>>) target(%arg8 : memref<128x128xf32, #tpu.memory_space<vmem>>) offsets(%dma_start3A_5 : memref<128xi32, #tpu.memory_space<vmem>>) semaphore(%arg10 : memref<!tpu.dma_semaphore, #tpu.memory_space<semaphore_mem>>)
    %dma_start3A_9 = arith.constant 0 : i32
    %dma_start3A_10 = arith.constant 0 : i32
    %dma_start3A_11 = tpu.memref_slice %arg7[%dma_start3A_9, %dma_start3A_10] : memref<8x128xi32, #tpu.memory_space<vmem>> -> memref<1x128xi32, #tpu.memory_space<vmem>>
    %dma_start3A_12 = tpu.memref_squeeze %dma_start3A_11 : memref<1x128xi32, #tpu.memory_space<vmem>> -> memref<128xi32, #tpu.memory_space<vmem>>
    %dma_start3A_13 = arith.constant 0 : i32
    %dma_start3A_14 = arith.constant 0 : i32
    %dma_start3A_15 = tpu.memref_slice %arg3[%dma_start3A_13, %dma_start3A_14] : memref<49152x128xf32, #tpu.memory_space<hbm>> -> memref<49152x128xf32, #tpu.memory_space<hbm>>
    tpu.enqueue_indirect_dma source(%dma_start3A_15 : memref<49152x128xf32, #tpu.memory_space<hbm>>) target(%arg9 : memref<128x128xf32, #tpu.memory_space<vmem>>) offsets(%dma_start3A_12 : memref<128xi32, #tpu.memory_space<vmem>>) semaphore(%arg11 : memref<!tpu.dma_semaphore, #tpu.memory_space<semaphore_mem>>)
    %dma_wait3A = arith.constant 0 : i32
    %dma_wait3A_16 = arith.constant 0 : i32
    %dma_wait3A_17 = tpu.memref_slice %arg7[%dma_wait3A, %dma_wait3A_16] : memref<8x128xi32, #tpu.memory_space<vmem>> -> memref<1x128xi32, #tpu.memory_space<vmem>>
    %dma_wait3A_18 = tpu.memref_squeeze %dma_wait3A_17 : memref<1x128xi32, #tpu.memory_space<vmem>> -> memref<128xi32, #tpu.memory_space<vmem>>
    %dma_wait3A_19 = arith.constant 0 : i32
    %dma_wait3A_20 = arith.constant 0 : i32
    %dma_wait3A_21 = tpu.memref_slice %arg2[%dma_wait3A_19, %dma_wait3A_20] : memref<49152x128xf32, #tpu.memory_space<hbm>> -> memref<49152x128xf32, #tpu.memory_space<hbm>>
    tpu.wait_indirect_dma semaphore(%arg10 : memref<!tpu.dma_semaphore, #tpu.memory_space<semaphore_mem>>) src(%dma_wait3A_21 : memref<49152x128xf32, #tpu.memory_space<hbm>>) dst(%arg8 : memref<128x128xf32, #tpu.memory_space<vmem>>)
    %dma_wait3A_22 = arith.constant 0 : i32
    %dma_wait3A_23 = arith.constant 0 : i32
    %dma_wait3A_24 = tpu.memref_slice %arg7[%dma_wait3A_22, %dma_wait3A_23] : memref<8x128xi32, #tpu.memory_space<vmem>> -> memref<1x128xi32, #tpu.memory_space<vmem>>
    %dma_wait3A_25 = tpu.memref_squeeze %dma_wait3A_24 : memref<1x128xi32, #tpu.memory_space<vmem>> -> memref<128xi32, #tpu.memory_space<vmem>>
    %dma_wait3A_26 = arith.constant 0 : i32
    %dma_wait3A_27 = arith.constant 0 : i32
    %dma_wait3A_28 = tpu.memref_slice %arg3[%dma_wait3A_26, %dma_wait3A_27] : memref<49152x128xf32, #tpu.memory_space<hbm>> -> memref<49152x128xf32, #tpu.memory_space<hbm>>
    tpu.wait_indirect_dma semaphore(%arg11 : memref<!tpu.dma_semaphore, #tpu.memory_space<semaphore_mem>>) src(%dma_wait3A_28 : memref<49152x128xf32, #tpu.memory_space<hbm>>) dst(%arg9 : memref<128x128xf32, #tpu.memory_space<vmem>>)
    %add3A_29 = arith.constant 0 : i32
    %add3A_30 = arith.addi %mul3A_2, %add3A_29 : i32
    "tpu.region"() ({
      %run_scoped3A = tpu.sem_alloc : memref<!tpu.dma_semaphore, #tpu.memory_space<semaphore_mem>>
      %dma_start3A_257 = arith.constant 0 : i32
      %dma_start3A_258 = tpu.memref_slice %arg5[%add3A_30, %dma_start3A_257] : memref<32768x128xf32, #tpu.memory_space<hbm>> -> memref<128x128xf32, #tpu.memory_space<hbm>>
      %dma_start3A_259 = arith.constant 0 : i32
      %dma_start3A_260 = tpu.memref_slice %arg5[%add3A_30, %dma_start3A_259] : memref<32768x128xf32, #tpu.memory_space<hbm>> -> memref<128x128xf32, #tpu.memory_space<hbm>>
      tpu.enqueue_dma source(%arg8 : memref<128x128xf32, #tpu.memory_space<vmem>>) target(%dma_start3A_260 : memref<128x128xf32, #tpu.memory_space<hbm>>) target_semaphore(%run_scoped3A : memref<!tpu.dma_semaphore, #tpu.memory_space<semaphore_mem>>)
      %dma_wait3A_261 = arith.constant 0 : i32
      %dma_wait3A_262 = tpu.memref_slice %arg5[%add3A_30, %dma_wait3A_261] : memref<32768x128xf32, #tpu.memory_space<hbm>> -> memref<128x128xf32, #tpu.memory_space<hbm>>
      %dma_wait3A_263 = arith.constant 0 : i32
      %dma_wait3A_264 = tpu.memref_slice %arg5[%add3A_30, %dma_wait3A_263] : memref<32768x128xf32, #tpu.memory_space<hbm>> -> memref<128x128xf32, #tpu.memory_space<hbm>>
      tpu.wait_dma2 semaphore(%run_scoped3A : memref<!tpu.dma_semaphore, #tpu.memory_space<semaphore_mem>>) src(%arg8 : memref<128x128xf32, #tpu.memory_space<vmem>>) dst(%dma_wait3A_264 : memref<128x128xf32, #tpu.memory_space<hbm>>)
      tpu.yield
    }) : () -> ()
    %add3A_31 = arith.constant 0 : i32
    %add3A_32 = arith.addi %mul3A_2, %add3A_31 : i32
    "tpu.region"() ({
      %run_scoped3A = tpu.sem_alloc : memref<!tpu.dma_semaphore, #tpu.memory_space<semaphore_mem>>
      %dma_start3A_257 = arith.constant 0 : i32
      %dma_start3A_258 = tpu.memref_slice %arg6[%add3A_32, %dma_start3A_257] : memref<32768x128xf32, #tpu.memory_space<hbm>> -> memref<128x128xf32, #tpu.memory_space<hbm>>
      %dma_start3A_259 = arith.constant 0 : i32
      %dma_start3A_260 = tpu.memref_slice %arg6[%add3A_32, %dma_start3A_259] : memref<32768x128xf32, #tpu.memory_space<hbm>> -> memref<128x128xf32, #tpu.memory_space<hbm>>
      tpu.enqueue_dma source(%arg9 : memref<128x128xf32, #tpu.memory_space<vmem>>) target(%dma_start3A_260 : memref<128x128xf32, #tpu.memory_space<hbm>>) target_semaphore(%run_scoped3A : memref<!tpu.dma_semaphore, #tpu.memory_space<semaphore_mem>>)
      %dma_wait3A_261 = arith.constant 0 : i32
      %dma_wait3A_262 = tpu.memref_slice %arg6[%add3A_32, %dma_wait3A_261] : memref<32768x128xf32, #tpu.memory_space<hbm>> -> memref<128x128xf32, #tpu.memory_space<hbm>>
      %dma_wait3A_263 = arith.constant 0 : i32
      %dma_wait3A_264 = tpu.memref_slice %arg6[%add3A_32, %dma_wait3A_263] : memref<32768x128xf32, #tpu.memory_space<hbm>> -> memref<128x128xf32, #tpu.memory_space<hbm>>
      tpu.wait_dma2 semaphore(%run_scoped3A : memref<!tpu.dma_semaphore, #tpu.memory_space<semaphore_mem>>) src(%arg9 : memref<128x128xf32, #tpu.memory_space<vmem>>) dst(%dma_wait3A_264 : memref<128x128xf32, #tpu.memory_space<hbm>>)
      tpu.yield
    }) : () -> ()
    %dma_start3A_33 = arith.constant 1 : i32
    %dma_start3A_34 = arith.constant 0 : i32
    %dma_start3A_35 = tpu.memref_slice %arg7[%dma_start3A_33, %dma_start3A_34] : memref<8x128xi32, #tpu.memory_space<vmem>> -> memref<1x128xi32, #tpu.memory_space<vmem>>
    %dma_start3A_36 = tpu.memref_squeeze %dma_start3A_35 : memref<1x128xi32, #tpu.memory_space<vmem>> -> memref<128xi32, #tpu.memory_space<vmem>>
    %dma_start3A_37 = arith.constant 0 : i32
    %dma_start3A_38 = arith.constant 0 : i32
    %dma_start3A_39 = tpu.memref_slice %arg2[%dma_start3A_37, %dma_start3A_38] : memref<49152x128xf32, #tpu.memory_space<hbm>> -> memref<49152x128xf32, #tpu.memory_space<hbm>>
    tpu.enqueue_indirect_dma source(%dma_start3A_39 : memref<49152x128xf32, #tpu.memory_space<hbm>>) target(%arg8 : memref<128x128xf32, #tpu.memory_space<vmem>>) offsets(%dma_start3A_36 : memref<128xi32, #tpu.memory_space<vmem>>) semaphore(%arg10 : memref<!tpu.dma_semaphore, #tpu.memory_space<semaphore_mem>>)
    %dma_start3A_40 = arith.constant 1 : i32
    %dma_start3A_41 = arith.constant 0 : i32
    %dma_start3A_42 = tpu.memref_slice %arg7[%dma_start3A_40, %dma_start3A_41] : memref<8x128xi32, #tpu.memory_space<vmem>> -> memref<1x128xi32, #tpu.memory_space<vmem>>
    %dma_start3A_43 = tpu.memref_squeeze %dma_start3A_42 : memref<1x128xi32, #tpu.memory_space<vmem>> -> memref<128xi32, #tpu.memory_space<vmem>>
    %dma_start3A_44 = arith.constant 0 : i32
    %dma_start3A_45 = arith.constant 0 : i32
    %dma_start3A_46 = tpu.memref_slice %arg3[%dma_start3A_44, %dma_start3A_45] : memref<49152x128xf32, #tpu.memory_space<hbm>> -> memref<49152x128xf32, #tpu.memory_space<hbm>>
    tpu.enqueue_indirect_dma source(%dma_start3A_46 : memref<49152x128xf32, #tpu.memory_space<hbm>>) target(%arg9 : memref<128x128xf32, #tpu.memory_space<vmem>>) offsets(%dma_start3A_43 : memref<128xi32, #tpu.memory_space<vmem>>) semaphore(%arg11 : memref<!tpu.dma_semaphore, #tpu.memory_space<semaphore_mem>>)
    %dma_wait3A_47 = arith.constant 1 : i32
    %dma_wait3A_48 = arith.constant 0 : i32
    %dma_wait3A_49 = tpu.memref_slice %arg7[%dma_wait3A_47, %dma_wait3A_48] : memref<8x128xi32, #tpu.memory_space<vmem>> -> memref<1x128xi32, #tpu.memory_space<vmem>>
    %dma_wait3A_50 = tpu.memref_squeeze %dma_wait3A_49 : memref<1x128xi32, #tpu.memory_space<vmem>> -> memref<128xi32, #tpu.memory_space<vmem>>
    %dma_wait3A_51 = arith.constant 0 : i32
    %dma_wait3A_52 = arith.constant 0 : i32
    %dma_wait3A_53 = tpu.memref_slice %arg2[%dma_wait3A_51, %dma_wait3A_52] : memref<49152x128xf32, #tpu.memory_space<hbm>> -> memref<49152x128xf32, #tpu.memory_space<hbm>>
    tpu.wait_indirect_dma semaphore(%arg10 : memref<!tpu.dma_semaphore, #tpu.memory_space<semaphore_mem>>) src(%dma_wait3A_53 : memref<49152x128xf32, #tpu.memory_space<hbm>>) dst(%arg8 : memref<128x128xf32, #tpu.memory_space<vmem>>)
    %dma_wait3A_54 = arith.constant 1 : i32
    %dma_wait3A_55 = arith.constant 0 : i32
    %dma_wait3A_56 = tpu.memref_slice %arg7[%dma_wait3A_54, %dma_wait3A_55] : memref<8x128xi32, #tpu.memory_space<vmem>> -> memref<1x128xi32, #tpu.memory_space<vmem>>
    %dma_wait3A_57 = tpu.memref_squeeze %dma_wait3A_56 : memref<1x128xi32, #tpu.memory_space<vmem>> -> memref<128xi32, #tpu.memory_space<vmem>>
    %dma_wait3A_58 = arith.constant 0 : i32
    %dma_wait3A_59 = arith.constant 0 : i32
    %dma_wait3A_60 = tpu.memref_slice %arg3[%dma_wait3A_58, %dma_wait3A_59] : memref<49152x128xf32, #tpu.memory_space<hbm>> -> memref<49152x128xf32, #tpu.memory_space<hbm>>
    tpu.wait_indirect_dma semaphore(%arg11 : memref<!tpu.dma_semaphore, #tpu.memory_space<semaphore_mem>>) src(%dma_wait3A_60 : memref<49152x128xf32, #tpu.memory_space<hbm>>) dst(%arg9 : memref<128x128xf32, #tpu.memory_space<vmem>>)
    %add3A_61 = arith.constant 128 : i32
    %add3A_62 = arith.addi %mul3A_2, %add3A_61 : i32
    "tpu.region"() ({
      %run_scoped3A = tpu.sem_alloc : memref<!tpu.dma_semaphore, #tpu.memory_space<semaphore_mem>>
      %dma_start3A_257 = arith.constant 0 : i32
      %dma_start3A_258 = tpu.memref_slice %arg5[%add3A_62, %dma_start3A_257] : memref<32768x128xf32, #tpu.memory_space<hbm>> -> memref<128x128xf32, #tpu.memory_space<hbm>>
      %dma_start3A_259 = arith.constant 0 : i32
      %dma_start3A_260 = tpu.memref_slice %arg5[%add3A_62, %dma_start3A_259] : memref<32768x128xf32, #tpu.memory_space<hbm>> -> memref<128x128xf32, #tpu.memory_space<hbm>>
      tpu.enqueue_dma source(%arg8 : memref<128x128xf32, #tpu.memory_space<vmem>>) target(%dma_start3A_260 : memref<128x128xf32, #tpu.memory_space<hbm>>) target_semaphore(%run_scoped3A : memref<!tpu.dma_semaphore, #tpu.memory_space<semaphore_mem>>)
      %dma_wait3A_261 = arith.constant 0 : i32
      %dma_wait3A_262 = tpu.memref_slice %arg5[%add3A_62, %dma_wait3A_261] : memref<32768x128xf32, #tpu.memory_space<hbm>> -> memref<128x128xf32, #tpu.memory_space<hbm>>
      %dma_wait3A_263 = arith.constant 0 : i32
      %dma_wait3A_264 = tpu.memref_slice %arg5[%add3A_62, %dma_wait3A_263] : memref<32768x128xf32, #tpu.memory_space<hbm>> -> memref<128x128xf32, #tpu.memory_space<hbm>>
      tpu.wait_dma2 semaphore(%run_scoped3A : memref<!tpu.dma_semaphore, #tpu.memory_space<semaphore_mem>>) src(%arg8 : memref<128x128xf32, #tpu.memory_space<vmem>>) dst(%dma_wait3A_264 : memref<128x128xf32, #tpu.memory_space<hbm>>)
      tpu.yield
    }) : () -> ()
    %add3A_63 = arith.constant 128 : i32
    %add3A_64 = arith.addi %mul3A_2, %add3A_63 : i32
    "tpu.region"() ({
      %run_scoped3A = tpu.sem_alloc : memref<!tpu.dma_semaphore, #tpu.memory_space<semaphore_mem>>
      %dma_start3A_257 = arith.constant 0 : i32
      %dma_start3A_258 = tpu.memref_slice %arg6[%add3A_64, %dma_start3A_257] : memref<32768x128xf32, #tpu.memory_space<hbm>> -> memref<128x128xf32, #tpu.memory_space<hbm>>
      %dma_start3A_259 = arith.constant 0 : i32
      %dma_start3A_260 = tpu.memref_slice %arg6[%add3A_64, %dma_start3A_259] : memref<32768x128xf32, #tpu.memory_space<hbm>> -> memref<128x128xf32, #tpu.memory_space<hbm>>
      tpu.enqueue_dma source(%arg9 : memref<128x128xf32, #tpu.memory_space<vmem>>) target(%dma_start3A_260 : memref<128x128xf32, #tpu.memory_space<hbm>>) target_semaphore(%run_scoped3A : memref<!tpu.dma_semaphore, #tpu.memory_space<semaphore_mem>>)
      %dma_wait3A_261 = arith.constant 0 : i32
      %dma_wait3A_262 = tpu.memref_slice %arg6[%add3A_64, %dma_wait3A_261] : memref<32768x128xf32, #tpu.memory_space<hbm>> -> memref<128x128xf32, #tpu.memory_space<hbm>>
      %dma_wait3A_263 = arith.constant 0 : i32
      %dma_wait3A_264 = tpu.memref_slice %arg6[%add3A_64, %dma_wait3A_263] : memref<32768x128xf32, #tpu.memory_space<hbm>> -> memref<128x128xf32, #tpu.memory_space<hbm>>
      tpu.wait_dma2 semaphore(%run_scoped3A : memref<!tpu.dma_semaphore, #tpu.memory_space<semaphore_mem>>) src(%arg9 : memref<128x128xf32, #tpu.memory_space<vmem>>) dst(%dma_wait3A_264 : memref<128x128xf32, #tpu.memory_space<hbm>>)
      tpu.yield
    }) : () -> ()
    %dma_start3A_65 = arith.constant 2 : i32
    %dma_start3A_66 = arith.constant 0 : i32
    %dma_start3A_67 = tpu.memref_slice %arg7[%dma_start3A_65, %dma_start3A_66] : memref<8x128xi32, #tpu.memory_space<vmem>> -> memref<1x128xi32, #tpu.memory_space<vmem>>
    %dma_start3A_68 = tpu.memref_squeeze %dma_start3A_67 : memref<1x128xi32, #tpu.memory_space<vmem>> -> memref<128xi32, #tpu.memory_space<vmem>>
    %dma_start3A_69 = arith.constant 0 : i32
    %dma_start3A_70 = arith.constant 0 : i32
    %dma_start3A_71 = tpu.memref_slice %arg2[%dma_start3A_69, %dma_start3A_70] : memref<49152x128xf32, #tpu.memory_space<hbm>> -> memref<49152x128xf32, #tpu.memory_space<hbm>>
    tpu.enqueue_indirect_dma source(%dma_start3A_71 : memref<49152x128xf32, #tpu.memory_space<hbm>>) target(%arg8 : memref<128x128xf32, #tpu.memory_space<vmem>>) offsets(%dma_start3A_68 : memref<128xi32, #tpu.memory_space<vmem>>) semaphore(%arg10 : memref<!tpu.dma_semaphore, #tpu.memory_space<semaphore_mem>>)
    %dma_start3A_72 = arith.constant 2 : i32
    %dma_start3A_73 = arith.constant 0 : i32
    %dma_start3A_74 = tpu.memref_slice %arg7[%dma_start3A_72, %dma_start3A_73] : memref<8x128xi32, #tpu.memory_space<vmem>> -> memref<1x128xi32, #tpu.memory_space<vmem>>
    %dma_start3A_75 = tpu.memref_squeeze %dma_start3A_74 : memref<1x128xi32, #tpu.memory_space<vmem>> -> memref<128xi32, #tpu.memory_space<vmem>>
    %dma_start3A_76 = arith.constant 0 : i32
    %dma_start3A_77 = arith.constant 0 : i32
    %dma_start3A_78 = tpu.memref_slice %arg3[%dma_start3A_76, %dma_start3A_77] : memref<49152x128xf32, #tpu.memory_space<hbm>> -> memref<49152x128xf32, #tpu.memory_space<hbm>>
    tpu.enqueue_indirect_dma source(%dma_start3A_78 : memref<49152x128xf32, #tpu.memory_space<hbm>>) target(%arg9 : memref<128x128xf32, #tpu.memory_space<vmem>>) offsets(%dma_start3A_75 : memref<128xi32, #tpu.memory_space<vmem>>) semaphore(%arg11 : memref<!tpu.dma_semaphore, #tpu.memory_space<semaphore_mem>>)
    %dma_wait3A_79 = arith.constant 2 : i32
    %dma_wait3A_80 = arith.constant 0 : i32
    %dma_wait3A_81 = tpu.memref_slice %arg7[%dma_wait3A_79, %dma_wait3A_80] : memref<8x128xi32, #tpu.memory_space<vmem>> -> memref<1x128xi32, #tpu.memory_space<vmem>>
    %dma_wait3A_82 = tpu.memref_squeeze %dma_wait3A_81 : memref<1x128xi32, #tpu.memory_space<vmem>> -> memref<128xi32, #tpu.memory_space<vmem>>
    %dma_wait3A_83 = arith.constant 0 : i32
    %dma_wait3A_84 = arith.constant 0 : i32
    %dma_wait3A_85 = tpu.memref_slice %arg2[%dma_wait3A_83, %dma_wait3A_84] : memref<49152x128xf32, #tpu.memory_space<hbm>> -> memref<49152x128xf32, #tpu.memory_space<hbm>>
    tpu.wait_indirect_dma semaphore(%arg10 : memref<!tpu.dma_semaphore, #tpu.memory_space<semaphore_mem>>) src(%dma_wait3A_85 : memref<49152x128xf32, #tpu.memory_space<hbm>>) dst(%arg8 : memref<128x128xf32, #tpu.memory_space<vmem>>)
    %dma_wait3A_86 = arith.constant 2 : i32
    %dma_wait3A_87 = arith.constant 0 : i32
    %dma_wait3A_88 = tpu.memref_slice %arg7[%dma_wait3A_86, %dma_wait3A_87] : memref<8x128xi32, #tpu.memory_space<vmem>> -> memref<1x128xi32, #tpu.memory_space<vmem>>
    %dma_wait3A_89 = tpu.memref_squeeze %dma_wait3A_88 : memref<1x128xi32, #tpu.memory_space<vmem>> -> memref<128xi32, #tpu.memory_space<vmem>>
    %dma_wait3A_90 = arith.constant 0 : i32
    %dma_wait3A_91 = arith.constant 0 : i32
    %dma_wait3A_92 = tpu.memref_slice %arg3[%dma_wait3A_90, %dma_wait3A_91] : memref<49152x128xf32, #tpu.memory_space<hbm>> -> memref<49152x128xf32, #tpu.memory_space<hbm>>
    tpu.wait_indirect_dma semaphore(%arg11 : memref<!tpu.dma_semaphore, #tpu.memory_space<semaphore_mem>>) src(%dma_wait3A_92 : memref<49152x128xf32, #tpu.memory_space<hbm>>) dst(%arg9 : memref<128x128xf32, #tpu.memory_space<vmem>>)
    %add3A_93 = arith.constant 256 : i32
    %add3A_94 = arith.addi %mul3A_2, %add3A_93 : i32
    "tpu.region"() ({
      %run_scoped3A = tpu.sem_alloc : memref<!tpu.dma_semaphore, #tpu.memory_space<semaphore_mem>>
      %dma_start3A_257 = arith.constant 0 : i32
      %dma_start3A_258 = tpu.memref_slice %arg5[%add3A_94, %dma_start3A_257] : memref<32768x128xf32, #tpu.memory_space<hbm>> -> memref<128x128xf32, #tpu.memory_space<hbm>>
      %dma_start3A_259 = arith.constant 0 : i32
      %dma_start3A_260 = tpu.memref_slice %arg5[%add3A_94, %dma_start3A_259] : memref<32768x128xf32, #tpu.memory_space<hbm>> -> memref<128x128xf32, #tpu.memory_space<hbm>>
      tpu.enqueue_dma source(%arg8 : memref<128x128xf32, #tpu.memory_space<vmem>>) target(%dma_start3A_260 : memref<128x128xf32, #tpu.memory_space<hbm>>) target_semaphore(%run_scoped3A : memref<!tpu.dma_semaphore, #tpu.memory_space<semaphore_mem>>)
      %dma_wait3A_261 = arith.constant 0 : i32
      %dma_wait3A_262 = tpu.memref_slice %arg5[%add3A_94, %dma_wait3A_261] : memref<32768x128xf32, #tpu.memory_space<hbm>> -> memref<128x128xf32, #tpu.memory_space<hbm>>
      %dma_wait3A_263 = arith.constant 0 : i32
      %dma_wait3A_264 = tpu.memref_slice %arg5[%add3A_94, %dma_wait3A_263] : memref<32768x128xf32, #tpu.memory_space<hbm>> -> memref<128x128xf32, #tpu.memory_space<hbm>>
      tpu.wait_dma2 semaphore(%run_scoped3A : memref<!tpu.dma_semaphore, #tpu.memory_space<semaphore_mem>>) src(%arg8 : memref<128x128xf32, #tpu.memory_space<vmem>>) dst(%dma_wait3A_264 : memref<128x128xf32, #tpu.memory_space<hbm>>)
      tpu.yield
    }) : () -> ()
    %add3A_95 = arith.constant 256 : i32
    %add3A_96 = arith.addi %mul3A_2, %add3A_95 : i32
    "tpu.region"() ({
      %run_scoped3A = tpu.sem_alloc : memref<!tpu.dma_semaphore, #tpu.memory_space<semaphore_mem>>
      %dma_start3A_257 = arith.constant 0 : i32
      %dma_start3A_258 = tpu.memref_slice %arg6[%add3A_96, %dma_start3A_257] : memref<32768x128xf32, #tpu.memory_space<hbm>> -> memref<128x128xf32, #tpu.memory_space<hbm>>
      %dma_start3A_259 = arith.constant 0 : i32
      %dma_start3A_260 = tpu.memref_slice %arg6[%add3A_96, %dma_start3A_259] : memref<32768x128xf32, #tpu.memory_space<hbm>> -> memref<128x128xf32, #tpu.memory_space<hbm>>
      tpu.enqueue_dma source(%arg9 : memref<128x128xf32, #tpu.memory_space<vmem>>) target(%dma_start3A_260 : memref<128x128xf32, #tpu.memory_space<hbm>>) target_semaphore(%run_scoped3A : memref<!tpu.dma_semaphore, #tpu.memory_space<semaphore_mem>>)
      %dma_wait3A_261 = arith.constant 0 : i32
      %dma_wait3A_262 = tpu.memref_slice %arg6[%add3A_96, %dma_wait3A_261] : memref<32768x128xf32, #tpu.memory_space<hbm>> -> memref<128x128xf32, #tpu.memory_space<hbm>>
      %dma_wait3A_263 = arith.constant 0 : i32
      %dma_wait3A_264 = tpu.memref_slice %arg6[%add3A_96, %dma_wait3A_263] : memref<32768x128xf32, #tpu.memory_space<hbm>> -> memref<128x128xf32, #tpu.memory_space<hbm>>
      tpu.wait_dma2 semaphore(%run_scoped3A : memref<!tpu.dma_semaphore, #tpu.memory_space<semaphore_mem>>) src(%arg9 : memref<128x128xf32, #tpu.memory_space<vmem>>) dst(%dma_wait3A_264 : memref<128x128xf32, #tpu.memory_space<hbm>>)
      tpu.yield
    }) : () -> ()
    %dma_start3A_97 = arith.constant 3 : i32
    %dma_start3A_98 = arith.constant 0 : i32
    %dma_start3A_99 = tpu.memref_slice %arg7[%dma_start3A_97, %dma_start3A_98] : memref<8x128xi32, #tpu.memory_space<vmem>> -> memref<1x128xi32, #tpu.memory_space<vmem>>
    %dma_start3A_100 = tpu.memref_squeeze %dma_start3A_99 : memref<1x128xi32, #tpu.memory_space<vmem>> -> memref<128xi32, #tpu.memory_space<vmem>>
    %dma_start3A_101 = arith.constant 0 : i32
    %dma_start3A_102 = arith.constant 0 : i32
    %dma_start3A_103 = tpu.memref_slice %arg2[%dma_start3A_101, %dma_start3A_102] : memref<49152x128xf32, #tpu.memory_space<hbm>> -> memref<49152x128xf32, #tpu.memory_space<hbm>>
    tpu.enqueue_indirect_dma source(%dma_start3A_103 : memref<49152x128xf32, #tpu.memory_space<hbm>>) target(%arg8 : memref<128x128xf32, #tpu.memory_space<vmem>>) offsets(%dma_start3A_100 : memref<128xi32, #tpu.memory_space<vmem>>) semaphore(%arg10 : memref<!tpu.dma_semaphore, #tpu.memory_space<semaphore_mem>>)
    %dma_start3A_104 = arith.constant 3 : i32
    %dma_start3A_105 = arith.constant 0 : i32
    %dma_start3A_106 = tpu.memref_slice %arg7[%dma_start3A_104, %dma_start3A_105] : memref<8x128xi32, #tpu.memory_space<vmem>> -> memref<1x128xi32, #tpu.memory_space<vmem>>
    %dma_start3A_107 = tpu.memref_squeeze %dma_start3A_106 : memref<1x128xi32, #tpu.memory_space<vmem>> -> memref<128xi32, #tpu.memory_space<vmem>>
    %dma_start3A_108 = arith.constant 0 : i32
    %dma_start3A_109 = arith.constant 0 : i32
    %dma_start3A_110 = tpu.memref_slice %arg3[%dma_start3A_108, %dma_start3A_109] : memref<49152x128xf32, #tpu.memory_space<hbm>> -> memref<49152x128xf32, #tpu.memory_space<hbm>>
    tpu.enqueue_indirect_dma source(%dma_start3A_110 : memref<49152x128xf32, #tpu.memory_space<hbm>>) target(%arg9 : memref<128x128xf32, #tpu.memory_space<vmem>>) offsets(%dma_start3A_107 : memref<128xi32, #tpu.memory_space<vmem>>) semaphore(%arg11 : memref<!tpu.dma_semaphore, #tpu.memory_space<semaphore_mem>>)
    %dma_wait3A_111 = arith.constant 3 : i32
    %dma_wait3A_112 = arith.constant 0 : i32
    %dma_wait3A_113 = tpu.memref_slice %arg7[%dma_wait3A_111, %dma_wait3A_112] : memref<8x128xi32, #tpu.memory_space<vmem>> -> memref<1x128xi32, #tpu.memory_space<vmem>>
    %dma_wait3A_114 = tpu.memref_squeeze %dma_wait3A_113 : memref<1x128xi32, #tpu.memory_space<vmem>> -> memref<128xi32, #tpu.memory_space<vmem>>
    %dma_wait3A_115 = arith.constant 0 : i32
    %dma_wait3A_116 = arith.constant 0 : i32
    %dma_wait3A_117 = tpu.memref_slice %arg2[%dma_wait3A_115, %dma_wait3A_116] : memref<49152x128xf32, #tpu.memory_space<hbm>> -> memref<49152x128xf32, #tpu.memory_space<hbm>>
    tpu.wait_indirect_dma semaphore(%arg10 : memref<!tpu.dma_semaphore, #tpu.memory_space<semaphore_mem>>) src(%dma_wait3A_117 : memref<49152x128xf32, #tpu.memory_space<hbm>>) dst(%arg8 : memref<128x128xf32, #tpu.memory_space<vmem>>)
    %dma_wait3A_118 = arith.constant 3 : i32
    %dma_wait3A_119 = arith.constant 0 : i32
    %dma_wait3A_120 = tpu.memref_slice %arg7[%dma_wait3A_118, %dma_wait3A_119] : memref<8x128xi32, #tpu.memory_space<vmem>> -> memref<1x128xi32, #tpu.memory_space<vmem>>
    %dma_wait3A_121 = tpu.memref_squeeze %dma_wait3A_120 : memref<1x128xi32, #tpu.memory_space<vmem>> -> memref<128xi32, #tpu.memory_space<vmem>>
    %dma_wait3A_122 = arith.constant 0 : i32
    %dma_wait3A_123 = arith.constant 0 : i32
    %dma_wait3A_124 = tpu.memref_slice %arg3[%dma_wait3A_122, %dma_wait3A_123] : memref<49152x128xf32, #tpu.memory_space<hbm>> -> memref<49152x128xf32, #tpu.memory_space<hbm>>
    tpu.wait_indirect_dma semaphore(%arg11 : memref<!tpu.dma_semaphore, #tpu.memory_space<semaphore_mem>>) src(%dma_wait3A_124 : memref<49152x128xf32, #tpu.memory_space<hbm>>) dst(%arg9 : memref<128x128xf32, #tpu.memory_space<vmem>>)
    %add3A_125 = arith.constant 384 : i32
    %add3A_126 = arith.addi %mul3A_2, %add3A_125 : i32
    "tpu.region"() ({
      %run_scoped3A = tpu.sem_alloc : memref<!tpu.dma_semaphore, #tpu.memory_space<semaphore_mem>>
      %dma_start3A_257 = arith.constant 0 : i32
      %dma_start3A_258 = tpu.memref_slice %arg5[%add3A_126, %dma_start3A_257] : memref<32768x128xf32, #tpu.memory_space<hbm>> -> memref<128x128xf32, #tpu.memory_space<hbm>>
      %dma_start3A_259 = arith.constant 0 : i32
      %dma_start3A_260 = tpu.memref_slice %arg5[%add3A_126, %dma_start3A_259] : memref<32768x128xf32, #tpu.memory_space<hbm>> -> memref<128x128xf32, #tpu.memory_space<hbm>>
      tpu.enqueue_dma source(%arg8 : memref<128x128xf32, #tpu.memory_space<vmem>>) target(%dma_start3A_260 : memref<128x128xf32, #tpu.memory_space<hbm>>) target_semaphore(%run_scoped3A : memref<!tpu.dma_semaphore, #tpu.memory_space<semaphore_mem>>)
      %dma_wait3A_261 = arith.constant 0 : i32
      %dma_wait3A_262 = tpu.memref_slice %arg5[%add3A_126, %dma_wait3A_261] : memref<32768x128xf32, #tpu.memory_space<hbm>> -> memref<128x128xf32, #tpu.memory_space<hbm>>
      %dma_wait3A_263 = arith.constant 0 : i32
      %dma_wait3A_264 = tpu.memref_slice %arg5[%add3A_126, %dma_wait3A_263] : memref<32768x128xf32, #tpu.memory_space<hbm>> -> memref<128x128xf32, #tpu.memory_space<hbm>>
      tpu.wait_dma2 semaphore(%run_scoped3A : memref<!tpu.dma_semaphore, #tpu.memory_space<semaphore_mem>>) src(%arg8 : memref<128x128xf32, #tpu.memory_space<vmem>>) dst(%dma_wait3A_264 : memref<128x128xf32, #tpu.memory_space<hbm>>)
      tpu.yield
    }) : () -> ()
    %add3A_127 = arith.constant 384 : i32
    %add3A_128 = arith.addi %mul3A_2, %add3A_127 : i32
    "tpu.region"() ({
      %run_scoped3A = tpu.sem_alloc : memref<!tpu.dma_semaphore, #tpu.memory_space<semaphore_mem>>
      %dma_start3A_257 = arith.constant 0 : i32
      %dma_start3A_258 = tpu.memref_slice %arg6[%add3A_128, %dma_start3A_257] : memref<32768x128xf32, #tpu.memory_space<hbm>> -> memref<128x128xf32, #tpu.memory_space<hbm>>
      %dma_start3A_259 = arith.constant 0 : i32
      %dma_start3A_260 = tpu.memref_slice %arg6[%add3A_128, %dma_start3A_259] : memref<32768x128xf32, #tpu.memory_space<hbm>> -> memref<128x128xf32, #tpu.memory_space<hbm>>
      tpu.enqueue_dma source(%arg9 : memref<128x128xf32, #tpu.memory_space<vmem>>) target(%dma_start3A_260 : memref<128x128xf32, #tpu.memory_space<hbm>>) target_semaphore(%run_scoped3A : memref<!tpu.dma_semaphore, #tpu.memory_space<semaphore_mem>>)
      %dma_wait3A_261 = arith.constant 0 : i32
      %dma_wait3A_262 = tpu.memref_slice %arg6[%add3A_128, %dma_wait3A_261] : memref<32768x128xf32, #tpu.memory_space<hbm>> -> memref<128x128xf32, #tpu.memory_space<hbm>>
      %dma_wait3A_263 = arith.constant 0 : i32
      %dma_wait3A_264 = tpu.memref_slice %arg6[%add3A_128, %dma_wait3A_263] : memref<32768x128xf32, #tpu.memory_space<hbm>> -> memref<128x128xf32, #tpu.memory_space<hbm>>
      tpu.wait_dma2 semaphore(%run_scoped3A : memref<!tpu.dma_semaphore, #tpu.memory_space<semaphore_mem>>) src(%arg9 : memref<128x128xf32, #tpu.memory_space<vmem>>) dst(%dma_wait3A_264 : memref<128x128xf32, #tpu.memory_space<hbm>>)
      tpu.yield
    }) : () -> ()
    %dma_start3A_129 = arith.constant 4 : i32
    %dma_start3A_130 = arith.constant 0 : i32
    %dma_start3A_131 = tpu.memref_slice %arg7[%dma_start3A_129, %dma_start3A_130] : memref<8x128xi32, #tpu.memory_space<vmem>> -> memref<1x128xi32, #tpu.memory_space<vmem>>
    %dma_start3A_132 = tpu.memref_squeeze %dma_start3A_131 : memref<1x128xi32, #tpu.memory_space<vmem>> -> memref<128xi32, #tpu.memory_space<vmem>>
    %dma_start3A_133 = arith.constant 0 : i32
    %dma_start3A_134 = arith.constant 0 : i32
    %dma_start3A_135 = tpu.memref_slice %arg2[%dma_start3A_133, %dma_start3A_134] : memref<49152x128xf32, #tpu.memory_space<hbm>> -> memref<49152x128xf32, #tpu.memory_space<hbm>>
    tpu.enqueue_indirect_dma source(%dma_start3A_135 : memref<49152x128xf32, #tpu.memory_space<hbm>>) target(%arg8 : memref<128x128xf32, #tpu.memory_space<vmem>>) offsets(%dma_start3A_132 : memref<128xi32, #tpu.memory_space<vmem>>) semaphore(%arg10 : memref<!tpu.dma_semaphore, #tpu.memory_space<semaphore_mem>>)
    %dma_start3A_136 = arith.constant 4 : i32
    %dma_start3A_137 = arith.constant 0 : i32
    %dma_start3A_138 = tpu.memref_slice %arg7[%dma_start3A_136, %dma_start3A_137] : memref<8x128xi32, #tpu.memory_space<vmem>> -> memref<1x128xi32, #tpu.memory_space<vmem>>
    %dma_start3A_139 = tpu.memref_squeeze %dma_start3A_138 : memref<1x128xi32, #tpu.memory_space<vmem>> -> memref<128xi32, #tpu.memory_space<vmem>>
    %dma_start3A_140 = arith.constant 0 : i32
    %dma_start3A_141 = arith.constant 0 : i32
    %dma_start3A_142 = tpu.memref_slice %arg3[%dma_start3A_140, %dma_start3A_141] : memref<49152x128xf32, #tpu.memory_space<hbm>> -> memref<49152x128xf32, #tpu.memory_space<hbm>>
    tpu.enqueue_indirect_dma source(%dma_start3A_142 : memref<49152x128xf32, #tpu.memory_space<hbm>>) target(%arg9 : memref<128x128xf32, #tpu.memory_space<vmem>>) offsets(%dma_start3A_139 : memref<128xi32, #tpu.memory_space<vmem>>) semaphore(%arg11 : memref<!tpu.dma_semaphore, #tpu.memory_space<semaphore_mem>>)
    %dma_wait3A_143 = arith.constant 4 : i32
    %dma_wait3A_144 = arith.constant 0 : i32
    %dma_wait3A_145 = tpu.memref_slice %arg7[%dma_wait3A_143, %dma_wait3A_144] : memref<8x128xi32, #tpu.memory_space<vmem>> -> memref<1x128xi32, #tpu.memory_space<vmem>>
    %dma_wait3A_146 = tpu.memref_squeeze %dma_wait3A_145 : memref<1x128xi32, #tpu.memory_space<vmem>> -> memref<128xi32, #tpu.memory_space<vmem>>
    %dma_wait3A_147 = arith.constant 0 : i32
    %dma_wait3A_148 = arith.constant 0 : i32
    %dma_wait3A_149 = tpu.memref_slice %arg2[%dma_wait3A_147, %dma_wait3A_148] : memref<49152x128xf32, #tpu.memory_space<hbm>> -> memref<49152x128xf32, #tpu.memory_space<hbm>>
    tpu.wait_indirect_dma semaphore(%arg10 : memref<!tpu.dma_semaphore, #tpu.memory_space<semaphore_mem>>) src(%dma_wait3A_149 : memref<49152x128xf32, #tpu.memory_space<hbm>>) dst(%arg8 : memref<128x128xf32, #tpu.memory_space<vmem>>)
    %dma_wait3A_150 = arith.constant 4 : i32
    %dma_wait3A_151 = arith.constant 0 : i32
    %dma_wait3A_152 = tpu.memref_slice %arg7[%dma_wait3A_150, %dma_wait3A_151] : memref<8x128xi32, #tpu.memory_space<vmem>> -> memref<1x128xi32, #tpu.memory_space<vmem>>
    %dma_wait3A_153 = tpu.memref_squeeze %dma_wait3A_152 : memref<1x128xi32, #tpu.memory_space<vmem>> -> memref<128xi32, #tpu.memory_space<vmem>>
    %dma_wait3A_154 = arith.constant 0 : i32
    %dma_wait3A_155 = arith.constant 0 : i32
    %dma_wait3A_156 = tpu.memref_slice %arg3[%dma_wait3A_154, %dma_wait3A_155] : memref<49152x128xf32, #tpu.memory_space<hbm>> -> memref<49152x128xf32, #tpu.memory_space<hbm>>
    tpu.wait_indirect_dma semaphore(%arg11 : memref<!tpu.dma_semaphore, #tpu.memory_space<semaphore_mem>>) src(%dma_wait3A_156 : memref<49152x128xf32, #tpu.memory_space<hbm>>) dst(%arg9 : memref<128x128xf32, #tpu.memory_space<vmem>>)
    %add3A_157 = arith.constant 512 : i32
    %add3A_158 = arith.addi %mul3A_2, %add3A_157 : i32
    "tpu.region"() ({
      %run_scoped3A = tpu.sem_alloc : memref<!tpu.dma_semaphore, #tpu.memory_space<semaphore_mem>>
      %dma_start3A_257 = arith.constant 0 : i32
      %dma_start3A_258 = tpu.memref_slice %arg5[%add3A_158, %dma_start3A_257] : memref<32768x128xf32, #tpu.memory_space<hbm>> -> memref<128x128xf32, #tpu.memory_space<hbm>>
      %dma_start3A_259 = arith.constant 0 : i32
      %dma_start3A_260 = tpu.memref_slice %arg5[%add3A_158, %dma_start3A_259] : memref<32768x128xf32, #tpu.memory_space<hbm>> -> memref<128x128xf32, #tpu.memory_space<hbm>>
      tpu.enqueue_dma source(%arg8 : memref<128x128xf32, #tpu.memory_space<vmem>>) target(%dma_start3A_260 : memref<128x128xf32, #tpu.memory_space<hbm>>) target_semaphore(%run_scoped3A : memref<!tpu.dma_semaphore, #tpu.memory_space<semaphore_mem>>)
      %dma_wait3A_261 = arith.constant 0 : i32
      %dma_wait3A_262 = tpu.memref_slice %arg5[%add3A_158, %dma_wait3A_261] : memref<32768x128xf32, #tpu.memory_space<hbm>> -> memref<128x128xf32, #tpu.memory_space<hbm>>
      %dma_wait3A_263 = arith.constant 0 : i32
      %dma_wait3A_264 = tpu.memref_slice %arg5[%add3A_158, %dma_wait3A_263] : memref<32768x128xf32, #tpu.memory_space<hbm>> -> memref<128x128xf32, #tpu.memory_space<hbm>>
      tpu.wait_dma2 semaphore(%run_scoped3A : memref<!tpu.dma_semaphore, #tpu.memory_space<semaphore_mem>>) src(%arg8 : memref<128x128xf32, #tpu.memory_space<vmem>>) dst(%dma_wait3A_264 : memref<128x128xf32, #tpu.memory_space<hbm>>)
      tpu.yield
    }) : () -> ()
    %add3A_159 = arith.constant 512 : i32
    %add3A_160 = arith.addi %mul3A_2, %add3A_159 : i32
    "tpu.region"() ({
      %run_scoped3A = tpu.sem_alloc : memref<!tpu.dma_semaphore, #tpu.memory_space<semaphore_mem>>
      %dma_start3A_257 = arith.constant 0 : i32
      %dma_start3A_258 = tpu.memref_slice %arg6[%add3A_160, %dma_start3A_257] : memref<32768x128xf32, #tpu.memory_space<hbm>> -> memref<128x128xf32, #tpu.memory_space<hbm>>
      %dma_start3A_259 = arith.constant 0 : i32
      %dma_start3A_260 = tpu.memref_slice %arg6[%add3A_160, %dma_start3A_259] : memref<32768x128xf32, #tpu.memory_space<hbm>> -> memref<128x128xf32, #tpu.memory_space<hbm>>
      tpu.enqueue_dma source(%arg9 : memref<128x128xf32, #tpu.memory_space<vmem>>) target(%dma_start3A_260 : memref<128x128xf32, #tpu.memory_space<hbm>>) target_semaphore(%run_scoped3A : memref<!tpu.dma_semaphore, #tpu.memory_space<semaphore_mem>>)
      %dma_wait3A_261 = arith.constant 0 : i32
      %dma_wait3A_262 = tpu.memref_slice %arg6[%add3A_160, %dma_wait3A_261] : memref<32768x128xf32, #tpu.memory_space<hbm>> -> memref<128x128xf32, #tpu.memory_space<hbm>>
      %dma_wait3A_263 = arith.constant 0 : i32
      %dma_wait3A_264 = tpu.memref_slice %arg6[%add3A_160, %dma_wait3A_263] : memref<32768x128xf32, #tpu.memory_space<hbm>> -> memref<128x128xf32, #tpu.memory_space<hbm>>
      tpu.wait_dma2 semaphore(%run_scoped3A : memref<!tpu.dma_semaphore, #tpu.memory_space<semaphore_mem>>) src(%arg9 : memref<128x128xf32, #tpu.memory_space<vmem>>) dst(%dma_wait3A_264 : memref<128x128xf32, #tpu.memory_space<hbm>>)
      tpu.yield
    }) : () -> ()
    %dma_start3A_161 = arith.constant 5 : i32
    %dma_start3A_162 = arith.constant 0 : i32
    %dma_start3A_163 = tpu.memref_slice %arg7[%dma_start3A_161, %dma_start3A_162] : memref<8x128xi32, #tpu.memory_space<vmem>> -> memref<1x128xi32, #tpu.memory_space<vmem>>
    %dma_start3A_164 = tpu.memref_squeeze %dma_start3A_163 : memref<1x128xi32, #tpu.memory_space<vmem>> -> memref<128xi32, #tpu.memory_space<vmem>>
    %dma_start3A_165 = arith.constant 0 : i32
    %dma_start3A_166 = arith.constant 0 : i32
    %dma_start3A_167 = tpu.memref_slice %arg2[%dma_start3A_165, %dma_start3A_166] : memref<49152x128xf32, #tpu.memory_space<hbm>> -> memref<49152x128xf32, #tpu.memory_space<hbm>>
    tpu.enqueue_indirect_dma source(%dma_start3A_167 : memref<49152x128xf32, #tpu.memory_space<hbm>>) target(%arg8 : memref<128x128xf32, #tpu.memory_space<vmem>>) offsets(%dma_start3A_164 : memref<128xi32, #tpu.memory_space<vmem>>) semaphore(%arg10 : memref<!tpu.dma_semaphore, #tpu.memory_space<semaphore_mem>>)
    %dma_start3A_168 = arith.constant 5 : i32
    %dma_start3A_169 = arith.constant 0 : i32
    %dma_start3A_170 = tpu.memref_slice %arg7[%dma_start3A_168, %dma_start3A_169] : memref<8x128xi32, #tpu.memory_space<vmem>> -> memref<1x128xi32, #tpu.memory_space<vmem>>
    %dma_start3A_171 = tpu.memref_squeeze %dma_start3A_170 : memref<1x128xi32, #tpu.memory_space<vmem>> -> memref<128xi32, #tpu.memory_space<vmem>>
    %dma_start3A_172 = arith.constant 0 : i32
    %dma_start3A_173 = arith.constant 0 : i32
    %dma_start3A_174 = tpu.memref_slice %arg3[%dma_start3A_172, %dma_start3A_173] : memref<49152x128xf32, #tpu.memory_space<hbm>> -> memref<49152x128xf32, #tpu.memory_space<hbm>>
    tpu.enqueue_indirect_dma source(%dma_start3A_174 : memref<49152x128xf32, #tpu.memory_space<hbm>>) target(%arg9 : memref<128x128xf32, #tpu.memory_space<vmem>>) offsets(%dma_start3A_171 : memref<128xi32, #tpu.memory_space<vmem>>) semaphore(%arg11 : memref<!tpu.dma_semaphore, #tpu.memory_space<semaphore_mem>>)
    %dma_wait3A_175 = arith.constant 5 : i32
    %dma_wait3A_176 = arith.constant 0 : i32
    %dma_wait3A_177 = tpu.memref_slice %arg7[%dma_wait3A_175, %dma_wait3A_176] : memref<8x128xi32, #tpu.memory_space<vmem>> -> memref<1x128xi32, #tpu.memory_space<vmem>>
    %dma_wait3A_178 = tpu.memref_squeeze %dma_wait3A_177 : memref<1x128xi32, #tpu.memory_space<vmem>> -> memref<128xi32, #tpu.memory_space<vmem>>
    %dma_wait3A_179 = arith.constant 0 : i32
    %dma_wait3A_180 = arith.constant 0 : i32
    %dma_wait3A_181 = tpu.memref_slice %arg2[%dma_wait3A_179, %dma_wait3A_180] : memref<49152x128xf32, #tpu.memory_space<hbm>> -> memref<49152x128xf32, #tpu.memory_space<hbm>>
    tpu.wait_indirect_dma semaphore(%arg10 : memref<!tpu.dma_semaphore, #tpu.memory_space<semaphore_mem>>) src(%dma_wait3A_181 : memref<49152x128xf32, #tpu.memory_space<hbm>>) dst(%arg8 : memref<128x128xf32, #tpu.memory_space<vmem>>)
    %dma_wait3A_182 = arith.constant 5 : i32
    %dma_wait3A_183 = arith.constant 0 : i32
    %dma_wait3A_184 = tpu.memref_slice %arg7[%dma_wait3A_182, %dma_wait3A_183] : memref<8x128xi32, #tpu.memory_space<vmem>> -> memref<1x128xi32, #tpu.memory_space<vmem>>
    %dma_wait3A_185 = tpu.memref_squeeze %dma_wait3A_184 : memref<1x128xi32, #tpu.memory_space<vmem>> -> memref<128xi32, #tpu.memory_space<vmem>>
    %dma_wait3A_186 = arith.constant 0 : i32
    %dma_wait3A_187 = arith.constant 0 : i32
    %dma_wait3A_188 = tpu.memref_slice %arg3[%dma_wait3A_186, %dma_wait3A_187] : memref<49152x128xf32, #tpu.memory_space<hbm>> -> memref<49152x128xf32, #tpu.memory_space<hbm>>
    tpu.wait_indirect_dma semaphore(%arg11 : memref<!tpu.dma_semaphore, #tpu.memory_space<semaphore_mem>>) src(%dma_wait3A_188 : memref<49152x128xf32, #tpu.memory_space<hbm>>) dst(%arg9 : memref<128x128xf32, #tpu.memory_space<vmem>>)
    %add3A_189 = arith.constant 640 : i32
    %add3A_190 = arith.addi %mul3A_2, %add3A_189 : i32
    "tpu.region"() ({
      %run_scoped3A = tpu.sem_alloc : memref<!tpu.dma_semaphore, #tpu.memory_space<semaphore_mem>>
      %dma_start3A_257 = arith.constant 0 : i32
      %dma_start3A_258 = tpu.memref_slice %arg5[%add3A_190, %dma_start3A_257] : memref<32768x128xf32, #tpu.memory_space<hbm>> -> memref<128x128xf32, #tpu.memory_space<hbm>>
      %dma_start3A_259 = arith.constant 0 : i32
      %dma_start3A_260 = tpu.memref_slice %arg5[%add3A_190, %dma_start3A_259] : memref<32768x128xf32, #tpu.memory_space<hbm>> -> memref<128x128xf32, #tpu.memory_space<hbm>>
      tpu.enqueue_dma source(%arg8 : memref<128x128xf32, #tpu.memory_space<vmem>>) target(%dma_start3A_260 : memref<128x128xf32, #tpu.memory_space<hbm>>) target_semaphore(%run_scoped3A : memref<!tpu.dma_semaphore, #tpu.memory_space<semaphore_mem>>)
      %dma_wait3A_261 = arith.constant 0 : i32
      %dma_wait3A_262 = tpu.memref_slice %arg5[%add3A_190, %dma_wait3A_261] : memref<32768x128xf32, #tpu.memory_space<hbm>> -> memref<128x128xf32, #tpu.memory_space<hbm>>
      %dma_wait3A_263 = arith.constant 0 : i32
      %dma_wait3A_264 = tpu.memref_slice %arg5[%add3A_190, %dma_wait3A_263] : memref<32768x128xf32, #tpu.memory_space<hbm>> -> memref<128x128xf32, #tpu.memory_space<hbm>>
      tpu.wait_dma2 semaphore(%run_scoped3A : memref<!tpu.dma_semaphore, #tpu.memory_space<semaphore_mem>>) src(%arg8 : memref<128x128xf32, #tpu.memory_space<vmem>>) dst(%dma_wait3A_264 : memref<128x128xf32, #tpu.memory_space<hbm>>)
      tpu.yield
    }) : () -> ()
    %add3A_191 = arith.constant 640 : i32
    %add3A_192 = arith.addi %mul3A_2, %add3A_191 : i32
    "tpu.region"() ({
      %run_scoped3A = tpu.sem_alloc : memref<!tpu.dma_semaphore, #tpu.memory_space<semaphore_mem>>
      %dma_start3A_257 = arith.constant 0 : i32
      %dma_start3A_258 = tpu.memref_slice %arg6[%add3A_192, %dma_start3A_257] : memref<32768x128xf32, #tpu.memory_space<hbm>> -> memref<128x128xf32, #tpu.memory_space<hbm>>
      %dma_start3A_259 = arith.constant 0 : i32
      %dma_start3A_260 = tpu.memref_slice %arg6[%add3A_192, %dma_start3A_259] : memref<32768x128xf32, #tpu.memory_space<hbm>> -> memref<128x128xf32, #tpu.memory_space<hbm>>
      tpu.enqueue_dma source(%arg9 : memref<128x128xf32, #tpu.memory_space<vmem>>) target(%dma_start3A_260 : memref<128x128xf32, #tpu.memory_space<hbm>>) target_semaphore(%run_scoped3A : memref<!tpu.dma_semaphore, #tpu.memory_space<semaphore_mem>>)
      %dma_wait3A_261 = arith.constant 0 : i32
      %dma_wait3A_262 = tpu.memref_slice %arg6[%add3A_192, %dma_wait3A_261] : memref<32768x128xf32, #tpu.memory_space<hbm>> -> memref<128x128xf32, #tpu.memory_space<hbm>>
      %dma_wait3A_263 = arith.constant 0 : i32
      %dma_wait3A_264 = tpu.memref_slice %arg6[%add3A_192, %dma_wait3A_263] : memref<32768x128xf32, #tpu.memory_space<hbm>> -> memref<128x128xf32, #tpu.memory_space<hbm>>
      tpu.wait_dma2 semaphore(%run_scoped3A : memref<!tpu.dma_semaphore, #tpu.memory_space<semaphore_mem>>) src(%arg9 : memref<128x128xf32, #tpu.memory_space<vmem>>) dst(%dma_wait3A_264 : memref<128x128xf32, #tpu.memory_space<hbm>>)
      tpu.yield
    }) : () -> ()
    %dma_start3A_193 = arith.constant 6 : i32
    %dma_start3A_194 = arith.constant 0 : i32
    %dma_start3A_195 = tpu.memref_slice %arg7[%dma_start3A_193, %dma_start3A_194] : memref<8x128xi32, #tpu.memory_space<vmem>> -> memref<1x128xi32, #tpu.memory_space<vmem>>
    %dma_start3A_196 = tpu.memref_squeeze %dma_start3A_195 : memref<1x128xi32, #tpu.memory_space<vmem>> -> memref<128xi32, #tpu.memory_space<vmem>>
    %dma_start3A_197 = arith.constant 0 : i32
    %dma_start3A_198 = arith.constant 0 : i32
    %dma_start3A_199 = tpu.memref_slice %arg2[%dma_start3A_197, %dma_start3A_198] : memref<49152x128xf32, #tpu.memory_space<hbm>> -> memref<49152x128xf32, #tpu.memory_space<hbm>>
    tpu.enqueue_indirect_dma source(%dma_start3A_199 : memref<49152x128xf32, #tpu.memory_space<hbm>>) target(%arg8 : memref<128x128xf32, #tpu.memory_space<vmem>>) offsets(%dma_start3A_196 : memref<128xi32, #tpu.memory_space<vmem>>) semaphore(%arg10 : memref<!tpu.dma_semaphore, #tpu.memory_space<semaphore_mem>>)
    %dma_start3A_200 = arith.constant 6 : i32
    %dma_start3A_201 = arith.constant 0 : i32
    %dma_start3A_202 = tpu.memref_slice %arg7[%dma_start3A_200, %dma_start3A_201] : memref<8x128xi32, #tpu.memory_space<vmem>> -> memref<1x128xi32, #tpu.memory_space<vmem>>
    %dma_start3A_203 = tpu.memref_squeeze %dma_start3A_202 : memref<1x128xi32, #tpu.memory_space<vmem>> -> memref<128xi32, #tpu.memory_space<vmem>>
    %dma_start3A_204 = arith.constant 0 : i32
    %dma_start3A_205 = arith.constant 0 : i32
    %dma_start3A_206 = tpu.memref_slice %arg3[%dma_start3A_204, %dma_start3A_205] : memref<49152x128xf32, #tpu.memory_space<hbm>> -> memref<49152x128xf32, #tpu.memory_space<hbm>>
    tpu.enqueue_indirect_dma source(%dma_start3A_206 : memref<49152x128xf32, #tpu.memory_space<hbm>>) target(%arg9 : memref<128x128xf32, #tpu.memory_space<vmem>>) offsets(%dma_start3A_203 : memref<128xi32, #tpu.memory_space<vmem>>) semaphore(%arg11 : memref<!tpu.dma_semaphore, #tpu.memory_space<semaphore_mem>>)
    %dma_wait3A_207 = arith.constant 6 : i32
    %dma_wait3A_208 = arith.constant 0 : i32
    %dma_wait3A_209 = tpu.memref_slice %arg7[%dma_wait3A_207, %dma_wait3A_208] : memref<8x128xi32, #tpu.memory_space<vmem>> -> memref<1x128xi32, #tpu.memory_space<vmem>>
    %dma_wait3A_210 = tpu.memref_squeeze %dma_wait3A_209 : memref<1x128xi32, #tpu.memory_space<vmem>> -> memref<128xi32, #tpu.memory_space<vmem>>
    %dma_wait3A_211 = arith.constant 0 : i32
    %dma_wait3A_212 = arith.constant 0 : i32
    %dma_wait3A_213 = tpu.memref_slice %arg2[%dma_wait3A_211, %dma_wait3A_212] : memref<49152x128xf32, #tpu.memory_space<hbm>> -> memref<49152x128xf32, #tpu.memory_space<hbm>>
    tpu.wait_indirect_dma semaphore(%arg10 : memref<!tpu.dma_semaphore, #tpu.memory_space<semaphore_mem>>) src(%dma_wait3A_213 : memref<49152x128xf32, #tpu.memory_space<hbm>>) dst(%arg8 : memref<128x128xf32, #tpu.memory_space<vmem>>)
    %dma_wait3A_214 = arith.constant 6 : i32
    %dma_wait3A_215 = arith.constant 0 : i32
    %dma_wait3A_216 = tpu.memref_slice %arg7[%dma_wait3A_214, %dma_wait3A_215] : memref<8x128xi32, #tpu.memory_space<vmem>> -> memref<1x128xi32, #tpu.memory_space<vmem>>
    %dma_wait3A_217 = tpu.memref_squeeze %dma_wait3A_216 : memref<1x128xi32, #tpu.memory_space<vmem>> -> memref<128xi32, #tpu.memory_space<vmem>>
    %dma_wait3A_218 = arith.constant 0 : i32
    %dma_wait3A_219 = arith.constant 0 : i32
    %dma_wait3A_220 = tpu.memref_slice %arg3[%dma_wait3A_218, %dma_wait3A_219] : memref<49152x128xf32, #tpu.memory_space<hbm>> -> memref<49152x128xf32, #tpu.memory_space<hbm>>
    tpu.wait_indirect_dma semaphore(%arg11 : memref<!tpu.dma_semaphore, #tpu.memory_space<semaphore_mem>>) src(%dma_wait3A_220 : memref<49152x128xf32, #tpu.memory_space<hbm>>) dst(%arg9 : memref<128x128xf32, #tpu.memory_space<vmem>>)
    %add3A_221 = arith.constant 768 : i32
    %add3A_222 = arith.addi %mul3A_2, %add3A_221 : i32
    "tpu.region"() ({
      %run_scoped3A = tpu.sem_alloc : memref<!tpu.dma_semaphore, #tpu.memory_space<semaphore_mem>>
      %dma_start3A_257 = arith.constant 0 : i32
      %dma_start3A_258 = tpu.memref_slice %arg5[%add3A_222, %dma_start3A_257] : memref<32768x128xf32, #tpu.memory_space<hbm>> -> memref<128x128xf32, #tpu.memory_space<hbm>>
      %dma_start3A_259 = arith.constant 0 : i32
      %dma_start3A_260 = tpu.memref_slice %arg5[%add3A_222, %dma_start3A_259] : memref<32768x128xf32, #tpu.memory_space<hbm>> -> memref<128x128xf32, #tpu.memory_space<hbm>>
      tpu.enqueue_dma source(%arg8 : memref<128x128xf32, #tpu.memory_space<vmem>>) target(%dma_start3A_260 : memref<128x128xf32, #tpu.memory_space<hbm>>) target_semaphore(%run_scoped3A : memref<!tpu.dma_semaphore, #tpu.memory_space<semaphore_mem>>)
      %dma_wait3A_261 = arith.constant 0 : i32
      %dma_wait3A_262 = tpu.memref_slice %arg5[%add3A_222, %dma_wait3A_261] : memref<32768x128xf32, #tpu.memory_space<hbm>> -> memref<128x128xf32, #tpu.memory_space<hbm>>
      %dma_wait3A_263 = arith.constant 0 : i32
      %dma_wait3A_264 = tpu.memref_slice %arg5[%add3A_222, %dma_wait3A_263] : memref<32768x128xf32, #tpu.memory_space<hbm>> -> memref<128x128xf32, #tpu.memory_space<hbm>>
      tpu.wait_dma2 semaphore(%run_scoped3A : memref<!tpu.dma_semaphore, #tpu.memory_space<semaphore_mem>>) src(%arg8 : memref<128x128xf32, #tpu.memory_space<vmem>>) dst(%dma_wait3A_264 : memref<128x128xf32, #tpu.memory_space<hbm>>)
      tpu.yield
    }) : () -> ()
    %add3A_223 = arith.constant 768 : i32
    %add3A_224 = arith.addi %mul3A_2, %add3A_223 : i32
    "tpu.region"() ({
      %run_scoped3A = tpu.sem_alloc : memref<!tpu.dma_semaphore, #tpu.memory_space<semaphore_mem>>
      %dma_start3A_257 = arith.constant 0 : i32
      %dma_start3A_258 = tpu.memref_slice %arg6[%add3A_224, %dma_start3A_257] : memref<32768x128xf32, #tpu.memory_space<hbm>> -> memref<128x128xf32, #tpu.memory_space<hbm>>
      %dma_start3A_259 = arith.constant 0 : i32
      %dma_start3A_260 = tpu.memref_slice %arg6[%add3A_224, %dma_start3A_259] : memref<32768x128xf32, #tpu.memory_space<hbm>> -> memref<128x128xf32, #tpu.memory_space<hbm>>
      tpu.enqueue_dma source(%arg9 : memref<128x128xf32, #tpu.memory_space<vmem>>) target(%dma_start3A_260 : memref<128x128xf32, #tpu.memory_space<hbm>>) target_semaphore(%run_scoped3A : memref<!tpu.dma_semaphore, #tpu.memory_space<semaphore_mem>>)
      %dma_wait3A_261 = arith.constant 0 : i32
      %dma_wait3A_262 = tpu.memref_slice %arg6[%add3A_224, %dma_wait3A_261] : memref<32768x128xf32, #tpu.memory_space<hbm>> -> memref<128x128xf32, #tpu.memory_space<hbm>>
      %dma_wait3A_263 = arith.constant 0 : i32
      %dma_wait3A_264 = tpu.memref_slice %arg6[%add3A_224, %dma_wait3A_263] : memref<32768x128xf32, #tpu.memory_space<hbm>> -> memref<128x128xf32, #tpu.memory_space<hbm>>
      tpu.wait_dma2 semaphore(%run_scoped3A : memref<!tpu.dma_semaphore, #tpu.memory_space<semaphore_mem>>) src(%arg9 : memref<128x128xf32, #tpu.memory_space<vmem>>) dst(%dma_wait3A_264 : memref<128x128xf32, #tpu.memory_space<hbm>>)
      tpu.yield
    }) : () -> ()
    %dma_start3A_225 = arith.constant 7 : i32
    %dma_start3A_226 = arith.constant 0 : i32
    %dma_start3A_227 = tpu.memref_slice %arg7[%dma_start3A_225, %dma_start3A_226] : memref<8x128xi32, #tpu.memory_space<vmem>> -> memref<1x128xi32, #tpu.memory_space<vmem>>
    %dma_start3A_228 = tpu.memref_squeeze %dma_start3A_227 : memref<1x128xi32, #tpu.memory_space<vmem>> -> memref<128xi32, #tpu.memory_space<vmem>>
    %dma_start3A_229 = arith.constant 0 : i32
    %dma_start3A_230 = arith.constant 0 : i32
    %dma_start3A_231 = tpu.memref_slice %arg2[%dma_start3A_229, %dma_start3A_230] : memref<49152x128xf32, #tpu.memory_space<hbm>> -> memref<49152x128xf32, #tpu.memory_space<hbm>>
    tpu.enqueue_indirect_dma source(%dma_start3A_231 : memref<49152x128xf32, #tpu.memory_space<hbm>>) target(%arg8 : memref<128x128xf32, #tpu.memory_space<vmem>>) offsets(%dma_start3A_228 : memref<128xi32, #tpu.memory_space<vmem>>) semaphore(%arg10 : memref<!tpu.dma_semaphore, #tpu.memory_space<semaphore_mem>>)
    %dma_start3A_232 = arith.constant 7 : i32
    %dma_start3A_233 = arith.constant 0 : i32
    %dma_start3A_234 = tpu.memref_slice %arg7[%dma_start3A_232, %dma_start3A_233] : memref<8x128xi32, #tpu.memory_space<vmem>> -> memref<1x128xi32, #tpu.memory_space<vmem>>
    %dma_start3A_235 = tpu.memref_squeeze %dma_start3A_234 : memref<1x128xi32, #tpu.memory_space<vmem>> -> memref<128xi32, #tpu.memory_space<vmem>>
    %dma_start3A_236 = arith.constant 0 : i32
    %dma_start3A_237 = arith.constant 0 : i32
    %dma_start3A_238 = tpu.memref_slice %arg3[%dma_start3A_236, %dma_start3A_237] : memref<49152x128xf32, #tpu.memory_space<hbm>> -> memref<49152x128xf32, #tpu.memory_space<hbm>>
    tpu.enqueue_indirect_dma source(%dma_start3A_238 : memref<49152x128xf32, #tpu.memory_space<hbm>>) target(%arg9 : memref<128x128xf32, #tpu.memory_space<vmem>>) offsets(%dma_start3A_235 : memref<128xi32, #tpu.memory_space<vmem>>) semaphore(%arg11 : memref<!tpu.dma_semaphore, #tpu.memory_space<semaphore_mem>>)
    %dma_wait3A_239 = arith.constant 7 : i32
    %dma_wait3A_240 = arith.constant 0 : i32
    %dma_wait3A_241 = tpu.memref_slice %arg7[%dma_wait3A_239, %dma_wait3A_240] : memref<8x128xi32, #tpu.memory_space<vmem>> -> memref<1x128xi32, #tpu.memory_space<vmem>>
    %dma_wait3A_242 = tpu.memref_squeeze %dma_wait3A_241 : memref<1x128xi32, #tpu.memory_space<vmem>> -> memref<128xi32, #tpu.memory_space<vmem>>
    %dma_wait3A_243 = arith.constant 0 : i32
    %dma_wait3A_244 = arith.constant 0 : i32
    %dma_wait3A_245 = tpu.memref_slice %arg2[%dma_wait3A_243, %dma_wait3A_244] : memref<49152x128xf32, #tpu.memory_space<hbm>> -> memref<49152x128xf32, #tpu.memory_space<hbm>>
    tpu.wait_indirect_dma semaphore(%arg10 : memref<!tpu.dma_semaphore, #tpu.memory_space<semaphore_mem>>) src(%dma_wait3A_245 : memref<49152x128xf32, #tpu.memory_space<hbm>>) dst(%arg8 : memref<128x128xf32, #tpu.memory_space<vmem>>)
    %dma_wait3A_246 = arith.constant 7 : i32
    %dma_wait3A_247 = arith.constant 0 : i32
    %dma_wait3A_248 = tpu.memref_slice %arg7[%dma_wait3A_246, %dma_wait3A_247] : memref<8x128xi32, #tpu.memory_space<vmem>> -> memref<1x128xi32, #tpu.memory_space<vmem>>
    %dma_wait3A_249 = tpu.memref_squeeze %dma_wait3A_248 : memref<1x128xi32, #tpu.memory_space<vmem>> -> memref<128xi32, #tpu.memory_space<vmem>>
    %dma_wait3A_250 = arith.constant 0 : i32
    %dma_wait3A_251 = arith.constant 0 : i32
    %dma_wait3A_252 = tpu.memref_slice %arg3[%dma_wait3A_250, %dma_wait3A_251] : memref<49152x128xf32, #tpu.memory_space<hbm>> -> memref<49152x128xf32, #tpu.memory_space<hbm>>
    tpu.wait_indirect_dma semaphore(%arg11 : memref<!tpu.dma_semaphore, #tpu.memory_space<semaphore_mem>>) src(%dma_wait3A_252 : memref<49152x128xf32, #tpu.memory_space<hbm>>) dst(%arg9 : memref<128x128xf32, #tpu.memory_space<vmem>>)
    %add3A_253 = arith.constant 896 : i32
    %add3A_254 = arith.addi %mul3A_2, %add3A_253 : i32
    "tpu.region"() ({
      %run_scoped3A = tpu.sem_alloc : memref<!tpu.dma_semaphore, #tpu.memory_space<semaphore_mem>>
      %dma_start3A_257 = arith.constant 0 : i32
      %dma_start3A_258 = tpu.memref_slice %arg5[%add3A_254, %dma_start3A_257] : memref<32768x128xf32, #tpu.memory_space<hbm>> -> memref<128x128xf32, #tpu.memory_space<hbm>>
      %dma_start3A_259 = arith.constant 0 : i32
      %dma_start3A_260 = tpu.memref_slice %arg5[%add3A_254, %dma_start3A_259] : memref<32768x128xf32, #tpu.memory_space<hbm>> -> memref<128x128xf32, #tpu.memory_space<hbm>>
      tpu.enqueue_dma source(%arg8 : memref<128x128xf32, #tpu.memory_space<vmem>>) target(%dma_start3A_260 : memref<128x128xf32, #tpu.memory_space<hbm>>) target_semaphore(%run_scoped3A : memref<!tpu.dma_semaphore, #tpu.memory_space<semaphore_mem>>)
      %dma_wait3A_261 = arith.constant 0 : i32
      %dma_wait3A_262 = tpu.memref_slice %arg5[%add3A_254, %dma_wait3A_261] : memref<32768x128xf32, #tpu.memory_space<hbm>> -> memref<128x128xf32, #tpu.memory_space<hbm>>
      %dma_wait3A_263 = arith.constant 0 : i32
      %dma_wait3A_264 = tpu.memref_slice %arg5[%add3A_254, %dma_wait3A_263] : memref<32768x128xf32, #tpu.memory_space<hbm>> -> memref<128x128xf32, #tpu.memory_space<hbm>>
      tpu.wait_dma2 semaphore(%run_scoped3A : memref<!tpu.dma_semaphore, #tpu.memory_space<semaphore_mem>>) src(%arg8 : memref<128x128xf32, #tpu.memory_space<vmem>>) dst(%dma_wait3A_264 : memref<128x128xf32, #tpu.memory_space<hbm>>)
      tpu.yield
    }) : () -> ()
    %add3A_255 = arith.constant 896 : i32
    %add3A_256 = arith.addi %mul3A_2, %add3A_255 : i32
    "tpu.region"() ({
      %run_scoped3A = tpu.sem_alloc : memref<!tpu.dma_semaphore, #tpu.memory_space<semaphore_mem>>
      %dma_start3A_257 = arith.constant 0 : i32
      %dma_start3A_258 = tpu.memref_slice %arg6[%add3A_256, %dma_start3A_257] : memref<32768x128xf32, #tpu.memory_space<hbm>> -> memref<128x128xf32, #tpu.memory_space<hbm>>
      %dma_start3A_259 = arith.constant 0 : i32
      %dma_start3A_260 = tpu.memref_slice %arg6[%add3A_256, %dma_start3A_259] : memref<32768x128xf32, #tpu.memory_space<hbm>> -> memref<128x128xf32, #tpu.memory_space<hbm>>
      tpu.enqueue_dma source(%arg9 : memref<128x128xf32, #tpu.memory_space<vmem>>) target(%dma_start3A_260 : memref<128x128xf32, #tpu.memory_space<hbm>>) target_semaphore(%run_scoped3A : memref<!tpu.dma_semaphore, #tpu.memory_space<semaphore_mem>>)
      %dma_wait3A_261 = arith.constant 0 : i32
      %dma_wait3A_262 = tpu.memref_slice %arg6[%add3A_256, %dma_wait3A_261] : memref<32768x128xf32, #tpu.memory_space<hbm>> -> memref<128x128xf32, #tpu.memory_space<hbm>>
      %dma_wait3A_263 = arith.constant 0 : i32
      %dma_wait3A_264 = tpu.memref_slice %arg6[%add3A_256, %dma_wait3A_263] : memref<32768x128xf32, #tpu.memory_space<hbm>> -> memref<128x128xf32, #tpu.memory_space<hbm>>
      tpu.wait_dma2 semaphore(%run_scoped3A : memref<!tpu.dma_semaphore, #tpu.memory_space<semaphore_mem>>) src(%arg9 : memref<128x128xf32, #tpu.memory_space<vmem>>) dst(%dma_wait3A_264 : memref<128x128xf32, #tpu.memory_space<hbm>>)
      tpu.yield
    }) : () -> ()
    return
  }
}

#map = affine_map<(d0, d1) -> (0, 0)>
#map1 = affine_map<(d0, d1) -> (0, 0, 0)>
module attributes {stable_mosaic.version = 14 : i64} {
  func.func @k(%arg0: i32, %arg1: i32, %arg2: memref<32768x128xf32, #tpu.memory_space<hbm>>, %arg3: memref<32768x128xf32, #tpu.memory_space<hbm>>, %arg4: memref<32x8x128xi32, #tpu.memory_space<hbm>>, %arg5: memref<49152x128xf32, #tpu.memory_space<hbm>>, %arg6: memref<49152x128xf32, #tpu.memory_space<hbm>>, %arg7: memref<8x128xi32, #tpu.memory_space<vmem>>, %arg8: memref<128x128xf32, #tpu.memory_space<vmem>>, %arg9: memref<128x128xf32, #tpu.memory_space<vmem>>, %arg10: memref<!tpu.dma_semaphore, #tpu.memory_space<semaphore_mem>>, %arg11: memref<!tpu.dma_semaphore, #tpu.memory_space<semaphore_mem>>) attributes {dimension_semantics = [#tpu.dimension_semantics<core_parallel>, #tpu.dimension_semantics<subcore_parallel>], iteration_bounds = array<i64: 2, 16>, scalar_prefetch = 0 : i64, scratch_operands = 5 : i64, tpu.core_type = #tpu.core_type<sc_vector_subcore>, window_params = [{transform_indices = #map}, {transform_indices = #map}, {transform_indices = #map1}, {transform_indices = #map}, {transform_indices = #map}]} {
    %mul3A = arith.constant 2 : i32
    %mul3A_0 = arith.muli %arg1, %mul3A : i32
    %add3A = arith.addi %mul3A_0, %arg0 : i32
    "tpu.region"() ({
      %run_scoped3A = tpu.sem_alloc : memref<!tpu.dma_semaphore, #tpu.memory_space<semaphore_mem>>
      %dma_start3A_257 = arith.constant 0 : i32
      %dma_start3A_258 = arith.constant 0 : i32
      %dma_start3A_259 = tpu.memref_slice %arg4[%add3A, %dma_start3A_257, %dma_start3A_258] : memref<32x8x128xi32, #tpu.memory_space<hbm>> -> memref<1x8x128xi32, #tpu.memory_space<hbm>>
      %dma_start3A_260 = tpu.memref_squeeze %dma_start3A_259 : memref<1x8x128xi32, #tpu.memory_space<hbm>> -> memref<8x128xi32, #tpu.memory_space<hbm>>
      %dma_start3A_261 = arith.constant 0 : i32
      %dma_start3A_262 = arith.constant 0 : i32
      %dma_start3A_263 = tpu.memref_slice %arg4[%add3A, %dma_start3A_261, %dma_start3A_262] : memref<32x8x128xi32, #tpu.memory_space<hbm>> -> memref<1x8x128xi32, #tpu.memory_space<hbm>>
      %dma_start3A_264 = tpu.memref_squeeze %dma_start3A_263 : memref<1x8x128xi32, #tpu.memory_space<hbm>> -> memref<8x128xi32, #tpu.memory_space<hbm>>
      tpu.enqueue_dma source(%dma_start3A_264 : memref<8x128xi32, #tpu.memory_space<hbm>>) target(%arg7 : memref<8x128xi32, #tpu.memory_space<vmem>>) target_semaphore(%run_scoped3A : memref<!tpu.dma_semaphore, #tpu.memory_space<semaphore_mem>>)
      %dma_wait3A_265 = arith.constant 0 : i32
      %dma_wait3A_266 = arith.constant 0 : i32
      %dma_wait3A_267 = tpu.memref_slice %arg4[%add3A, %dma_wait3A_265, %dma_wait3A_266] : memref<32x8x128xi32, #tpu.memory_space<hbm>> -> memref<1x8x128xi32, #tpu.memory_space<hbm>>
      %dma_wait3A_268 = tpu.memref_squeeze %dma_wait3A_267 : memref<1x8x128xi32, #tpu.memory_space<hbm>> -> memref<8x128xi32, #tpu.memory_space<hbm>>
      %dma_wait3A_269 = arith.constant 0 : i32
      %dma_wait3A_270 = arith.constant 0 : i32
      %dma_wait3A_271 = tpu.memref_slice %arg4[%add3A, %dma_wait3A_269, %dma_wait3A_270] : memref<32x8x128xi32, #tpu.memory_space<hbm>> -> memref<1x8x128xi32, #tpu.memory_space<hbm>>
      %dma_wait3A_272 = tpu.memref_squeeze %dma_wait3A_271 : memref<1x8x128xi32, #tpu.memory_space<hbm>> -> memref<8x128xi32, #tpu.memory_space<hbm>>
      tpu.wait_dma2 semaphore(%run_scoped3A : memref<!tpu.dma_semaphore, #tpu.memory_space<semaphore_mem>>) src(%dma_wait3A_272 : memref<8x128xi32, #tpu.memory_space<hbm>>) dst(%arg7 : memref<8x128xi32, #tpu.memory_space<vmem>>)
      tpu.yield
    }) : () -> ()
    %mul3A_1 = arith.constant 1024 : i32
    %mul3A_2 = arith.muli %add3A, %mul3A_1 : i32
    %add3A_3 = arith.constant 0 : i32
    %add3A_4 = arith.addi %mul3A_2, %add3A_3 : i32
    "tpu.region"() ({
      %run_scoped3A = tpu.sem_alloc : memref<!tpu.dma_semaphore, #tpu.memory_space<semaphore_mem>>
      %dma_start3A_257 = arith.constant 0 : i32
      %dma_start3A_258 = tpu.memref_slice %arg2[%add3A_4, %dma_start3A_257] : memref<32768x128xf32, #tpu.memory_space<hbm>> -> memref<128x128xf32, #tpu.memory_space<hbm>>
      %dma_start3A_259 = arith.constant 0 : i32
      %dma_start3A_260 = tpu.memref_slice %arg2[%add3A_4, %dma_start3A_259] : memref<32768x128xf32, #tpu.memory_space<hbm>> -> memref<128x128xf32, #tpu.memory_space<hbm>>
      tpu.enqueue_dma source(%dma_start3A_260 : memref<128x128xf32, #tpu.memory_space<hbm>>) target(%arg8 : memref<128x128xf32, #tpu.memory_space<vmem>>) target_semaphore(%run_scoped3A : memref<!tpu.dma_semaphore, #tpu.memory_space<semaphore_mem>>)
      %dma_wait3A_261 = arith.constant 0 : i32
      %dma_wait3A_262 = tpu.memref_slice %arg2[%add3A_4, %dma_wait3A_261] : memref<32768x128xf32, #tpu.memory_space<hbm>> -> memref<128x128xf32, #tpu.memory_space<hbm>>
      %dma_wait3A_263 = arith.constant 0 : i32
      %dma_wait3A_264 = tpu.memref_slice %arg2[%add3A_4, %dma_wait3A_263] : memref<32768x128xf32, #tpu.memory_space<hbm>> -> memref<128x128xf32, #tpu.memory_space<hbm>>
      tpu.wait_dma2 semaphore(%run_scoped3A : memref<!tpu.dma_semaphore, #tpu.memory_space<semaphore_mem>>) src(%dma_wait3A_264 : memref<128x128xf32, #tpu.memory_space<hbm>>) dst(%arg8 : memref<128x128xf32, #tpu.memory_space<vmem>>)
      tpu.yield
    }) : () -> ()
    %add3A_5 = arith.constant 0 : i32
    %add3A_6 = arith.addi %mul3A_2, %add3A_5 : i32
    "tpu.region"() ({
      %run_scoped3A = tpu.sem_alloc : memref<!tpu.dma_semaphore, #tpu.memory_space<semaphore_mem>>
      %dma_start3A_257 = arith.constant 0 : i32
      %dma_start3A_258 = tpu.memref_slice %arg3[%add3A_6, %dma_start3A_257] : memref<32768x128xf32, #tpu.memory_space<hbm>> -> memref<128x128xf32, #tpu.memory_space<hbm>>
      %dma_start3A_259 = arith.constant 0 : i32
      %dma_start3A_260 = tpu.memref_slice %arg3[%add3A_6, %dma_start3A_259] : memref<32768x128xf32, #tpu.memory_space<hbm>> -> memref<128x128xf32, #tpu.memory_space<hbm>>
      tpu.enqueue_dma source(%dma_start3A_260 : memref<128x128xf32, #tpu.memory_space<hbm>>) target(%arg9 : memref<128x128xf32, #tpu.memory_space<vmem>>) target_semaphore(%run_scoped3A : memref<!tpu.dma_semaphore, #tpu.memory_space<semaphore_mem>>)
      %dma_wait3A_261 = arith.constant 0 : i32
      %dma_wait3A_262 = tpu.memref_slice %arg3[%add3A_6, %dma_wait3A_261] : memref<32768x128xf32, #tpu.memory_space<hbm>> -> memref<128x128xf32, #tpu.memory_space<hbm>>
      %dma_wait3A_263 = arith.constant 0 : i32
      %dma_wait3A_264 = tpu.memref_slice %arg3[%add3A_6, %dma_wait3A_263] : memref<32768x128xf32, #tpu.memory_space<hbm>> -> memref<128x128xf32, #tpu.memory_space<hbm>>
      tpu.wait_dma2 semaphore(%run_scoped3A : memref<!tpu.dma_semaphore, #tpu.memory_space<semaphore_mem>>) src(%dma_wait3A_264 : memref<128x128xf32, #tpu.memory_space<hbm>>) dst(%arg9 : memref<128x128xf32, #tpu.memory_space<vmem>>)
      tpu.yield
    }) : () -> ()
    %dma_start3A = arith.constant 0 : i32
    %dma_start3A_7 = arith.constant 0 : i32
    %dma_start3A_8 = tpu.memref_slice %arg7[%dma_start3A, %dma_start3A_7] : memref<8x128xi32, #tpu.memory_space<vmem>> -> memref<1x128xi32, #tpu.memory_space<vmem>>
    %dma_start3A_9 = tpu.memref_squeeze %dma_start3A_8 : memref<1x128xi32, #tpu.memory_space<vmem>> -> memref<128xi32, #tpu.memory_space<vmem>>
    %dma_start3A_10 = arith.constant 0 : i32
    %dma_start3A_11 = arith.constant 0 : i32
    %dma_start3A_12 = tpu.memref_slice %arg5[%dma_start3A_10, %dma_start3A_11] : memref<49152x128xf32, #tpu.memory_space<hbm>> -> memref<49152x128xf32, #tpu.memory_space<hbm>>
    tpu.enqueue_indirect_dma source(%arg8 : memref<128x128xf32, #tpu.memory_space<vmem>>) target(%dma_start3A_12 : memref<49152x128xf32, #tpu.memory_space<hbm>>) offsets(%dma_start3A_9 : memref<128xi32, #tpu.memory_space<vmem>>) semaphore(%arg10 : memref<!tpu.dma_semaphore, #tpu.memory_space<semaphore_mem>>)
    %dma_start3A_13 = arith.constant 0 : i32
    %dma_start3A_14 = arith.constant 0 : i32
    %dma_start3A_15 = tpu.memref_slice %arg7[%dma_start3A_13, %dma_start3A_14] : memref<8x128xi32, #tpu.memory_space<vmem>> -> memref<1x128xi32, #tpu.memory_space<vmem>>
    %dma_start3A_16 = tpu.memref_squeeze %dma_start3A_15 : memref<1x128xi32, #tpu.memory_space<vmem>> -> memref<128xi32, #tpu.memory_space<vmem>>
    %dma_start3A_17 = arith.constant 0 : i32
    %dma_start3A_18 = arith.constant 0 : i32
    %dma_start3A_19 = tpu.memref_slice %arg6[%dma_start3A_17, %dma_start3A_18] : memref<49152x128xf32, #tpu.memory_space<hbm>> -> memref<49152x128xf32, #tpu.memory_space<hbm>>
    tpu.enqueue_indirect_dma source(%arg9 : memref<128x128xf32, #tpu.memory_space<vmem>>) target(%dma_start3A_19 : memref<49152x128xf32, #tpu.memory_space<hbm>>) offsets(%dma_start3A_16 : memref<128xi32, #tpu.memory_space<vmem>>) semaphore(%arg11 : memref<!tpu.dma_semaphore, #tpu.memory_space<semaphore_mem>>)
    %dma_wait3A = arith.constant 0 : i32
    %dma_wait3A_20 = arith.constant 0 : i32
    %dma_wait3A_21 = tpu.memref_slice %arg7[%dma_wait3A, %dma_wait3A_20] : memref<8x128xi32, #tpu.memory_space<vmem>> -> memref<1x128xi32, #tpu.memory_space<vmem>>
    %dma_wait3A_22 = tpu.memref_squeeze %dma_wait3A_21 : memref<1x128xi32, #tpu.memory_space<vmem>> -> memref<128xi32, #tpu.memory_space<vmem>>
    %dma_wait3A_23 = arith.constant 0 : i32
    %dma_wait3A_24 = arith.constant 0 : i32
    %dma_wait3A_25 = tpu.memref_slice %arg5[%dma_wait3A_23, %dma_wait3A_24] : memref<49152x128xf32, #tpu.memory_space<hbm>> -> memref<49152x128xf32, #tpu.memory_space<hbm>>
    tpu.wait_indirect_dma semaphore(%arg10 : memref<!tpu.dma_semaphore, #tpu.memory_space<semaphore_mem>>) src(%arg8 : memref<128x128xf32, #tpu.memory_space<vmem>>) dst(%dma_wait3A_25 : memref<49152x128xf32, #tpu.memory_space<hbm>>)
    %dma_wait3A_26 = arith.constant 0 : i32
    %dma_wait3A_27 = arith.constant 0 : i32
    %dma_wait3A_28 = tpu.memref_slice %arg7[%dma_wait3A_26, %dma_wait3A_27] : memref<8x128xi32, #tpu.memory_space<vmem>> -> memref<1x128xi32, #tpu.memory_space<vmem>>
    %dma_wait3A_29 = tpu.memref_squeeze %dma_wait3A_28 : memref<1x128xi32, #tpu.memory_space<vmem>> -> memref<128xi32, #tpu.memory_space<vmem>>
    %dma_wait3A_30 = arith.constant 0 : i32
    %dma_wait3A_31 = arith.constant 0 : i32
    %dma_wait3A_32 = tpu.memref_slice %arg6[%dma_wait3A_30, %dma_wait3A_31] : memref<49152x128xf32, #tpu.memory_space<hbm>> -> memref<49152x128xf32, #tpu.memory_space<hbm>>
    tpu.wait_indirect_dma semaphore(%arg11 : memref<!tpu.dma_semaphore, #tpu.memory_space<semaphore_mem>>) src(%arg9 : memref<128x128xf32, #tpu.memory_space<vmem>>) dst(%dma_wait3A_32 : memref<49152x128xf32, #tpu.memory_space<hbm>>)
    %add3A_33 = arith.constant 128 : i32
    %add3A_34 = arith.addi %mul3A_2, %add3A_33 : i32
    "tpu.region"() ({
      %run_scoped3A = tpu.sem_alloc : memref<!tpu.dma_semaphore, #tpu.memory_space<semaphore_mem>>
      %dma_start3A_257 = arith.constant 0 : i32
      %dma_start3A_258 = tpu.memref_slice %arg2[%add3A_34, %dma_start3A_257] : memref<32768x128xf32, #tpu.memory_space<hbm>> -> memref<128x128xf32, #tpu.memory_space<hbm>>
      %dma_start3A_259 = arith.constant 0 : i32
      %dma_start3A_260 = tpu.memref_slice %arg2[%add3A_34, %dma_start3A_259] : memref<32768x128xf32, #tpu.memory_space<hbm>> -> memref<128x128xf32, #tpu.memory_space<hbm>>
      tpu.enqueue_dma source(%dma_start3A_260 : memref<128x128xf32, #tpu.memory_space<hbm>>) target(%arg8 : memref<128x128xf32, #tpu.memory_space<vmem>>) target_semaphore(%run_scoped3A : memref<!tpu.dma_semaphore, #tpu.memory_space<semaphore_mem>>)
      %dma_wait3A_261 = arith.constant 0 : i32
      %dma_wait3A_262 = tpu.memref_slice %arg2[%add3A_34, %dma_wait3A_261] : memref<32768x128xf32, #tpu.memory_space<hbm>> -> memref<128x128xf32, #tpu.memory_space<hbm>>
      %dma_wait3A_263 = arith.constant 0 : i32
      %dma_wait3A_264 = tpu.memref_slice %arg2[%add3A_34, %dma_wait3A_263] : memref<32768x128xf32, #tpu.memory_space<hbm>> -> memref<128x128xf32, #tpu.memory_space<hbm>>
      tpu.wait_dma2 semaphore(%run_scoped3A : memref<!tpu.dma_semaphore, #tpu.memory_space<semaphore_mem>>) src(%dma_wait3A_264 : memref<128x128xf32, #tpu.memory_space<hbm>>) dst(%arg8 : memref<128x128xf32, #tpu.memory_space<vmem>>)
      tpu.yield
    }) : () -> ()
    %add3A_35 = arith.constant 128 : i32
    %add3A_36 = arith.addi %mul3A_2, %add3A_35 : i32
    "tpu.region"() ({
      %run_scoped3A = tpu.sem_alloc : memref<!tpu.dma_semaphore, #tpu.memory_space<semaphore_mem>>
      %dma_start3A_257 = arith.constant 0 : i32
      %dma_start3A_258 = tpu.memref_slice %arg3[%add3A_36, %dma_start3A_257] : memref<32768x128xf32, #tpu.memory_space<hbm>> -> memref<128x128xf32, #tpu.memory_space<hbm>>
      %dma_start3A_259 = arith.constant 0 : i32
      %dma_start3A_260 = tpu.memref_slice %arg3[%add3A_36, %dma_start3A_259] : memref<32768x128xf32, #tpu.memory_space<hbm>> -> memref<128x128xf32, #tpu.memory_space<hbm>>
      tpu.enqueue_dma source(%dma_start3A_260 : memref<128x128xf32, #tpu.memory_space<hbm>>) target(%arg9 : memref<128x128xf32, #tpu.memory_space<vmem>>) target_semaphore(%run_scoped3A : memref<!tpu.dma_semaphore, #tpu.memory_space<semaphore_mem>>)
      %dma_wait3A_261 = arith.constant 0 : i32
      %dma_wait3A_262 = tpu.memref_slice %arg3[%add3A_36, %dma_wait3A_261] : memref<32768x128xf32, #tpu.memory_space<hbm>> -> memref<128x128xf32, #tpu.memory_space<hbm>>
      %dma_wait3A_263 = arith.constant 0 : i32
      %dma_wait3A_264 = tpu.memref_slice %arg3[%add3A_36, %dma_wait3A_263] : memref<32768x128xf32, #tpu.memory_space<hbm>> -> memref<128x128xf32, #tpu.memory_space<hbm>>
      tpu.wait_dma2 semaphore(%run_scoped3A : memref<!tpu.dma_semaphore, #tpu.memory_space<semaphore_mem>>) src(%dma_wait3A_264 : memref<128x128xf32, #tpu.memory_space<hbm>>) dst(%arg9 : memref<128x128xf32, #tpu.memory_space<vmem>>)
      tpu.yield
    }) : () -> ()
    %dma_start3A_37 = arith.constant 1 : i32
    %dma_start3A_38 = arith.constant 0 : i32
    %dma_start3A_39 = tpu.memref_slice %arg7[%dma_start3A_37, %dma_start3A_38] : memref<8x128xi32, #tpu.memory_space<vmem>> -> memref<1x128xi32, #tpu.memory_space<vmem>>
    %dma_start3A_40 = tpu.memref_squeeze %dma_start3A_39 : memref<1x128xi32, #tpu.memory_space<vmem>> -> memref<128xi32, #tpu.memory_space<vmem>>
    %dma_start3A_41 = arith.constant 0 : i32
    %dma_start3A_42 = arith.constant 0 : i32
    %dma_start3A_43 = tpu.memref_slice %arg5[%dma_start3A_41, %dma_start3A_42] : memref<49152x128xf32, #tpu.memory_space<hbm>> -> memref<49152x128xf32, #tpu.memory_space<hbm>>
    tpu.enqueue_indirect_dma source(%arg8 : memref<128x128xf32, #tpu.memory_space<vmem>>) target(%dma_start3A_43 : memref<49152x128xf32, #tpu.memory_space<hbm>>) offsets(%dma_start3A_40 : memref<128xi32, #tpu.memory_space<vmem>>) semaphore(%arg10 : memref<!tpu.dma_semaphore, #tpu.memory_space<semaphore_mem>>)
    %dma_start3A_44 = arith.constant 1 : i32
    %dma_start3A_45 = arith.constant 0 : i32
    %dma_start3A_46 = tpu.memref_slice %arg7[%dma_start3A_44, %dma_start3A_45] : memref<8x128xi32, #tpu.memory_space<vmem>> -> memref<1x128xi32, #tpu.memory_space<vmem>>
    %dma_start3A_47 = tpu.memref_squeeze %dma_start3A_46 : memref<1x128xi32, #tpu.memory_space<vmem>> -> memref<128xi32, #tpu.memory_space<vmem>>
    %dma_start3A_48 = arith.constant 0 : i32
    %dma_start3A_49 = arith.constant 0 : i32
    %dma_start3A_50 = tpu.memref_slice %arg6[%dma_start3A_48, %dma_start3A_49] : memref<49152x128xf32, #tpu.memory_space<hbm>> -> memref<49152x128xf32, #tpu.memory_space<hbm>>
    tpu.enqueue_indirect_dma source(%arg9 : memref<128x128xf32, #tpu.memory_space<vmem>>) target(%dma_start3A_50 : memref<49152x128xf32, #tpu.memory_space<hbm>>) offsets(%dma_start3A_47 : memref<128xi32, #tpu.memory_space<vmem>>) semaphore(%arg11 : memref<!tpu.dma_semaphore, #tpu.memory_space<semaphore_mem>>)
    %dma_wait3A_51 = arith.constant 1 : i32
    %dma_wait3A_52 = arith.constant 0 : i32
    %dma_wait3A_53 = tpu.memref_slice %arg7[%dma_wait3A_51, %dma_wait3A_52] : memref<8x128xi32, #tpu.memory_space<vmem>> -> memref<1x128xi32, #tpu.memory_space<vmem>>
    %dma_wait3A_54 = tpu.memref_squeeze %dma_wait3A_53 : memref<1x128xi32, #tpu.memory_space<vmem>> -> memref<128xi32, #tpu.memory_space<vmem>>
    %dma_wait3A_55 = arith.constant 0 : i32
    %dma_wait3A_56 = arith.constant 0 : i32
    %dma_wait3A_57 = tpu.memref_slice %arg5[%dma_wait3A_55, %dma_wait3A_56] : memref<49152x128xf32, #tpu.memory_space<hbm>> -> memref<49152x128xf32, #tpu.memory_space<hbm>>
    tpu.wait_indirect_dma semaphore(%arg10 : memref<!tpu.dma_semaphore, #tpu.memory_space<semaphore_mem>>) src(%arg8 : memref<128x128xf32, #tpu.memory_space<vmem>>) dst(%dma_wait3A_57 : memref<49152x128xf32, #tpu.memory_space<hbm>>)
    %dma_wait3A_58 = arith.constant 1 : i32
    %dma_wait3A_59 = arith.constant 0 : i32
    %dma_wait3A_60 = tpu.memref_slice %arg7[%dma_wait3A_58, %dma_wait3A_59] : memref<8x128xi32, #tpu.memory_space<vmem>> -> memref<1x128xi32, #tpu.memory_space<vmem>>
    %dma_wait3A_61 = tpu.memref_squeeze %dma_wait3A_60 : memref<1x128xi32, #tpu.memory_space<vmem>> -> memref<128xi32, #tpu.memory_space<vmem>>
    %dma_wait3A_62 = arith.constant 0 : i32
    %dma_wait3A_63 = arith.constant 0 : i32
    %dma_wait3A_64 = tpu.memref_slice %arg6[%dma_wait3A_62, %dma_wait3A_63] : memref<49152x128xf32, #tpu.memory_space<hbm>> -> memref<49152x128xf32, #tpu.memory_space<hbm>>
    tpu.wait_indirect_dma semaphore(%arg11 : memref<!tpu.dma_semaphore, #tpu.memory_space<semaphore_mem>>) src(%arg9 : memref<128x128xf32, #tpu.memory_space<vmem>>) dst(%dma_wait3A_64 : memref<49152x128xf32, #tpu.memory_space<hbm>>)
    %add3A_65 = arith.constant 256 : i32
    %add3A_66 = arith.addi %mul3A_2, %add3A_65 : i32
    "tpu.region"() ({
      %run_scoped3A = tpu.sem_alloc : memref<!tpu.dma_semaphore, #tpu.memory_space<semaphore_mem>>
      %dma_start3A_257 = arith.constant 0 : i32
      %dma_start3A_258 = tpu.memref_slice %arg2[%add3A_66, %dma_start3A_257] : memref<32768x128xf32, #tpu.memory_space<hbm>> -> memref<128x128xf32, #tpu.memory_space<hbm>>
      %dma_start3A_259 = arith.constant 0 : i32
      %dma_start3A_260 = tpu.memref_slice %arg2[%add3A_66, %dma_start3A_259] : memref<32768x128xf32, #tpu.memory_space<hbm>> -> memref<128x128xf32, #tpu.memory_space<hbm>>
      tpu.enqueue_dma source(%dma_start3A_260 : memref<128x128xf32, #tpu.memory_space<hbm>>) target(%arg8 : memref<128x128xf32, #tpu.memory_space<vmem>>) target_semaphore(%run_scoped3A : memref<!tpu.dma_semaphore, #tpu.memory_space<semaphore_mem>>)
      %dma_wait3A_261 = arith.constant 0 : i32
      %dma_wait3A_262 = tpu.memref_slice %arg2[%add3A_66, %dma_wait3A_261] : memref<32768x128xf32, #tpu.memory_space<hbm>> -> memref<128x128xf32, #tpu.memory_space<hbm>>
      %dma_wait3A_263 = arith.constant 0 : i32
      %dma_wait3A_264 = tpu.memref_slice %arg2[%add3A_66, %dma_wait3A_263] : memref<32768x128xf32, #tpu.memory_space<hbm>> -> memref<128x128xf32, #tpu.memory_space<hbm>>
      tpu.wait_dma2 semaphore(%run_scoped3A : memref<!tpu.dma_semaphore, #tpu.memory_space<semaphore_mem>>) src(%dma_wait3A_264 : memref<128x128xf32, #tpu.memory_space<hbm>>) dst(%arg8 : memref<128x128xf32, #tpu.memory_space<vmem>>)
      tpu.yield
    }) : () -> ()
    %add3A_67 = arith.constant 256 : i32
    %add3A_68 = arith.addi %mul3A_2, %add3A_67 : i32
    "tpu.region"() ({
      %run_scoped3A = tpu.sem_alloc : memref<!tpu.dma_semaphore, #tpu.memory_space<semaphore_mem>>
      %dma_start3A_257 = arith.constant 0 : i32
      %dma_start3A_258 = tpu.memref_slice %arg3[%add3A_68, %dma_start3A_257] : memref<32768x128xf32, #tpu.memory_space<hbm>> -> memref<128x128xf32, #tpu.memory_space<hbm>>
      %dma_start3A_259 = arith.constant 0 : i32
      %dma_start3A_260 = tpu.memref_slice %arg3[%add3A_68, %dma_start3A_259] : memref<32768x128xf32, #tpu.memory_space<hbm>> -> memref<128x128xf32, #tpu.memory_space<hbm>>
      tpu.enqueue_dma source(%dma_start3A_260 : memref<128x128xf32, #tpu.memory_space<hbm>>) target(%arg9 : memref<128x128xf32, #tpu.memory_space<vmem>>) target_semaphore(%run_scoped3A : memref<!tpu.dma_semaphore, #tpu.memory_space<semaphore_mem>>)
      %dma_wait3A_261 = arith.constant 0 : i32
      %dma_wait3A_262 = tpu.memref_slice %arg3[%add3A_68, %dma_wait3A_261] : memref<32768x128xf32, #tpu.memory_space<hbm>> -> memref<128x128xf32, #tpu.memory_space<hbm>>
      %dma_wait3A_263 = arith.constant 0 : i32
      %dma_wait3A_264 = tpu.memref_slice %arg3[%add3A_68, %dma_wait3A_263] : memref<32768x128xf32, #tpu.memory_space<hbm>> -> memref<128x128xf32, #tpu.memory_space<hbm>>
      tpu.wait_dma2 semaphore(%run_scoped3A : memref<!tpu.dma_semaphore, #tpu.memory_space<semaphore_mem>>) src(%dma_wait3A_264 : memref<128x128xf32, #tpu.memory_space<hbm>>) dst(%arg9 : memref<128x128xf32, #tpu.memory_space<vmem>>)
      tpu.yield
    }) : () -> ()
    %dma_start3A_69 = arith.constant 2 : i32
    %dma_start3A_70 = arith.constant 0 : i32
    %dma_start3A_71 = tpu.memref_slice %arg7[%dma_start3A_69, %dma_start3A_70] : memref<8x128xi32, #tpu.memory_space<vmem>> -> memref<1x128xi32, #tpu.memory_space<vmem>>
    %dma_start3A_72 = tpu.memref_squeeze %dma_start3A_71 : memref<1x128xi32, #tpu.memory_space<vmem>> -> memref<128xi32, #tpu.memory_space<vmem>>
    %dma_start3A_73 = arith.constant 0 : i32
    %dma_start3A_74 = arith.constant 0 : i32
    %dma_start3A_75 = tpu.memref_slice %arg5[%dma_start3A_73, %dma_start3A_74] : memref<49152x128xf32, #tpu.memory_space<hbm>> -> memref<49152x128xf32, #tpu.memory_space<hbm>>
    tpu.enqueue_indirect_dma source(%arg8 : memref<128x128xf32, #tpu.memory_space<vmem>>) target(%dma_start3A_75 : memref<49152x128xf32, #tpu.memory_space<hbm>>) offsets(%dma_start3A_72 : memref<128xi32, #tpu.memory_space<vmem>>) semaphore(%arg10 : memref<!tpu.dma_semaphore, #tpu.memory_space<semaphore_mem>>)
    %dma_start3A_76 = arith.constant 2 : i32
    %dma_start3A_77 = arith.constant 0 : i32
    %dma_start3A_78 = tpu.memref_slice %arg7[%dma_start3A_76, %dma_start3A_77] : memref<8x128xi32, #tpu.memory_space<vmem>> -> memref<1x128xi32, #tpu.memory_space<vmem>>
    %dma_start3A_79 = tpu.memref_squeeze %dma_start3A_78 : memref<1x128xi32, #tpu.memory_space<vmem>> -> memref<128xi32, #tpu.memory_space<vmem>>
    %dma_start3A_80 = arith.constant 0 : i32
    %dma_start3A_81 = arith.constant 0 : i32
    %dma_start3A_82 = tpu.memref_slice %arg6[%dma_start3A_80, %dma_start3A_81] : memref<49152x128xf32, #tpu.memory_space<hbm>> -> memref<49152x128xf32, #tpu.memory_space<hbm>>
    tpu.enqueue_indirect_dma source(%arg9 : memref<128x128xf32, #tpu.memory_space<vmem>>) target(%dma_start3A_82 : memref<49152x128xf32, #tpu.memory_space<hbm>>) offsets(%dma_start3A_79 : memref<128xi32, #tpu.memory_space<vmem>>) semaphore(%arg11 : memref<!tpu.dma_semaphore, #tpu.memory_space<semaphore_mem>>)
    %dma_wait3A_83 = arith.constant 2 : i32
    %dma_wait3A_84 = arith.constant 0 : i32
    %dma_wait3A_85 = tpu.memref_slice %arg7[%dma_wait3A_83, %dma_wait3A_84] : memref<8x128xi32, #tpu.memory_space<vmem>> -> memref<1x128xi32, #tpu.memory_space<vmem>>
    %dma_wait3A_86 = tpu.memref_squeeze %dma_wait3A_85 : memref<1x128xi32, #tpu.memory_space<vmem>> -> memref<128xi32, #tpu.memory_space<vmem>>
    %dma_wait3A_87 = arith.constant 0 : i32
    %dma_wait3A_88 = arith.constant 0 : i32
    %dma_wait3A_89 = tpu.memref_slice %arg5[%dma_wait3A_87, %dma_wait3A_88] : memref<49152x128xf32, #tpu.memory_space<hbm>> -> memref<49152x128xf32, #tpu.memory_space<hbm>>
    tpu.wait_indirect_dma semaphore(%arg10 : memref<!tpu.dma_semaphore, #tpu.memory_space<semaphore_mem>>) src(%arg8 : memref<128x128xf32, #tpu.memory_space<vmem>>) dst(%dma_wait3A_89 : memref<49152x128xf32, #tpu.memory_space<hbm>>)
    %dma_wait3A_90 = arith.constant 2 : i32
    %dma_wait3A_91 = arith.constant 0 : i32
    %dma_wait3A_92 = tpu.memref_slice %arg7[%dma_wait3A_90, %dma_wait3A_91] : memref<8x128xi32, #tpu.memory_space<vmem>> -> memref<1x128xi32, #tpu.memory_space<vmem>>
    %dma_wait3A_93 = tpu.memref_squeeze %dma_wait3A_92 : memref<1x128xi32, #tpu.memory_space<vmem>> -> memref<128xi32, #tpu.memory_space<vmem>>
    %dma_wait3A_94 = arith.constant 0 : i32
    %dma_wait3A_95 = arith.constant 0 : i32
    %dma_wait3A_96 = tpu.memref_slice %arg6[%dma_wait3A_94, %dma_wait3A_95] : memref<49152x128xf32, #tpu.memory_space<hbm>> -> memref<49152x128xf32, #tpu.memory_space<hbm>>
    tpu.wait_indirect_dma semaphore(%arg11 : memref<!tpu.dma_semaphore, #tpu.memory_space<semaphore_mem>>) src(%arg9 : memref<128x128xf32, #tpu.memory_space<vmem>>) dst(%dma_wait3A_96 : memref<49152x128xf32, #tpu.memory_space<hbm>>)
    %add3A_97 = arith.constant 384 : i32
    %add3A_98 = arith.addi %mul3A_2, %add3A_97 : i32
    "tpu.region"() ({
      %run_scoped3A = tpu.sem_alloc : memref<!tpu.dma_semaphore, #tpu.memory_space<semaphore_mem>>
      %dma_start3A_257 = arith.constant 0 : i32
      %dma_start3A_258 = tpu.memref_slice %arg2[%add3A_98, %dma_start3A_257] : memref<32768x128xf32, #tpu.memory_space<hbm>> -> memref<128x128xf32, #tpu.memory_space<hbm>>
      %dma_start3A_259 = arith.constant 0 : i32
      %dma_start3A_260 = tpu.memref_slice %arg2[%add3A_98, %dma_start3A_259] : memref<32768x128xf32, #tpu.memory_space<hbm>> -> memref<128x128xf32, #tpu.memory_space<hbm>>
      tpu.enqueue_dma source(%dma_start3A_260 : memref<128x128xf32, #tpu.memory_space<hbm>>) target(%arg8 : memref<128x128xf32, #tpu.memory_space<vmem>>) target_semaphore(%run_scoped3A : memref<!tpu.dma_semaphore, #tpu.memory_space<semaphore_mem>>)
      %dma_wait3A_261 = arith.constant 0 : i32
      %dma_wait3A_262 = tpu.memref_slice %arg2[%add3A_98, %dma_wait3A_261] : memref<32768x128xf32, #tpu.memory_space<hbm>> -> memref<128x128xf32, #tpu.memory_space<hbm>>
      %dma_wait3A_263 = arith.constant 0 : i32
      %dma_wait3A_264 = tpu.memref_slice %arg2[%add3A_98, %dma_wait3A_263] : memref<32768x128xf32, #tpu.memory_space<hbm>> -> memref<128x128xf32, #tpu.memory_space<hbm>>
      tpu.wait_dma2 semaphore(%run_scoped3A : memref<!tpu.dma_semaphore, #tpu.memory_space<semaphore_mem>>) src(%dma_wait3A_264 : memref<128x128xf32, #tpu.memory_space<hbm>>) dst(%arg8 : memref<128x128xf32, #tpu.memory_space<vmem>>)
      tpu.yield
    }) : () -> ()
    %add3A_99 = arith.constant 384 : i32
    %add3A_100 = arith.addi %mul3A_2, %add3A_99 : i32
    "tpu.region"() ({
      %run_scoped3A = tpu.sem_alloc : memref<!tpu.dma_semaphore, #tpu.memory_space<semaphore_mem>>
      %dma_start3A_257 = arith.constant 0 : i32
      %dma_start3A_258 = tpu.memref_slice %arg3[%add3A_100, %dma_start3A_257] : memref<32768x128xf32, #tpu.memory_space<hbm>> -> memref<128x128xf32, #tpu.memory_space<hbm>>
      %dma_start3A_259 = arith.constant 0 : i32
      %dma_start3A_260 = tpu.memref_slice %arg3[%add3A_100, %dma_start3A_259] : memref<32768x128xf32, #tpu.memory_space<hbm>> -> memref<128x128xf32, #tpu.memory_space<hbm>>
      tpu.enqueue_dma source(%dma_start3A_260 : memref<128x128xf32, #tpu.memory_space<hbm>>) target(%arg9 : memref<128x128xf32, #tpu.memory_space<vmem>>) target_semaphore(%run_scoped3A : memref<!tpu.dma_semaphore, #tpu.memory_space<semaphore_mem>>)
      %dma_wait3A_261 = arith.constant 0 : i32
      %dma_wait3A_262 = tpu.memref_slice %arg3[%add3A_100, %dma_wait3A_261] : memref<32768x128xf32, #tpu.memory_space<hbm>> -> memref<128x128xf32, #tpu.memory_space<hbm>>
      %dma_wait3A_263 = arith.constant 0 : i32
      %dma_wait3A_264 = tpu.memref_slice %arg3[%add3A_100, %dma_wait3A_263] : memref<32768x128xf32, #tpu.memory_space<hbm>> -> memref<128x128xf32, #tpu.memory_space<hbm>>
      tpu.wait_dma2 semaphore(%run_scoped3A : memref<!tpu.dma_semaphore, #tpu.memory_space<semaphore_mem>>) src(%dma_wait3A_264 : memref<128x128xf32, #tpu.memory_space<hbm>>) dst(%arg9 : memref<128x128xf32, #tpu.memory_space<vmem>>)
      tpu.yield
    }) : () -> ()
    %dma_start3A_101 = arith.constant 3 : i32
    %dma_start3A_102 = arith.constant 0 : i32
    %dma_start3A_103 = tpu.memref_slice %arg7[%dma_start3A_101, %dma_start3A_102] : memref<8x128xi32, #tpu.memory_space<vmem>> -> memref<1x128xi32, #tpu.memory_space<vmem>>
    %dma_start3A_104 = tpu.memref_squeeze %dma_start3A_103 : memref<1x128xi32, #tpu.memory_space<vmem>> -> memref<128xi32, #tpu.memory_space<vmem>>
    %dma_start3A_105 = arith.constant 0 : i32
    %dma_start3A_106 = arith.constant 0 : i32
    %dma_start3A_107 = tpu.memref_slice %arg5[%dma_start3A_105, %dma_start3A_106] : memref<49152x128xf32, #tpu.memory_space<hbm>> -> memref<49152x128xf32, #tpu.memory_space<hbm>>
    tpu.enqueue_indirect_dma source(%arg8 : memref<128x128xf32, #tpu.memory_space<vmem>>) target(%dma_start3A_107 : memref<49152x128xf32, #tpu.memory_space<hbm>>) offsets(%dma_start3A_104 : memref<128xi32, #tpu.memory_space<vmem>>) semaphore(%arg10 : memref<!tpu.dma_semaphore, #tpu.memory_space<semaphore_mem>>)
    %dma_start3A_108 = arith.constant 3 : i32
    %dma_start3A_109 = arith.constant 0 : i32
    %dma_start3A_110 = tpu.memref_slice %arg7[%dma_start3A_108, %dma_start3A_109] : memref<8x128xi32, #tpu.memory_space<vmem>> -> memref<1x128xi32, #tpu.memory_space<vmem>>
    %dma_start3A_111 = tpu.memref_squeeze %dma_start3A_110 : memref<1x128xi32, #tpu.memory_space<vmem>> -> memref<128xi32, #tpu.memory_space<vmem>>
    %dma_start3A_112 = arith.constant 0 : i32
    %dma_start3A_113 = arith.constant 0 : i32
    %dma_start3A_114 = tpu.memref_slice %arg6[%dma_start3A_112, %dma_start3A_113] : memref<49152x128xf32, #tpu.memory_space<hbm>> -> memref<49152x128xf32, #tpu.memory_space<hbm>>
    tpu.enqueue_indirect_dma source(%arg9 : memref<128x128xf32, #tpu.memory_space<vmem>>) target(%dma_start3A_114 : memref<49152x128xf32, #tpu.memory_space<hbm>>) offsets(%dma_start3A_111 : memref<128xi32, #tpu.memory_space<vmem>>) semaphore(%arg11 : memref<!tpu.dma_semaphore, #tpu.memory_space<semaphore_mem>>)
    %dma_wait3A_115 = arith.constant 3 : i32
    %dma_wait3A_116 = arith.constant 0 : i32
    %dma_wait3A_117 = tpu.memref_slice %arg7[%dma_wait3A_115, %dma_wait3A_116] : memref<8x128xi32, #tpu.memory_space<vmem>> -> memref<1x128xi32, #tpu.memory_space<vmem>>
    %dma_wait3A_118 = tpu.memref_squeeze %dma_wait3A_117 : memref<1x128xi32, #tpu.memory_space<vmem>> -> memref<128xi32, #tpu.memory_space<vmem>>
    %dma_wait3A_119 = arith.constant 0 : i32
    %dma_wait3A_120 = arith.constant 0 : i32
    %dma_wait3A_121 = tpu.memref_slice %arg5[%dma_wait3A_119, %dma_wait3A_120] : memref<49152x128xf32, #tpu.memory_space<hbm>> -> memref<49152x128xf32, #tpu.memory_space<hbm>>
    tpu.wait_indirect_dma semaphore(%arg10 : memref<!tpu.dma_semaphore, #tpu.memory_space<semaphore_mem>>) src(%arg8 : memref<128x128xf32, #tpu.memory_space<vmem>>) dst(%dma_wait3A_121 : memref<49152x128xf32, #tpu.memory_space<hbm>>)
    %dma_wait3A_122 = arith.constant 3 : i32
    %dma_wait3A_123 = arith.constant 0 : i32
    %dma_wait3A_124 = tpu.memref_slice %arg7[%dma_wait3A_122, %dma_wait3A_123] : memref<8x128xi32, #tpu.memory_space<vmem>> -> memref<1x128xi32, #tpu.memory_space<vmem>>
    %dma_wait3A_125 = tpu.memref_squeeze %dma_wait3A_124 : memref<1x128xi32, #tpu.memory_space<vmem>> -> memref<128xi32, #tpu.memory_space<vmem>>
    %dma_wait3A_126 = arith.constant 0 : i32
    %dma_wait3A_127 = arith.constant 0 : i32
    %dma_wait3A_128 = tpu.memref_slice %arg6[%dma_wait3A_126, %dma_wait3A_127] : memref<49152x128xf32, #tpu.memory_space<hbm>> -> memref<49152x128xf32, #tpu.memory_space<hbm>>
    tpu.wait_indirect_dma semaphore(%arg11 : memref<!tpu.dma_semaphore, #tpu.memory_space<semaphore_mem>>) src(%arg9 : memref<128x128xf32, #tpu.memory_space<vmem>>) dst(%dma_wait3A_128 : memref<49152x128xf32, #tpu.memory_space<hbm>>)
    %add3A_129 = arith.constant 512 : i32
    %add3A_130 = arith.addi %mul3A_2, %add3A_129 : i32
    "tpu.region"() ({
      %run_scoped3A = tpu.sem_alloc : memref<!tpu.dma_semaphore, #tpu.memory_space<semaphore_mem>>
      %dma_start3A_257 = arith.constant 0 : i32
      %dma_start3A_258 = tpu.memref_slice %arg2[%add3A_130, %dma_start3A_257] : memref<32768x128xf32, #tpu.memory_space<hbm>> -> memref<128x128xf32, #tpu.memory_space<hbm>>
      %dma_start3A_259 = arith.constant 0 : i32
      %dma_start3A_260 = tpu.memref_slice %arg2[%add3A_130, %dma_start3A_259] : memref<32768x128xf32, #tpu.memory_space<hbm>> -> memref<128x128xf32, #tpu.memory_space<hbm>>
      tpu.enqueue_dma source(%dma_start3A_260 : memref<128x128xf32, #tpu.memory_space<hbm>>) target(%arg8 : memref<128x128xf32, #tpu.memory_space<vmem>>) target_semaphore(%run_scoped3A : memref<!tpu.dma_semaphore, #tpu.memory_space<semaphore_mem>>)
      %dma_wait3A_261 = arith.constant 0 : i32
      %dma_wait3A_262 = tpu.memref_slice %arg2[%add3A_130, %dma_wait3A_261] : memref<32768x128xf32, #tpu.memory_space<hbm>> -> memref<128x128xf32, #tpu.memory_space<hbm>>
      %dma_wait3A_263 = arith.constant 0 : i32
      %dma_wait3A_264 = tpu.memref_slice %arg2[%add3A_130, %dma_wait3A_263] : memref<32768x128xf32, #tpu.memory_space<hbm>> -> memref<128x128xf32, #tpu.memory_space<hbm>>
      tpu.wait_dma2 semaphore(%run_scoped3A : memref<!tpu.dma_semaphore, #tpu.memory_space<semaphore_mem>>) src(%dma_wait3A_264 : memref<128x128xf32, #tpu.memory_space<hbm>>) dst(%arg8 : memref<128x128xf32, #tpu.memory_space<vmem>>)
      tpu.yield
    }) : () -> ()
    %add3A_131 = arith.constant 512 : i32
    %add3A_132 = arith.addi %mul3A_2, %add3A_131 : i32
    "tpu.region"() ({
      %run_scoped3A = tpu.sem_alloc : memref<!tpu.dma_semaphore, #tpu.memory_space<semaphore_mem>>
      %dma_start3A_257 = arith.constant 0 : i32
      %dma_start3A_258 = tpu.memref_slice %arg3[%add3A_132, %dma_start3A_257] : memref<32768x128xf32, #tpu.memory_space<hbm>> -> memref<128x128xf32, #tpu.memory_space<hbm>>
      %dma_start3A_259 = arith.constant 0 : i32
      %dma_start3A_260 = tpu.memref_slice %arg3[%add3A_132, %dma_start3A_259] : memref<32768x128xf32, #tpu.memory_space<hbm>> -> memref<128x128xf32, #tpu.memory_space<hbm>>
      tpu.enqueue_dma source(%dma_start3A_260 : memref<128x128xf32, #tpu.memory_space<hbm>>) target(%arg9 : memref<128x128xf32, #tpu.memory_space<vmem>>) target_semaphore(%run_scoped3A : memref<!tpu.dma_semaphore, #tpu.memory_space<semaphore_mem>>)
      %dma_wait3A_261 = arith.constant 0 : i32
      %dma_wait3A_262 = tpu.memref_slice %arg3[%add3A_132, %dma_wait3A_261] : memref<32768x128xf32, #tpu.memory_space<hbm>> -> memref<128x128xf32, #tpu.memory_space<hbm>>
      %dma_wait3A_263 = arith.constant 0 : i32
      %dma_wait3A_264 = tpu.memref_slice %arg3[%add3A_132, %dma_wait3A_263] : memref<32768x128xf32, #tpu.memory_space<hbm>> -> memref<128x128xf32, #tpu.memory_space<hbm>>
      tpu.wait_dma2 semaphore(%run_scoped3A : memref<!tpu.dma_semaphore, #tpu.memory_space<semaphore_mem>>) src(%dma_wait3A_264 : memref<128x128xf32, #tpu.memory_space<hbm>>) dst(%arg9 : memref<128x128xf32, #tpu.memory_space<vmem>>)
      tpu.yield
    }) : () -> ()
    %dma_start3A_133 = arith.constant 4 : i32
    %dma_start3A_134 = arith.constant 0 : i32
    %dma_start3A_135 = tpu.memref_slice %arg7[%dma_start3A_133, %dma_start3A_134] : memref<8x128xi32, #tpu.memory_space<vmem>> -> memref<1x128xi32, #tpu.memory_space<vmem>>
    %dma_start3A_136 = tpu.memref_squeeze %dma_start3A_135 : memref<1x128xi32, #tpu.memory_space<vmem>> -> memref<128xi32, #tpu.memory_space<vmem>>
    %dma_start3A_137 = arith.constant 0 : i32
    %dma_start3A_138 = arith.constant 0 : i32
    %dma_start3A_139 = tpu.memref_slice %arg5[%dma_start3A_137, %dma_start3A_138] : memref<49152x128xf32, #tpu.memory_space<hbm>> -> memref<49152x128xf32, #tpu.memory_space<hbm>>
    tpu.enqueue_indirect_dma source(%arg8 : memref<128x128xf32, #tpu.memory_space<vmem>>) target(%dma_start3A_139 : memref<49152x128xf32, #tpu.memory_space<hbm>>) offsets(%dma_start3A_136 : memref<128xi32, #tpu.memory_space<vmem>>) semaphore(%arg10 : memref<!tpu.dma_semaphore, #tpu.memory_space<semaphore_mem>>)
    %dma_start3A_140 = arith.constant 4 : i32
    %dma_start3A_141 = arith.constant 0 : i32
    %dma_start3A_142 = tpu.memref_slice %arg7[%dma_start3A_140, %dma_start3A_141] : memref<8x128xi32, #tpu.memory_space<vmem>> -> memref<1x128xi32, #tpu.memory_space<vmem>>
    %dma_start3A_143 = tpu.memref_squeeze %dma_start3A_142 : memref<1x128xi32, #tpu.memory_space<vmem>> -> memref<128xi32, #tpu.memory_space<vmem>>
    %dma_start3A_144 = arith.constant 0 : i32
    %dma_start3A_145 = arith.constant 0 : i32
    %dma_start3A_146 = tpu.memref_slice %arg6[%dma_start3A_144, %dma_start3A_145] : memref<49152x128xf32, #tpu.memory_space<hbm>> -> memref<49152x128xf32, #tpu.memory_space<hbm>>
    tpu.enqueue_indirect_dma source(%arg9 : memref<128x128xf32, #tpu.memory_space<vmem>>) target(%dma_start3A_146 : memref<49152x128xf32, #tpu.memory_space<hbm>>) offsets(%dma_start3A_143 : memref<128xi32, #tpu.memory_space<vmem>>) semaphore(%arg11 : memref<!tpu.dma_semaphore, #tpu.memory_space<semaphore_mem>>)
    %dma_wait3A_147 = arith.constant 4 : i32
    %dma_wait3A_148 = arith.constant 0 : i32
    %dma_wait3A_149 = tpu.memref_slice %arg7[%dma_wait3A_147, %dma_wait3A_148] : memref<8x128xi32, #tpu.memory_space<vmem>> -> memref<1x128xi32, #tpu.memory_space<vmem>>
    %dma_wait3A_150 = tpu.memref_squeeze %dma_wait3A_149 : memref<1x128xi32, #tpu.memory_space<vmem>> -> memref<128xi32, #tpu.memory_space<vmem>>
    %dma_wait3A_151 = arith.constant 0 : i32
    %dma_wait3A_152 = arith.constant 0 : i32
    %dma_wait3A_153 = tpu.memref_slice %arg5[%dma_wait3A_151, %dma_wait3A_152] : memref<49152x128xf32, #tpu.memory_space<hbm>> -> memref<49152x128xf32, #tpu.memory_space<hbm>>
    tpu.wait_indirect_dma semaphore(%arg10 : memref<!tpu.dma_semaphore, #tpu.memory_space<semaphore_mem>>) src(%arg8 : memref<128x128xf32, #tpu.memory_space<vmem>>) dst(%dma_wait3A_153 : memref<49152x128xf32, #tpu.memory_space<hbm>>)
    %dma_wait3A_154 = arith.constant 4 : i32
    %dma_wait3A_155 = arith.constant 0 : i32
    %dma_wait3A_156 = tpu.memref_slice %arg7[%dma_wait3A_154, %dma_wait3A_155] : memref<8x128xi32, #tpu.memory_space<vmem>> -> memref<1x128xi32, #tpu.memory_space<vmem>>
    %dma_wait3A_157 = tpu.memref_squeeze %dma_wait3A_156 : memref<1x128xi32, #tpu.memory_space<vmem>> -> memref<128xi32, #tpu.memory_space<vmem>>
    %dma_wait3A_158 = arith.constant 0 : i32
    %dma_wait3A_159 = arith.constant 0 : i32
    %dma_wait3A_160 = tpu.memref_slice %arg6[%dma_wait3A_158, %dma_wait3A_159] : memref<49152x128xf32, #tpu.memory_space<hbm>> -> memref<49152x128xf32, #tpu.memory_space<hbm>>
    tpu.wait_indirect_dma semaphore(%arg11 : memref<!tpu.dma_semaphore, #tpu.memory_space<semaphore_mem>>) src(%arg9 : memref<128x128xf32, #tpu.memory_space<vmem>>) dst(%dma_wait3A_160 : memref<49152x128xf32, #tpu.memory_space<hbm>>)
    %add3A_161 = arith.constant 640 : i32
    %add3A_162 = arith.addi %mul3A_2, %add3A_161 : i32
    "tpu.region"() ({
      %run_scoped3A = tpu.sem_alloc : memref<!tpu.dma_semaphore, #tpu.memory_space<semaphore_mem>>
      %dma_start3A_257 = arith.constant 0 : i32
      %dma_start3A_258 = tpu.memref_slice %arg2[%add3A_162, %dma_start3A_257] : memref<32768x128xf32, #tpu.memory_space<hbm>> -> memref<128x128xf32, #tpu.memory_space<hbm>>
      %dma_start3A_259 = arith.constant 0 : i32
      %dma_start3A_260 = tpu.memref_slice %arg2[%add3A_162, %dma_start3A_259] : memref<32768x128xf32, #tpu.memory_space<hbm>> -> memref<128x128xf32, #tpu.memory_space<hbm>>
      tpu.enqueue_dma source(%dma_start3A_260 : memref<128x128xf32, #tpu.memory_space<hbm>>) target(%arg8 : memref<128x128xf32, #tpu.memory_space<vmem>>) target_semaphore(%run_scoped3A : memref<!tpu.dma_semaphore, #tpu.memory_space<semaphore_mem>>)
      %dma_wait3A_261 = arith.constant 0 : i32
      %dma_wait3A_262 = tpu.memref_slice %arg2[%add3A_162, %dma_wait3A_261] : memref<32768x128xf32, #tpu.memory_space<hbm>> -> memref<128x128xf32, #tpu.memory_space<hbm>>
      %dma_wait3A_263 = arith.constant 0 : i32
      %dma_wait3A_264 = tpu.memref_slice %arg2[%add3A_162, %dma_wait3A_263] : memref<32768x128xf32, #tpu.memory_space<hbm>> -> memref<128x128xf32, #tpu.memory_space<hbm>>
      tpu.wait_dma2 semaphore(%run_scoped3A : memref<!tpu.dma_semaphore, #tpu.memory_space<semaphore_mem>>) src(%dma_wait3A_264 : memref<128x128xf32, #tpu.memory_space<hbm>>) dst(%arg8 : memref<128x128xf32, #tpu.memory_space<vmem>>)
      tpu.yield
    }) : () -> ()
    %add3A_163 = arith.constant 640 : i32
    %add3A_164 = arith.addi %mul3A_2, %add3A_163 : i32
    "tpu.region"() ({
      %run_scoped3A = tpu.sem_alloc : memref<!tpu.dma_semaphore, #tpu.memory_space<semaphore_mem>>
      %dma_start3A_257 = arith.constant 0 : i32
      %dma_start3A_258 = tpu.memref_slice %arg3[%add3A_164, %dma_start3A_257] : memref<32768x128xf32, #tpu.memory_space<hbm>> -> memref<128x128xf32, #tpu.memory_space<hbm>>
      %dma_start3A_259 = arith.constant 0 : i32
      %dma_start3A_260 = tpu.memref_slice %arg3[%add3A_164, %dma_start3A_259] : memref<32768x128xf32, #tpu.memory_space<hbm>> -> memref<128x128xf32, #tpu.memory_space<hbm>>
      tpu.enqueue_dma source(%dma_start3A_260 : memref<128x128xf32, #tpu.memory_space<hbm>>) target(%arg9 : memref<128x128xf32, #tpu.memory_space<vmem>>) target_semaphore(%run_scoped3A : memref<!tpu.dma_semaphore, #tpu.memory_space<semaphore_mem>>)
      %dma_wait3A_261 = arith.constant 0 : i32
      %dma_wait3A_262 = tpu.memref_slice %arg3[%add3A_164, %dma_wait3A_261] : memref<32768x128xf32, #tpu.memory_space<hbm>> -> memref<128x128xf32, #tpu.memory_space<hbm>>
      %dma_wait3A_263 = arith.constant 0 : i32
      %dma_wait3A_264 = tpu.memref_slice %arg3[%add3A_164, %dma_wait3A_263] : memref<32768x128xf32, #tpu.memory_space<hbm>> -> memref<128x128xf32, #tpu.memory_space<hbm>>
      tpu.wait_dma2 semaphore(%run_scoped3A : memref<!tpu.dma_semaphore, #tpu.memory_space<semaphore_mem>>) src(%dma_wait3A_264 : memref<128x128xf32, #tpu.memory_space<hbm>>) dst(%arg9 : memref<128x128xf32, #tpu.memory_space<vmem>>)
      tpu.yield
    }) : () -> ()
    %dma_start3A_165 = arith.constant 5 : i32
    %dma_start3A_166 = arith.constant 0 : i32
    %dma_start3A_167 = tpu.memref_slice %arg7[%dma_start3A_165, %dma_start3A_166] : memref<8x128xi32, #tpu.memory_space<vmem>> -> memref<1x128xi32, #tpu.memory_space<vmem>>
    %dma_start3A_168 = tpu.memref_squeeze %dma_start3A_167 : memref<1x128xi32, #tpu.memory_space<vmem>> -> memref<128xi32, #tpu.memory_space<vmem>>
    %dma_start3A_169 = arith.constant 0 : i32
    %dma_start3A_170 = arith.constant 0 : i32
    %dma_start3A_171 = tpu.memref_slice %arg5[%dma_start3A_169, %dma_start3A_170] : memref<49152x128xf32, #tpu.memory_space<hbm>> -> memref<49152x128xf32, #tpu.memory_space<hbm>>
    tpu.enqueue_indirect_dma source(%arg8 : memref<128x128xf32, #tpu.memory_space<vmem>>) target(%dma_start3A_171 : memref<49152x128xf32, #tpu.memory_space<hbm>>) offsets(%dma_start3A_168 : memref<128xi32, #tpu.memory_space<vmem>>) semaphore(%arg10 : memref<!tpu.dma_semaphore, #tpu.memory_space<semaphore_mem>>)
    %dma_start3A_172 = arith.constant 5 : i32
    %dma_start3A_173 = arith.constant 0 : i32
    %dma_start3A_174 = tpu.memref_slice %arg7[%dma_start3A_172, %dma_start3A_173] : memref<8x128xi32, #tpu.memory_space<vmem>> -> memref<1x128xi32, #tpu.memory_space<vmem>>
    %dma_start3A_175 = tpu.memref_squeeze %dma_start3A_174 : memref<1x128xi32, #tpu.memory_space<vmem>> -> memref<128xi32, #tpu.memory_space<vmem>>
    %dma_start3A_176 = arith.constant 0 : i32
    %dma_start3A_177 = arith.constant 0 : i32
    %dma_start3A_178 = tpu.memref_slice %arg6[%dma_start3A_176, %dma_start3A_177] : memref<49152x128xf32, #tpu.memory_space<hbm>> -> memref<49152x128xf32, #tpu.memory_space<hbm>>
    tpu.enqueue_indirect_dma source(%arg9 : memref<128x128xf32, #tpu.memory_space<vmem>>) target(%dma_start3A_178 : memref<49152x128xf32, #tpu.memory_space<hbm>>) offsets(%dma_start3A_175 : memref<128xi32, #tpu.memory_space<vmem>>) semaphore(%arg11 : memref<!tpu.dma_semaphore, #tpu.memory_space<semaphore_mem>>)
    %dma_wait3A_179 = arith.constant 5 : i32
    %dma_wait3A_180 = arith.constant 0 : i32
    %dma_wait3A_181 = tpu.memref_slice %arg7[%dma_wait3A_179, %dma_wait3A_180] : memref<8x128xi32, #tpu.memory_space<vmem>> -> memref<1x128xi32, #tpu.memory_space<vmem>>
    %dma_wait3A_182 = tpu.memref_squeeze %dma_wait3A_181 : memref<1x128xi32, #tpu.memory_space<vmem>> -> memref<128xi32, #tpu.memory_space<vmem>>
    %dma_wait3A_183 = arith.constant 0 : i32
    %dma_wait3A_184 = arith.constant 0 : i32
    %dma_wait3A_185 = tpu.memref_slice %arg5[%dma_wait3A_183, %dma_wait3A_184] : memref<49152x128xf32, #tpu.memory_space<hbm>> -> memref<49152x128xf32, #tpu.memory_space<hbm>>
    tpu.wait_indirect_dma semaphore(%arg10 : memref<!tpu.dma_semaphore, #tpu.memory_space<semaphore_mem>>) src(%arg8 : memref<128x128xf32, #tpu.memory_space<vmem>>) dst(%dma_wait3A_185 : memref<49152x128xf32, #tpu.memory_space<hbm>>)
    %dma_wait3A_186 = arith.constant 5 : i32
    %dma_wait3A_187 = arith.constant 0 : i32
    %dma_wait3A_188 = tpu.memref_slice %arg7[%dma_wait3A_186, %dma_wait3A_187] : memref<8x128xi32, #tpu.memory_space<vmem>> -> memref<1x128xi32, #tpu.memory_space<vmem>>
    %dma_wait3A_189 = tpu.memref_squeeze %dma_wait3A_188 : memref<1x128xi32, #tpu.memory_space<vmem>> -> memref<128xi32, #tpu.memory_space<vmem>>
    %dma_wait3A_190 = arith.constant 0 : i32
    %dma_wait3A_191 = arith.constant 0 : i32
    %dma_wait3A_192 = tpu.memref_slice %arg6[%dma_wait3A_190, %dma_wait3A_191] : memref<49152x128xf32, #tpu.memory_space<hbm>> -> memref<49152x128xf32, #tpu.memory_space<hbm>>
    tpu.wait_indirect_dma semaphore(%arg11 : memref<!tpu.dma_semaphore, #tpu.memory_space<semaphore_mem>>) src(%arg9 : memref<128x128xf32, #tpu.memory_space<vmem>>) dst(%dma_wait3A_192 : memref<49152x128xf32, #tpu.memory_space<hbm>>)
    %add3A_193 = arith.constant 768 : i32
    %add3A_194 = arith.addi %mul3A_2, %add3A_193 : i32
    "tpu.region"() ({
      %run_scoped3A = tpu.sem_alloc : memref<!tpu.dma_semaphore, #tpu.memory_space<semaphore_mem>>
      %dma_start3A_257 = arith.constant 0 : i32
      %dma_start3A_258 = tpu.memref_slice %arg2[%add3A_194, %dma_start3A_257] : memref<32768x128xf32, #tpu.memory_space<hbm>> -> memref<128x128xf32, #tpu.memory_space<hbm>>
      %dma_start3A_259 = arith.constant 0 : i32
      %dma_start3A_260 = tpu.memref_slice %arg2[%add3A_194, %dma_start3A_259] : memref<32768x128xf32, #tpu.memory_space<hbm>> -> memref<128x128xf32, #tpu.memory_space<hbm>>
      tpu.enqueue_dma source(%dma_start3A_260 : memref<128x128xf32, #tpu.memory_space<hbm>>) target(%arg8 : memref<128x128xf32, #tpu.memory_space<vmem>>) target_semaphore(%run_scoped3A : memref<!tpu.dma_semaphore, #tpu.memory_space<semaphore_mem>>)
      %dma_wait3A_261 = arith.constant 0 : i32
      %dma_wait3A_262 = tpu.memref_slice %arg2[%add3A_194, %dma_wait3A_261] : memref<32768x128xf32, #tpu.memory_space<hbm>> -> memref<128x128xf32, #tpu.memory_space<hbm>>
      %dma_wait3A_263 = arith.constant 0 : i32
      %dma_wait3A_264 = tpu.memref_slice %arg2[%add3A_194, %dma_wait3A_263] : memref<32768x128xf32, #tpu.memory_space<hbm>> -> memref<128x128xf32, #tpu.memory_space<hbm>>
      tpu.wait_dma2 semaphore(%run_scoped3A : memref<!tpu.dma_semaphore, #tpu.memory_space<semaphore_mem>>) src(%dma_wait3A_264 : memref<128x128xf32, #tpu.memory_space<hbm>>) dst(%arg8 : memref<128x128xf32, #tpu.memory_space<vmem>>)
      tpu.yield
    }) : () -> ()
    %add3A_195 = arith.constant 768 : i32
    %add3A_196 = arith.addi %mul3A_2, %add3A_195 : i32
    "tpu.region"() ({
      %run_scoped3A = tpu.sem_alloc : memref<!tpu.dma_semaphore, #tpu.memory_space<semaphore_mem>>
      %dma_start3A_257 = arith.constant 0 : i32
      %dma_start3A_258 = tpu.memref_slice %arg3[%add3A_196, %dma_start3A_257] : memref<32768x128xf32, #tpu.memory_space<hbm>> -> memref<128x128xf32, #tpu.memory_space<hbm>>
      %dma_start3A_259 = arith.constant 0 : i32
      %dma_start3A_260 = tpu.memref_slice %arg3[%add3A_196, %dma_start3A_259] : memref<32768x128xf32, #tpu.memory_space<hbm>> -> memref<128x128xf32, #tpu.memory_space<hbm>>
      tpu.enqueue_dma source(%dma_start3A_260 : memref<128x128xf32, #tpu.memory_space<hbm>>) target(%arg9 : memref<128x128xf32, #tpu.memory_space<vmem>>) target_semaphore(%run_scoped3A : memref<!tpu.dma_semaphore, #tpu.memory_space<semaphore_mem>>)
      %dma_wait3A_261 = arith.constant 0 : i32
      %dma_wait3A_262 = tpu.memref_slice %arg3[%add3A_196, %dma_wait3A_261] : memref<32768x128xf32, #tpu.memory_space<hbm>> -> memref<128x128xf32, #tpu.memory_space<hbm>>
      %dma_wait3A_263 = arith.constant 0 : i32
      %dma_wait3A_264 = tpu.memref_slice %arg3[%add3A_196, %dma_wait3A_263] : memref<32768x128xf32, #tpu.memory_space<hbm>> -> memref<128x128xf32, #tpu.memory_space<hbm>>
      tpu.wait_dma2 semaphore(%run_scoped3A : memref<!tpu.dma_semaphore, #tpu.memory_space<semaphore_mem>>) src(%dma_wait3A_264 : memref<128x128xf32, #tpu.memory_space<hbm>>) dst(%arg9 : memref<128x128xf32, #tpu.memory_space<vmem>>)
      tpu.yield
    }) : () -> ()
    %dma_start3A_197 = arith.constant 6 : i32
    %dma_start3A_198 = arith.constant 0 : i32
    %dma_start3A_199 = tpu.memref_slice %arg7[%dma_start3A_197, %dma_start3A_198] : memref<8x128xi32, #tpu.memory_space<vmem>> -> memref<1x128xi32, #tpu.memory_space<vmem>>
    %dma_start3A_200 = tpu.memref_squeeze %dma_start3A_199 : memref<1x128xi32, #tpu.memory_space<vmem>> -> memref<128xi32, #tpu.memory_space<vmem>>
    %dma_start3A_201 = arith.constant 0 : i32
    %dma_start3A_202 = arith.constant 0 : i32
    %dma_start3A_203 = tpu.memref_slice %arg5[%dma_start3A_201, %dma_start3A_202] : memref<49152x128xf32, #tpu.memory_space<hbm>> -> memref<49152x128xf32, #tpu.memory_space<hbm>>
    tpu.enqueue_indirect_dma source(%arg8 : memref<128x128xf32, #tpu.memory_space<vmem>>) target(%dma_start3A_203 : memref<49152x128xf32, #tpu.memory_space<hbm>>) offsets(%dma_start3A_200 : memref<128xi32, #tpu.memory_space<vmem>>) semaphore(%arg10 : memref<!tpu.dma_semaphore, #tpu.memory_space<semaphore_mem>>)
    %dma_start3A_204 = arith.constant 6 : i32
    %dma_start3A_205 = arith.constant 0 : i32
    %dma_start3A_206 = tpu.memref_slice %arg7[%dma_start3A_204, %dma_start3A_205] : memref<8x128xi32, #tpu.memory_space<vmem>> -> memref<1x128xi32, #tpu.memory_space<vmem>>
    %dma_start3A_207 = tpu.memref_squeeze %dma_start3A_206 : memref<1x128xi32, #tpu.memory_space<vmem>> -> memref<128xi32, #tpu.memory_space<vmem>>
    %dma_start3A_208 = arith.constant 0 : i32
    %dma_start3A_209 = arith.constant 0 : i32
    %dma_start3A_210 = tpu.memref_slice %arg6[%dma_start3A_208, %dma_start3A_209] : memref<49152x128xf32, #tpu.memory_space<hbm>> -> memref<49152x128xf32, #tpu.memory_space<hbm>>
    tpu.enqueue_indirect_dma source(%arg9 : memref<128x128xf32, #tpu.memory_space<vmem>>) target(%dma_start3A_210 : memref<49152x128xf32, #tpu.memory_space<hbm>>) offsets(%dma_start3A_207 : memref<128xi32, #tpu.memory_space<vmem>>) semaphore(%arg11 : memref<!tpu.dma_semaphore, #tpu.memory_space<semaphore_mem>>)
    %dma_wait3A_211 = arith.constant 6 : i32
    %dma_wait3A_212 = arith.constant 0 : i32
    %dma_wait3A_213 = tpu.memref_slice %arg7[%dma_wait3A_211, %dma_wait3A_212] : memref<8x128xi32, #tpu.memory_space<vmem>> -> memref<1x128xi32, #tpu.memory_space<vmem>>
    %dma_wait3A_214 = tpu.memref_squeeze %dma_wait3A_213 : memref<1x128xi32, #tpu.memory_space<vmem>> -> memref<128xi32, #tpu.memory_space<vmem>>
    %dma_wait3A_215 = arith.constant 0 : i32
    %dma_wait3A_216 = arith.constant 0 : i32
    %dma_wait3A_217 = tpu.memref_slice %arg5[%dma_wait3A_215, %dma_wait3A_216] : memref<49152x128xf32, #tpu.memory_space<hbm>> -> memref<49152x128xf32, #tpu.memory_space<hbm>>
    tpu.wait_indirect_dma semaphore(%arg10 : memref<!tpu.dma_semaphore, #tpu.memory_space<semaphore_mem>>) src(%arg8 : memref<128x128xf32, #tpu.memory_space<vmem>>) dst(%dma_wait3A_217 : memref<49152x128xf32, #tpu.memory_space<hbm>>)
    %dma_wait3A_218 = arith.constant 6 : i32
    %dma_wait3A_219 = arith.constant 0 : i32
    %dma_wait3A_220 = tpu.memref_slice %arg7[%dma_wait3A_218, %dma_wait3A_219] : memref<8x128xi32, #tpu.memory_space<vmem>> -> memref<1x128xi32, #tpu.memory_space<vmem>>
    %dma_wait3A_221 = tpu.memref_squeeze %dma_wait3A_220 : memref<1x128xi32, #tpu.memory_space<vmem>> -> memref<128xi32, #tpu.memory_space<vmem>>
    %dma_wait3A_222 = arith.constant 0 : i32
    %dma_wait3A_223 = arith.constant 0 : i32
    %dma_wait3A_224 = tpu.memref_slice %arg6[%dma_wait3A_222, %dma_wait3A_223] : memref<49152x128xf32, #tpu.memory_space<hbm>> -> memref<49152x128xf32, #tpu.memory_space<hbm>>
    tpu.wait_indirect_dma semaphore(%arg11 : memref<!tpu.dma_semaphore, #tpu.memory_space<semaphore_mem>>) src(%arg9 : memref<128x128xf32, #tpu.memory_space<vmem>>) dst(%dma_wait3A_224 : memref<49152x128xf32, #tpu.memory_space<hbm>>)
    %add3A_225 = arith.constant 896 : i32
    %add3A_226 = arith.addi %mul3A_2, %add3A_225 : i32
    "tpu.region"() ({
      %run_scoped3A = tpu.sem_alloc : memref<!tpu.dma_semaphore, #tpu.memory_space<semaphore_mem>>
      %dma_start3A_257 = arith.constant 0 : i32
      %dma_start3A_258 = tpu.memref_slice %arg2[%add3A_226, %dma_start3A_257] : memref<32768x128xf32, #tpu.memory_space<hbm>> -> memref<128x128xf32, #tpu.memory_space<hbm>>
      %dma_start3A_259 = arith.constant 0 : i32
      %dma_start3A_260 = tpu.memref_slice %arg2[%add3A_226, %dma_start3A_259] : memref<32768x128xf32, #tpu.memory_space<hbm>> -> memref<128x128xf32, #tpu.memory_space<hbm>>
      tpu.enqueue_dma source(%dma_start3A_260 : memref<128x128xf32, #tpu.memory_space<hbm>>) target(%arg8 : memref<128x128xf32, #tpu.memory_space<vmem>>) target_semaphore(%run_scoped3A : memref<!tpu.dma_semaphore, #tpu.memory_space<semaphore_mem>>)
      %dma_wait3A_261 = arith.constant 0 : i32
      %dma_wait3A_262 = tpu.memref_slice %arg2[%add3A_226, %dma_wait3A_261] : memref<32768x128xf32, #tpu.memory_space<hbm>> -> memref<128x128xf32, #tpu.memory_space<hbm>>
      %dma_wait3A_263 = arith.constant 0 : i32
      %dma_wait3A_264 = tpu.memref_slice %arg2[%add3A_226, %dma_wait3A_263] : memref<32768x128xf32, #tpu.memory_space<hbm>> -> memref<128x128xf32, #tpu.memory_space<hbm>>
      tpu.wait_dma2 semaphore(%run_scoped3A : memref<!tpu.dma_semaphore, #tpu.memory_space<semaphore_mem>>) src(%dma_wait3A_264 : memref<128x128xf32, #tpu.memory_space<hbm>>) dst(%arg8 : memref<128x128xf32, #tpu.memory_space<vmem>>)
      tpu.yield
    }) : () -> ()
    %add3A_227 = arith.constant 896 : i32
    %add3A_228 = arith.addi %mul3A_2, %add3A_227 : i32
    "tpu.region"() ({
      %run_scoped3A = tpu.sem_alloc : memref<!tpu.dma_semaphore, #tpu.memory_space<semaphore_mem>>
      %dma_start3A_257 = arith.constant 0 : i32
      %dma_start3A_258 = tpu.memref_slice %arg3[%add3A_228, %dma_start3A_257] : memref<32768x128xf32, #tpu.memory_space<hbm>> -> memref<128x128xf32, #tpu.memory_space<hbm>>
      %dma_start3A_259 = arith.constant 0 : i32
      %dma_start3A_260 = tpu.memref_slice %arg3[%add3A_228, %dma_start3A_259] : memref<32768x128xf32, #tpu.memory_space<hbm>> -> memref<128x128xf32, #tpu.memory_space<hbm>>
      tpu.enqueue_dma source(%dma_start3A_260 : memref<128x128xf32, #tpu.memory_space<hbm>>) target(%arg9 : memref<128x128xf32, #tpu.memory_space<vmem>>) target_semaphore(%run_scoped3A : memref<!tpu.dma_semaphore, #tpu.memory_space<semaphore_mem>>)
      %dma_wait3A_261 = arith.constant 0 : i32
      %dma_wait3A_262 = tpu.memref_slice %arg3[%add3A_228, %dma_wait3A_261] : memref<32768x128xf32, #tpu.memory_space<hbm>> -> memref<128x128xf32, #tpu.memory_space<hbm>>
      %dma_wait3A_263 = arith.constant 0 : i32
      %dma_wait3A_264 = tpu.memref_slice %arg3[%add3A_228, %dma_wait3A_263] : memref<32768x128xf32, #tpu.memory_space<hbm>> -> memref<128x128xf32, #tpu.memory_space<hbm>>
      tpu.wait_dma2 semaphore(%run_scoped3A : memref<!tpu.dma_semaphore, #tpu.memory_space<semaphore_mem>>) src(%dma_wait3A_264 : memref<128x128xf32, #tpu.memory_space<hbm>>) dst(%arg9 : memref<128x128xf32, #tpu.memory_space<vmem>>)
      tpu.yield
    }) : () -> ()
    %dma_start3A_229 = arith.constant 7 : i32
    %dma_start3A_230 = arith.constant 0 : i32
    %dma_start3A_231 = tpu.memref_slice %arg7[%dma_start3A_229, %dma_start3A_230] : memref<8x128xi32, #tpu.memory_space<vmem>> -> memref<1x128xi32, #tpu.memory_space<vmem>>
    %dma_start3A_232 = tpu.memref_squeeze %dma_start3A_231 : memref<1x128xi32, #tpu.memory_space<vmem>> -> memref<128xi32, #tpu.memory_space<vmem>>
    %dma_start3A_233 = arith.constant 0 : i32
    %dma_start3A_234 = arith.constant 0 : i32
    %dma_start3A_235 = tpu.memref_slice %arg5[%dma_start3A_233, %dma_start3A_234] : memref<49152x128xf32, #tpu.memory_space<hbm>> -> memref<49152x128xf32, #tpu.memory_space<hbm>>
    tpu.enqueue_indirect_dma source(%arg8 : memref<128x128xf32, #tpu.memory_space<vmem>>) target(%dma_start3A_235 : memref<49152x128xf32, #tpu.memory_space<hbm>>) offsets(%dma_start3A_232 : memref<128xi32, #tpu.memory_space<vmem>>) semaphore(%arg10 : memref<!tpu.dma_semaphore, #tpu.memory_space<semaphore_mem>>)
    %dma_start3A_236 = arith.constant 7 : i32
    %dma_start3A_237 = arith.constant 0 : i32
    %dma_start3A_238 = tpu.memref_slice %arg7[%dma_start3A_236, %dma_start3A_237] : memref<8x128xi32, #tpu.memory_space<vmem>> -> memref<1x128xi32, #tpu.memory_space<vmem>>
    %dma_start3A_239 = tpu.memref_squeeze %dma_start3A_238 : memref<1x128xi32, #tpu.memory_space<vmem>> -> memref<128xi32, #tpu.memory_space<vmem>>
    %dma_start3A_240 = arith.constant 0 : i32
    %dma_start3A_241 = arith.constant 0 : i32
    %dma_start3A_242 = tpu.memref_slice %arg6[%dma_start3A_240, %dma_start3A_241] : memref<49152x128xf32, #tpu.memory_space<hbm>> -> memref<49152x128xf32, #tpu.memory_space<hbm>>
    tpu.enqueue_indirect_dma source(%arg9 : memref<128x128xf32, #tpu.memory_space<vmem>>) target(%dma_start3A_242 : memref<49152x128xf32, #tpu.memory_space<hbm>>) offsets(%dma_start3A_239 : memref<128xi32, #tpu.memory_space<vmem>>) semaphore(%arg11 : memref<!tpu.dma_semaphore, #tpu.memory_space<semaphore_mem>>)
    %dma_wait3A_243 = arith.constant 7 : i32
    %dma_wait3A_244 = arith.constant 0 : i32
    %dma_wait3A_245 = tpu.memref_slice %arg7[%dma_wait3A_243, %dma_wait3A_244] : memref<8x128xi32, #tpu.memory_space<vmem>> -> memref<1x128xi32, #tpu.memory_space<vmem>>
    %dma_wait3A_246 = tpu.memref_squeeze %dma_wait3A_245 : memref<1x128xi32, #tpu.memory_space<vmem>> -> memref<128xi32, #tpu.memory_space<vmem>>
    %dma_wait3A_247 = arith.constant 0 : i32
    %dma_wait3A_248 = arith.constant 0 : i32
    %dma_wait3A_249 = tpu.memref_slice %arg5[%dma_wait3A_247, %dma_wait3A_248] : memref<49152x128xf32, #tpu.memory_space<hbm>> -> memref<49152x128xf32, #tpu.memory_space<hbm>>
    tpu.wait_indirect_dma semaphore(%arg10 : memref<!tpu.dma_semaphore, #tpu.memory_space<semaphore_mem>>) src(%arg8 : memref<128x128xf32, #tpu.memory_space<vmem>>) dst(%dma_wait3A_249 : memref<49152x128xf32, #tpu.memory_space<hbm>>)
    %dma_wait3A_250 = arith.constant 7 : i32
    %dma_wait3A_251 = arith.constant 0 : i32
    %dma_wait3A_252 = tpu.memref_slice %arg7[%dma_wait3A_250, %dma_wait3A_251] : memref<8x128xi32, #tpu.memory_space<vmem>> -> memref<1x128xi32, #tpu.memory_space<vmem>>
    %dma_wait3A_253 = tpu.memref_squeeze %dma_wait3A_252 : memref<1x128xi32, #tpu.memory_space<vmem>> -> memref<128xi32, #tpu.memory_space<vmem>>
    %dma_wait3A_254 = arith.constant 0 : i32
    %dma_wait3A_255 = arith.constant 0 : i32
    %dma_wait3A_256 = tpu.memref_slice %arg6[%dma_wait3A_254, %dma_wait3A_255] : memref<49152x128xf32, #tpu.memory_space<hbm>> -> memref<49152x128xf32, #tpu.memory_space<hbm>>
    tpu.wait_indirect_dma semaphore(%arg11 : memref<!tpu.dma_semaphore, #tpu.memory_space<semaphore_mem>>) src(%arg9 : memref<128x128xf32, #tpu.memory_space<vmem>>) dst(%dma_wait3A_256 : memref<49152x128xf32, #tpu.memory_space<hbm>>)
    return
  }
}

module attributes {stable_mosaic.version = 14 : i64} {
  func.func @_gating_body(%arg0: i32, %arg1: memref<1x1xf32, #tpu.memory_space<smem>>, %arg2: memref<3x4096xf32, #tpu.memory_space<vmem>>, %arg3: memref<30x256xf32, #tpu.memory_space<vmem>>, %arg4: memref<30x256xf32, #tpu.memory_space<vmem>>, %arg5: memref<3x256xf32, #tpu.memory_space<vmem>>, %arg6: memref<1x256xf32, #tpu.memory_space<vmem>>, %arg7: memref<256x8xf32, #tpu.memory_space<vmem>>, %arg8: memref<1x8xf32, #tpu.memory_space<vmem>>, %arg9: memref<4096x128xf32, #tpu.memory_space<vmem>>, %arg10: memref<4096x128xf32, #tpu.memory_space<vmem>>, %arg11: memref<4096x8xf32, #tpu.memory_space<vmem>>, %arg12: memref<4096x8xf32, #tpu.memory_space<vmem>>, %arg13: memref<4096x1xf32, #tpu.memory_space<vmem>>, %arg14: memref<1x8xf32, #tpu.memory_space<vmem>>, %arg15: memref<1x8xf32, #tpu.memory_space<vmem>>) attributes {dimension_semantics = [#tpu.dimension_semantics<arbitrary>], iteration_bounds = array<i64: 8>, scalar_prefetch = 0 : i64, scratch_operands = 0 : i64, tpu.core_type = #tpu.core_type<tc>, window_params = [{transform_indices = @transform_0, window_bounds = array<i64: 1, 1>}, {transform_indices = @transform_1, window_bounds = array<i64: 3, 4096>}, {pipeline_mode = #tpu.pipeline_mode<synchronous>, transform_indices = @transform_2, window_bounds = array<i64: 30, 256>}, {pipeline_mode = #tpu.pipeline_mode<synchronous>, transform_indices = @transform_3, window_bounds = array<i64: 30, 256>}, {pipeline_mode = #tpu.pipeline_mode<synchronous>, transform_indices = @transform_4, window_bounds = array<i64: 3, 256>}, {pipeline_mode = #tpu.pipeline_mode<synchronous>, transform_indices = @transform_5, window_bounds = array<i64: 1, 256>}, {pipeline_mode = #tpu.pipeline_mode<synchronous>, transform_indices = @transform_6, window_bounds = array<i64: 256, 8>}, {pipeline_mode = #tpu.pipeline_mode<synchronous>, transform_indices = @transform_7, window_bounds = array<i64: 1, 8>}, {transform_indices = @transform_8, window_bounds = array<i64: 4096, 128>}, {transform_indices = @transform_9, window_bounds = array<i64: 4096, 128>}, {transform_indices = @transform_10, window_bounds = array<i64: 4096, 8>}, {transform_indices = @transform_11, window_bounds = array<i64: 4096, 8>}, {transform_indices = @transform_12, window_bounds = array<i64: 4096, 1>}, {pipeline_mode = #tpu.pipeline_mode<synchronous>, transform_indices = @transform_13, window_bounds = array<i64: 1, 8>}, {pipeline_mode = #tpu.pipeline_mode<synchronous>, transform_indices = @transform_14, window_bounds = array<i64: 1, 8>}]} {
    %get3A = arith.constant 0 : index
    %get3A_0 = arith.constant 0 : index
    %get3A_1 = vector.load %arg2[%get3A, %get3A_0] : memref<3x4096xf32, #tpu.memory_space<vmem>>, vector<3x4096xf32>
    %mul3A = arith.constant 1.000000e+00 : f32
    %mul3A_2 = vector.broadcast %mul3A : f32 to vector<3x4096xf32>
    %mul3A_3 = arith.mulf %get3A_1, %mul3A_2 : vector<3x4096xf32>
    %mul3A_4 = arith.constant 2.000000e+00 : f32
    %mul3A_5 = vector.broadcast %mul3A_4 : f32 to vector<3x4096xf32>
    %mul3A_6 = arith.mulf %get3A_1, %mul3A_5 : vector<3x4096xf32>
    %mul3A_7 = arith.constant 4.000000e+00 : f32
    %mul3A_8 = vector.broadcast %mul3A_7 : f32 to vector<3x4096xf32>
    %mul3A_9 = arith.mulf %get3A_1, %mul3A_8 : vector<3x4096xf32>
    %mul3A_10 = arith.constant 8.000000e+00 : f32
    %mul3A_11 = vector.broadcast %mul3A_10 : f32 to vector<3x4096xf32>
    %mul3A_12 = arith.mulf %get3A_1, %mul3A_11 : vector<3x4096xf32>
    %mul3A_13 = arith.constant 1.600000e+01 : f32
    %mul3A_14 = vector.broadcast %mul3A_13 : f32 to vector<3x4096xf32>
    %mul3A_15 = arith.mulf %get3A_1, %mul3A_14 : vector<3x4096xf32>
    %mul3A_16 = arith.constant 3.200000e+01 : f32
    %mul3A_17 = vector.broadcast %mul3A_16 : f32 to vector<3x4096xf32>
    %mul3A_18 = arith.mulf %get3A_1, %mul3A_17 : vector<3x4096xf32>
    %mul3A_19 = arith.constant 6.400000e+01 : f32
    %mul3A_20 = vector.broadcast %mul3A_19 : f32 to vector<3x4096xf32>
    %mul3A_21 = arith.mulf %get3A_1, %mul3A_20 : vector<3x4096xf32>
    %mul3A_22 = arith.constant 1.280000e+02 : f32
    %mul3A_23 = vector.broadcast %mul3A_22 : f32 to vector<3x4096xf32>
    %mul3A_24 = arith.mulf %get3A_1, %mul3A_23 : vector<3x4096xf32>
    %mul3A_25 = arith.constant 2.560000e+02 : f32
    %mul3A_26 = vector.broadcast %mul3A_25 : f32 to vector<3x4096xf32>
    %mul3A_27 = arith.mulf %get3A_1, %mul3A_26 : vector<3x4096xf32>
    %mul3A_28 = arith.constant 5.120000e+02 : f32
    %mul3A_29 = vector.broadcast %mul3A_28 : f32 to vector<3x4096xf32>
    %mul3A_30 = arith.mulf %get3A_1, %mul3A_29 : vector<3x4096xf32>
    %concatenate3A = tpu.concatenate %mul3A_3, %mul3A_6, %mul3A_9, %mul3A_12, %mul3A_15, %mul3A_18, %mul3A_21, %mul3A_24, %mul3A_27, %mul3A_30 in 0 : vector<3x4096xf32>, vector<3x4096xf32>, vector<3x4096xf32>, vector<3x4096xf32>, vector<3x4096xf32>, vector<3x4096xf32>, vector<3x4096xf32>, vector<3x4096xf32>, vector<3x4096xf32>, vector<3x4096xf32> -> vector<30x4096xf32>
    %sin3A = math.sin %concatenate3A : vector<30x4096xf32>
    %cos3A = math.cos %concatenate3A : vector<30x4096xf32>
    %get3A_31 = arith.constant 0 : index
    %get3A_32 = arith.constant 0 : index
    %get3A_33 = vector.load %arg3[%get3A_31, %get3A_32] : memref<30x256xf32, #tpu.memory_space<vmem>>, vector<30x256xf32>
    %dot_general3A = arith.constant dense<0.000000e+00> : vector<4096x256xf32>
    %dot_general3A_34 = tpu.matmul %sin3A, %get3A_33, %dot_general3A {dimension_numbers = #tpu.dot_dimension_numbers<[0], [0], [1], [1], [0, 1, 1, 1], [], []>, transpose_lhs_hint = false} : vector<30x4096xf32>, vector<30x256xf32>, vector<4096x256xf32> -> vector<4096x256xf32>
    %get3A_35 = arith.constant 0 : index
    %get3A_36 = arith.constant 0 : index
    %get3A_37 = vector.load %arg4[%get3A_35, %get3A_36] : memref<30x256xf32, #tpu.memory_space<vmem>>, vector<30x256xf32>
    %dot_general3A_38 = arith.constant dense<0.000000e+00> : vector<4096x256xf32>
    %dot_general3A_39 = tpu.matmul %cos3A, %get3A_37, %dot_general3A_38 {dimension_numbers = #tpu.dot_dimension_numbers<[0], [0], [1], [1], [0, 1, 1, 1], [], []>, transpose_lhs_hint = false} : vector<30x4096xf32>, vector<30x256xf32>, vector<4096x256xf32> -> vector<4096x256xf32>
    %add3A = arith.addf %dot_general3A_34, %dot_general3A_39 : vector<4096x256xf32>
    %get3A_40 = arith.constant 0 : index
    %get3A_41 = arith.constant 0 : index
    %get3A_42 = vector.load %arg5[%get3A_40, %get3A_41] : memref<3x256xf32, #tpu.memory_space<vmem>>, vector<3x256xf32>
    %dot_general3A_43 = arith.constant dense<0.000000e+00> : vector<4096x256xf32>
    %dot_general3A_44 = tpu.matmul %get3A_1, %get3A_42, %dot_general3A_43 {dimension_numbers = #tpu.dot_dimension_numbers<[0], [0], [1], [1], [0, 1, 1, 1], [], []>, transpose_lhs_hint = false} : vector<3x4096xf32>, vector<3x256xf32>, vector<4096x256xf32> -> vector<4096x256xf32>
    %add3A_45 = arith.addf %add3A, %dot_general3A_44 : vector<4096x256xf32>
    %get3A_46 = arith.constant 0 : index
    %get3A_47 = arith.constant 0 : index
    %get3A_48 = vector.load %arg6[%get3A_46, %get3A_47] : memref<1x256xf32, #tpu.memory_space<vmem>>, vector<1x256xf32>
    %add3A_49 = vector.broadcast %get3A_48 : vector<1x256xf32> to vector<4096x256xf32>
    %add3A_50 = arith.addf %add3A_45, %add3A_49 : vector<4096x256xf32>
    %slice3A = vector.extract_strided_slice %add3A_50 {offsets = [0, 0], sizes = [4096, 128], strides = [1, 1]} : vector<4096x256xf32> to vector<4096x128xf32>
    %swap3A = arith.constant 0 : index
    %swap3A_51 = arith.constant 0 : index
    %swap3A_52 = vector.load %arg9[%swap3A, %swap3A_51] : memref<4096x128xf32, #tpu.memory_space<vmem>>, vector<4096x128xf32>
    tpu.vector_store %arg9[%swap3A, %swap3A_51], %slice3A {strides = array<i32>} : memref<4096x128xf32, #tpu.memory_space<vmem>>, vector<4096x128xf32>,
    %slice3A_53 = vector.extract_strided_slice %add3A_50 {offsets = [0, 128], sizes = [4096, 128], strides = [1, 1]} : vector<4096x256xf32> to vector<4096x128xf32>
    %swap3A_54 = arith.constant 0 : index
    %swap3A_55 = arith.constant 0 : index
    %swap3A_56 = vector.load %arg10[%swap3A_54, %swap3A_55] : memref<4096x128xf32, #tpu.memory_space<vmem>>, vector<4096x128xf32>
    tpu.vector_store %arg10[%swap3A_54, %swap3A_55], %slice3A_53 {strides = array<i32>} : memref<4096x128xf32, #tpu.memory_space<vmem>>, vector<4096x128xf32>,
    %get3A_57 = arith.constant 0 : index
    %get3A_58 = arith.constant 0 : index
    %get3A_59 = vector.load %arg7[%get3A_57, %get3A_58] : memref<256x8xf32, #tpu.memory_space<vmem>>, vector<256x8xf32>
    %dot_general3A_60 = arith.constant dense<0.000000e+00> : vector<4096x8xf32>
    %dot_general3A_61 = tpu.matmul %add3A_50, %get3A_59, %dot_general3A_60 {dimension_numbers = #tpu.dot_dimension_numbers<[1], [0], [0], [1], [0, 0, 1, 1], [], []>, transpose_lhs_hint = false} : vector<4096x256xf32>, vector<256x8xf32>, vector<4096x8xf32> -> vector<4096x8xf32>
    %get3A_62 = arith.constant 0 : index
    %get3A_63 = arith.constant 0 : index
    %get3A_64 = vector.load %arg8[%get3A_62, %get3A_63] : memref<1x8xf32, #tpu.memory_space<vmem>>, vector<1x8xf32>
    %add3A_65 = vector.broadcast %get3A_64 : vector<1x8xf32> to vector<4096x8xf32>
    %add3A_66 = arith.addf %dot_general3A_61, %add3A_65 : vector<4096x8xf32>
    %get3A_67 = arith.constant 0 : index
    %get3A_68 = arith.constant 0 : index
    %get3A_69 = memref.load %arg1[%get3A_67, %get3A_68] : memref<1x1xf32, #tpu.memory_space<smem>>
    %div3A = vector.broadcast %get3A_69 : f32 to vector<4096x8xf32>
    %div3A_70 = arith.divf %add3A_66, %div3A : vector<4096x8xf32>
    %reduce_max3A = arith.constant dense<0xFF800000> : vector<4096xf32>
    %reduce_max3A_71 = vector.multi_reduction <maximumf>, %div3A_70, %reduce_max3A [1] : vector<4096x8xf32> to vector<4096xf32>
    %broadcast_in_dim3A = vector.shape_cast %reduce_max3A_71 : vector<4096xf32> to vector<4096x1xf32>
    %sub3A = vector.broadcast %broadcast_in_dim3A : vector<4096x1xf32> to vector<4096x8xf32>
    %sub3A_72 = arith.subf %div3A_70, %sub3A : vector<4096x8xf32>
    %exp3A = math.exp %sub3A_72 : vector<4096x8xf32>
    %reduce_sum3A = arith.constant dense<0.000000e+00> : vector<4096xf32>
    %reduce_sum3A_73 = vector.multi_reduction <add>, %exp3A, %reduce_sum3A [1] : vector<4096x8xf32> to vector<4096xf32>
    %broadcast_in_dim3A_74 = vector.shape_cast %reduce_sum3A_73 : vector<4096xf32> to vector<4096x1xf32>
    %div3A_75 = vector.broadcast %broadcast_in_dim3A_74 : vector<4096x1xf32> to vector<4096x8xf32>
    %div3A_76 = arith.divf %exp3A, %div3A_75 : vector<4096x8xf32>
    %swap3A_77 = arith.constant 0 : index
    %swap3A_78 = arith.constant 0 : index
    %swap3A_79 = vector.load %arg11[%swap3A_77, %swap3A_78] : memref<4096x8xf32, #tpu.memory_space<vmem>>, vector<4096x8xf32>
    tpu.vector_store %arg11[%swap3A_77, %swap3A_78], %div3A_76 {strides = array<i32>} : memref<4096x8xf32, #tpu.memory_space<vmem>>, vector<4096x8xf32>,
    %iota3A = tpu.iota {dimensions = array<i32: 1>} : vector<4096x8xi32>
    %reduce_max3A_80 = arith.constant dense<0xFF800000> : vector<4096xf32>
    %reduce_max3A_81 = vector.multi_reduction <maximumf>, %div3A_76, %reduce_max3A_80 [1] : vector<4096x8xf32> to vector<4096xf32>
    %broadcast_in_dim3A_82 = vector.shape_cast %reduce_max3A_81 : vector<4096xf32> to vector<4096x1xf32>
    %eq3A = vector.broadcast %broadcast_in_dim3A_82 : vector<4096x1xf32> to vector<4096x8xf32>
    %eq3A_83 = arith.cmpf oeq, %div3A_76, %eq3A : vector<4096x8xf32>
    %jit3A = arith.constant 8 : i32
    %broadcast_in_dim3A_84 = vector.broadcast %jit3A : i32 to vector<4096x8xi32>
    %select_n3A = arith.select %eq3A_83, %iota3A, %broadcast_in_dim3A_84 : vector<4096x8xi1>, vector<4096x8xi32>
    %reduce_min3A = arith.constant dense<2147483647> : vector<4096xi32>
    %reduce_min3A_85 = vector.multi_reduction <minsi>, %select_n3A, %reduce_min3A [1] : vector<4096x8xi32> to vector<4096xi32>
    %broadcast_in_dim3A_86 = vector.shape_cast %reduce_min3A_85 : vector<4096xi32> to vector<4096x1xi32>
    %eq3A_87 = vector.broadcast %broadcast_in_dim3A_86 : vector<4096x1xi32> to vector<4096x8xi32>
    %eq3A_88 = arith.cmpi eq, %iota3A, %eq3A_87 : vector<4096x8xi32>
    %convert_element_type3A = arith.extui %eq3A_88 : vector<4096x8xi1> to vector<4096x8xi32>
    %convert_element_type3A_89 = arith.sitofp %convert_element_type3A : vector<4096x8xi32> to vector<4096x8xf32>
    %swap3A_90 = arith.constant 0 : index
    %swap3A_91 = arith.constant 0 : index
    %swap3A_92 = vector.load %arg12[%swap3A_90, %swap3A_91] : memref<4096x8xf32, #tpu.memory_space<vmem>>, vector<4096x8xf32>
    tpu.vector_store %arg12[%swap3A_90, %swap3A_91], %convert_element_type3A_89 {strides = array<i32>} : memref<4096x8xf32, #tpu.memory_space<vmem>>, vector<4096x8xf32>,
    %swap3A_93 = arith.constant 0 : index
    %swap3A_94 = arith.constant 0 : index
    %swap3A_95 = vector.load %arg13[%swap3A_93, %swap3A_94] : memref<4096x1xf32, #tpu.memory_space<vmem>>, vector<4096x1xf32>
    tpu.vector_store %arg13[%swap3A_93, %swap3A_94], %broadcast_in_dim3A_82 {strides = array<i32>} : memref<4096x1xf32, #tpu.memory_space<vmem>>, vector<4096x1xf32>,
    %eq3A_96 = arith.constant 0 : i32
    %eq3A_97 = arith.cmpi eq, %arg0, %eq3A_96 : i32
    %convert_element_type3A_98 = arith.extui %eq3A_97 : i1 to i32
    %cond3A = arith.constant 0 : i32
    %cond3A_99 = arith.cmpi ne, %convert_element_type3A_98, %cond3A : i32
    scf.if %cond3A_99 {
      %broadcast_in_dim3A_120 = arith.constant 0.000000e+00 : f32
      %broadcast_in_dim3A_121 = vector.broadcast %broadcast_in_dim3A_120 : f32 to vector<1x8xf32>
      %swap3A_122 = arith.constant 0 : index
      %swap3A_123 = arith.constant 0 : index
      %swap3A_124 = vector.load %arg14[%swap3A_122, %swap3A_123] : memref<1x8xf32, #tpu.memory_space<vmem>>, vector<1x8xf32>
      tpu.vector_store %arg14[%swap3A_122, %swap3A_123], %broadcast_in_dim3A_121 {strides = array<i32>} : memref<1x8xf32, #tpu.memory_space<vmem>>, vector<1x8xf32>,
      %broadcast_in_dim3A_125 = arith.constant 0.000000e+00 : f32
      %broadcast_in_dim3A_126 = vector.broadcast %broadcast_in_dim3A_125 : f32 to vector<1x8xf32>
      %swap3A_127 = arith.constant 0 : index
      %swap3A_128 = arith.constant 0 : index
      %swap3A_129 = vector.load %arg15[%swap3A_127, %swap3A_128] : memref<1x8xf32, #tpu.memory_space<vmem>>, vector<1x8xf32>
      tpu.vector_store %arg15[%swap3A_127, %swap3A_128], %broadcast_in_dim3A_126 {strides = array<i32>} : memref<1x8xf32, #tpu.memory_space<vmem>>, vector<1x8xf32>,
    } else {
    }
    %get3A_100 = arith.constant 0 : index
    %get3A_101 = arith.constant 0 : index
    %get3A_102 = vector.load %arg14[%get3A_100, %get3A_101] : memref<1x8xf32, #tpu.memory_space<vmem>>, vector<1x8xf32>
    %reduce_sum3A_103 = arith.constant dense<0.000000e+00> : vector<8xf32>
    %reduce_sum3A_104 = vector.multi_reduction <add>, %convert_element_type3A_89, %reduce_sum3A_103 [0] : vector<4096x8xf32> to vector<8xf32>
    %broadcast_in_dim3A_105 = vector.shape_cast %reduce_sum3A_104 : vector<8xf32> to vector<1x8xf32>
    %add3A_106 = arith.addf %get3A_102, %broadcast_in_dim3A_105 : vector<1x8xf32>
    %swap3A_107 = arith.constant 0 : index
    %swap3A_108 = arith.constant 0 : index
    %swap3A_109 = vector.load %arg14[%swap3A_107, %swap3A_108] : memref<1x8xf32, #tpu.memory_space<vmem>>, vector<1x8xf32>
    tpu.vector_store %arg14[%swap3A_107, %swap3A_108], %add3A_106 {strides = array<i32>} : memref<1x8xf32, #tpu.memory_space<vmem>>, vector<1x8xf32>,
    %get3A_110 = arith.constant 0 : index
    %get3A_111 = arith.constant 0 : index
    %get3A_112 = vector.load %arg15[%get3A_110, %get3A_111] : memref<1x8xf32, #tpu.memory_space<vmem>>, vector<1x8xf32>
    %reduce_sum3A_113 = arith.constant dense<0.000000e+00> : vector<8xf32>
    %reduce_sum3A_114 = vector.multi_reduction <add>, %div3A_76, %reduce_sum3A_113 [0] : vector<4096x8xf32> to vector<8xf32>
    %broadcast_in_dim3A_115 = vector.shape_cast %reduce_sum3A_114 : vector<8xf32> to vector<1x8xf32>
    %add3A_116 = arith.addf %get3A_112, %broadcast_in_dim3A_115 : vector<1x8xf32>
    %swap3A_117 = arith.constant 0 : index
    %swap3A_118 = arith.constant 0 : index
    %swap3A_119 = vector.load %arg15[%swap3A_117, %swap3A_118] : memref<1x8xf32, #tpu.memory_space<vmem>>, vector<1x8xf32>
    tpu.vector_store %arg15[%swap3A_117, %swap3A_118], %add3A_116 {strides = array<i32>} : memref<1x8xf32, #tpu.memory_space<vmem>>, vector<1x8xf32>,
    return
  }
  func.func @transform_0(%arg0: i32) -> (i32, i32) {
    %c0_i32 = arith.constant 0 : i32
    %c0_i32_0 = arith.constant 0 : i32
    %c0_i32_1 = arith.constant 0 : i32
    return %c0_i32, %c0_i32_0 : i32, i32
  }
  func.func @transform_1(%arg0: i32) -> (i32, i32) {
    %c0_i32 = arith.constant 0 : i32
    %c0_i32_0 = arith.constant 0 : i32
    return %c0_i32, %arg0 : i32, i32
  }
  func.func @transform_2(%arg0: i32) -> (i32, i32) {
    %c0_i32 = arith.constant 0 : i32
    %c0_i32_0 = arith.constant 0 : i32
    %c0_i32_1 = arith.constant 0 : i32
    return %c0_i32, %c0_i32_0 : i32, i32
  }
  func.func @transform_3(%arg0: i32) -> (i32, i32) {
    %c0_i32 = arith.constant 0 : i32
    %c0_i32_0 = arith.constant 0 : i32
    %c0_i32_1 = arith.constant 0 : i32
    return %c0_i32, %c0_i32_0 : i32, i32
  }
  func.func @transform_4(%arg0: i32) -> (i32, i32) {
    %c0_i32 = arith.constant 0 : i32
    %c0_i32_0 = arith.constant 0 : i32
    %c0_i32_1 = arith.constant 0 : i32
    return %c0_i32, %c0_i32_0 : i32, i32
  }
  func.func @transform_5(%arg0: i32) -> (i32, i32) {
    %c0_i32 = arith.constant 0 : i32
    %c0_i32_0 = arith.constant 0 : i32
    %c0_i32_1 = arith.constant 0 : i32
    return %c0_i32, %c0_i32_0 : i32, i32
  }
  func.func @transform_6(%arg0: i32) -> (i32, i32) {
    %c0_i32 = arith.constant 0 : i32
    %c0_i32_0 = arith.constant 0 : i32
    %c0_i32_1 = arith.constant 0 : i32
    return %c0_i32, %c0_i32_0 : i32, i32
  }
  func.func @transform_7(%arg0: i32) -> (i32, i32) {
    %c0_i32 = arith.constant 0 : i32
    %c0_i32_0 = arith.constant 0 : i32
    %c0_i32_1 = arith.constant 0 : i32
    return %c0_i32, %c0_i32_0 : i32, i32
  }
  func.func @transform_8(%arg0: i32) -> (i32, i32) {
    %c0_i32 = arith.constant 0 : i32
    %c0_i32_0 = arith.constant 0 : i32
    return %arg0, %c0_i32 : i32, i32
  }
  func.func @transform_9(%arg0: i32) -> (i32, i32) {
    %c0_i32 = arith.constant 0 : i32
    %c0_i32_0 = arith.constant 0 : i32
    return %arg0, %c0_i32 : i32, i32
  }
  func.func @transform_10(%arg0: i32) -> (i32, i32) {
    %c0_i32 = arith.constant 0 : i32
    %c0_i32_0 = arith.constant 0 : i32
    return %arg0, %c0_i32 : i32, i32
  }
  func.func @transform_11(%arg0: i32) -> (i32, i32) {
    %c0_i32 = arith.constant 0 : i32
    %c0_i32_0 = arith.constant 0 : i32
    return %arg0, %c0_i32 : i32, i32
  }
  func.func @transform_12(%arg0: i32) -> (i32, i32) {
    %c0_i32 = arith.constant 0 : i32
    %c0_i32_0 = arith.constant 0 : i32
    return %arg0, %c0_i32 : i32, i32
  }
  func.func @transform_13(%arg0: i32) -> (i32, i32) {
    %c0_i32 = arith.constant 0 : i32
    %c0_i32_0 = arith.constant 0 : i32
    %c0_i32_1 = arith.constant 0 : i32
    return %c0_i32, %c0_i32_0 : i32, i32
  }
  func.func @transform_14(%arg0: i32) -> (i32, i32) {
    %c0_i32 = arith.constant 0 : i32
    %c0_i32_0 = arith.constant 0 : i32
    %c0_i32_1 = arith.constant 0 : i32
    return %c0_i32, %c0_i32_0 : i32, i32
  }
}

module attributes {stable_mosaic.version = 14 : i64} {
  func.func @_dest_body(%arg0: i32, %arg1: memref<1024x8xf32, #tpu.memory_space<vmem>>, %arg2: memref<1x8xf32, #tpu.memory_space<vmem>>, %arg3: memref<1024x1024xf32, #tpu.memory_space<vmem>>, %arg4: memref<1024x1xi32, #tpu.memory_space<vmem>>, %arg5: memref<1x8xf32, #tpu.memory_space<vmem>>) attributes {dimension_semantics = [#tpu.dimension_semantics<arbitrary>], iteration_bounds = array<i64: 32>, scalar_prefetch = 0 : i64, scratch_operands = 1 : i64, tpu.core_type = #tpu.core_type<tc>, window_params = [{transform_indices = @transform_0, window_bounds = array<i64: 1024, 8>}, {pipeline_mode = #tpu.pipeline_mode<synchronous>, transform_indices = @transform_1, window_bounds = array<i64: 1, 8>}, {pipeline_mode = #tpu.pipeline_mode<synchronous>, transform_indices = @transform_2, window_bounds = array<i64: 1024, 1024>}, {transform_indices = @transform_3, window_bounds = array<i64: 1024, 1>}]} {
    %eq3A = arith.constant 0 : i32
    %eq3A_0 = arith.cmpi eq, %arg0, %eq3A : i32
    %convert_element_type3A = arith.extui %eq3A_0 : i1 to i32
    %cond3A = arith.constant 0 : i32
    %cond3A_1 = arith.cmpi ne, %convert_element_type3A, %cond3A : i32
    scf.if %cond3A_1 {
      %broadcast_in_dim3A_30 = arith.constant 0.000000e+00 : f32
      %broadcast_in_dim3A_31 = vector.broadcast %broadcast_in_dim3A_30 : f32 to vector<1x8xf32>
      %swap3A_32 = arith.constant 0 : index
      %swap3A_33 = arith.constant 0 : index
      %swap3A_34 = vector.load %arg5[%swap3A_32, %swap3A_33] : memref<1x8xf32, #tpu.memory_space<vmem>>, vector<1x8xf32>
      tpu.vector_store %arg5[%swap3A_32, %swap3A_33], %broadcast_in_dim3A_31 {strides = array<i32>} : memref<1x8xf32, #tpu.memory_space<vmem>>, vector<1x8xf32>,
    } else {
    }
    %get3A = arith.constant 0 : index
    %get3A_2 = arith.constant 0 : index
    %get3A_3 = vector.load %arg1[%get3A, %get3A_2] : memref<1024x8xf32, #tpu.memory_space<vmem>>, vector<1024x8xf32>
    %get3A_4 = arith.constant 0 : index
    %get3A_5 = arith.constant 0 : index
    %get3A_6 = vector.load %arg3[%get3A_4, %get3A_5] : memref<1024x1024xf32, #tpu.memory_space<vmem>>, vector<1024x1024xf32>
    %dot_general3A = arith.constant dense<0.000000e+00> : vector<1024x8xf32>
    %dot_general3A_7 = tpu.matmul %get3A_6, %get3A_3, %dot_general3A {dimension_numbers = #tpu.dot_dimension_numbers<[1], [0], [0], [1], [0, 0, 1, 1], [], []>, transpose_lhs_hint = false} : vector<1024x1024xf32>, vector<1024x8xf32>, vector<1024x8xf32> -> vector<1024x8xf32>
    %get3A_8 = arith.constant 0 : index
    %get3A_9 = arith.constant 0 : index
    %get3A_10 = vector.load %arg2[%get3A_8, %get3A_9] : memref<1x8xf32, #tpu.memory_space<vmem>>, vector<1x8xf32>
    %get3A_11 = arith.constant 0 : index
    %get3A_12 = arith.constant 0 : index
    %get3A_13 = vector.load %arg5[%get3A_11, %get3A_12] : memref<1x8xf32, #tpu.memory_space<vmem>>, vector<1x8xf32>
    %add3A = arith.addf %get3A_10, %get3A_13 : vector<1x8xf32>
    %add3A_14 = vector.broadcast %add3A : vector<1x8xf32> to vector<1024x8xf32>
    %add3A_15 = arith.addf %add3A_14, %dot_general3A_7 : vector<1024x8xf32>
    %mul3A = arith.mulf %get3A_3, %add3A_15 : vector<1024x8xf32>
    %reduce_sum3A = arith.constant dense<0.000000e+00> : vector<1024xf32>
    %reduce_sum3A_16 = vector.multi_reduction <add>, %mul3A, %reduce_sum3A [1] : vector<1024x8xf32> to vector<1024xf32>
    %broadcast_in_dim3A = vector.shape_cast %reduce_sum3A_16 : vector<1024xf32> to vector<1024x1xf32>
    %convert_element_type3A_17 = arith.fptosi %broadcast_in_dim3A : vector<1024x1xf32> to vector<1024x1xi32>
    %swap3A = arith.constant 0 : index
    %swap3A_18 = arith.constant 0 : index
    %swap3A_19 = vector.load %arg4[%swap3A, %swap3A_18] : memref<1024x1xi32, #tpu.memory_space<vmem>>, vector<1024x1xi32>
    tpu.vector_store %arg4[%swap3A, %swap3A_18], %convert_element_type3A_17 {strides = array<i32>} : memref<1024x1xi32, #tpu.memory_space<vmem>>, vector<1024x1xi32>,
    %get3A_20 = arith.constant 0 : index
    %get3A_21 = arith.constant 0 : index
    %get3A_22 = vector.load %arg5[%get3A_20, %get3A_21] : memref<1x8xf32, #tpu.memory_space<vmem>>, vector<1x8xf32>
    %reduce_sum3A_23 = arith.constant dense<0.000000e+00> : vector<8xf32>
    %reduce_sum3A_24 = vector.multi_reduction <add>, %get3A_3, %reduce_sum3A_23 [0] : vector<1024x8xf32> to vector<8xf32>
    %broadcast_in_dim3A_25 = vector.shape_cast %reduce_sum3A_24 : vector<8xf32> to vector<1x8xf32>
    %add3A_26 = arith.addf %get3A_22, %broadcast_in_dim3A_25 : vector<1x8xf32>
    %swap3A_27 = arith.constant 0 : index
    %swap3A_28 = arith.constant 0 : index
    %swap3A_29 = vector.load %arg5[%swap3A_27, %swap3A_28] : memref<1x8xf32, #tpu.memory_space<vmem>>, vector<1x8xf32>
    tpu.vector_store %arg5[%swap3A_27, %swap3A_28], %add3A_26 {strides = array<i32>} : memref<1x8xf32, #tpu.memory_space<vmem>>, vector<1x8xf32>,
    return
  }
  func.func @transform_0(%arg0: i32) -> (i32, i32) {
    %c0_i32 = arith.constant 0 : i32
    %c0_i32_0 = arith.constant 0 : i32
    return %arg0, %c0_i32 : i32, i32
  }
  func.func @transform_1(%arg0: i32) -> (i32, i32) {
    %c0_i32 = arith.constant 0 : i32
    %c0_i32_0 = arith.constant 0 : i32
    %c0_i32_1 = arith.constant 0 : i32
    return %c0_i32, %c0_i32_0 : i32, i32
  }
  func.func @transform_2(%arg0: i32) -> (i32, i32) {
    %c0_i32 = arith.constant 0 : i32
    %c0_i32_0 = arith.constant 0 : i32
    %c0_i32_1 = arith.constant 0 : i32
    return %c0_i32, %c0_i32_0 : i32, i32
  }
  func.func @transform_3(%arg0: i32) -> (i32, i32) {
    %c0_i32 = arith.constant 0 : i32
    %c0_i32_0 = arith.constant 0 : i32
    return %arg0, %c0_i32 : i32, i32
  }
}

module attributes {stable_mosaic.version = 14 : i64} {
  func.func @_expert_body(%arg0: i32, %arg1: memref<24xi32, #tpu.memory_space<smem>>, %arg2: memref<2048x128xf32, #tpu.memory_space<vmem>>, %arg3: memref<2048x128xf32, #tpu.memory_space<vmem>>, %arg4: memref<8x256x256xf32, #tpu.memory_space<vmem>>, %arg5: memref<8x1x256xf32, #tpu.memory_space<vmem>>, %arg6: memref<8x256x256xf32, #tpu.memory_space<vmem>>, %arg7: memref<8x1x256xf32, #tpu.memory_space<vmem>>, %arg8: memref<8x256x256xf32, #tpu.memory_space<vmem>>, %arg9: memref<8x1x256xf32, #tpu.memory_space<vmem>>, %arg10: memref<8x256x256xf32, #tpu.memory_space<vmem>>, %arg11: memref<8x1x256xf32, #tpu.memory_space<vmem>>, %arg12: memref<2048x128xf32, #tpu.memory_space<vmem>>, %arg13: memref<2048x128xf32, #tpu.memory_space<vmem>>) attributes {dimension_semantics = [#tpu.dimension_semantics<arbitrary>], iteration_bounds = array<i64: 24>, scalar_prefetch = 1 : i64, scratch_operands = 0 : i64, tpu.core_type = #tpu.core_type<tc>, window_params = [{transform_indices = @transform_0, window_bounds = array<i64: 2048, 128>}, {transform_indices = @transform_1, window_bounds = array<i64: 2048, 128>}, {pipeline_mode = #tpu.pipeline_mode<synchronous>, transform_indices = @transform_2, window_bounds = array<i64: 8, 256, 256>}, {pipeline_mode = #tpu.pipeline_mode<synchronous>, transform_indices = @transform_3, window_bounds = array<i64: 8, 1, 256>}, {pipeline_mode = #tpu.pipeline_mode<synchronous>, transform_indices = @transform_4, window_bounds = array<i64: 8, 256, 256>}, {pipeline_mode = #tpu.pipeline_mode<synchronous>, transform_indices = @transform_5, window_bounds = array<i64: 8, 1, 256>}, {pipeline_mode = #tpu.pipeline_mode<synchronous>, transform_indices = @transform_6, window_bounds = array<i64: 8, 256, 256>}, {pipeline_mode = #tpu.pipeline_mode<synchronous>, transform_indices = @transform_7, window_bounds = array<i64: 8, 1, 256>}, {pipeline_mode = #tpu.pipeline_mode<synchronous>, transform_indices = @transform_8, window_bounds = array<i64: 8, 256, 256>}, {pipeline_mode = #tpu.pipeline_mode<synchronous>, transform_indices = @transform_9, window_bounds = array<i64: 8, 1, 256>}, {transform_indices = @transform_10, window_bounds = array<i64: 2048, 128>}, {transform_indices = @transform_11, window_bounds = array<i64: 2048, 128>}]} {
    %get3A = arith.index_cast %arg0 : i32 to index
    %get3A_0 = memref.load %arg1[%get3A] : memref<24xi32, #tpu.memory_space<smem>>
    %get3A_1 = arith.constant 0 : index
    %get3A_2 = arith.constant 0 : index
    %get3A_3 = vector.load %arg2[%get3A_1, %get3A_2] : memref<2048x128xf32, #tpu.memory_space<vmem>>, vector<2048x128xf32>
    %get3A_4 = arith.constant 0 : index
    %get3A_5 = arith.constant 0 : index
    %get3A_6 = vector.load %arg3[%get3A_4, %get3A_5] : memref<2048x128xf32, #tpu.memory_space<vmem>>, vector<2048x128xf32>
    %concatenate3A = tpu.concatenate %get3A_3, %get3A_6 in 1 : vector<2048x128xf32>, vector<2048x128xf32> -> vector<2048x256xf32>
    %get3A_7 = arith.index_cast %get3A_0 : i32 to index
    %get3A_8 = arith.constant 0 : index
    %get3A_9 = arith.constant 0 : index
    %get3A_10 = vector.load %arg4[%get3A_7, %get3A_8, %get3A_9] : memref<8x256x256xf32, #tpu.memory_space<vmem>>, vector<1x256x256xf32>
    %get3A_11 = vector.shape_cast %get3A_10 : vector<1x256x256xf32> to vector<256x256xf32>
    %dot_general3A = arith.constant dense<0.000000e+00> : vector<2048x256xf32>
    %dot_general3A_12 = tpu.matmul %concatenate3A, %get3A_11, %dot_general3A {dimension_numbers = #tpu.dot_dimension_numbers<[1], [0], [0], [1], [0, 0, 1, 1], [], []>, transpose_lhs_hint = false} : vector<2048x256xf32>, vector<256x256xf32>, vector<2048x256xf32> -> vector<2048x256xf32>
    %get3A_13 = arith.index_cast %get3A_0 : i32 to index
    %get3A_14 = arith.constant 0 : index
    %get3A_15 = arith.constant 0 : index
    %get3A_16 = vector.load %arg5[%get3A_13, %get3A_14, %get3A_15] : memref<8x1x256xf32, #tpu.memory_space<vmem>>, vector<1x1x256xf32>
    %get3A_17 = vector.shape_cast %get3A_16 : vector<1x1x256xf32> to vector<1x256xf32>
    %add3A = vector.broadcast %get3A_17 : vector<1x256xf32> to vector<2048x256xf32>
    %add3A_18 = arith.addf %dot_general3A_12, %add3A : vector<2048x256xf32>
    %max3A = arith.constant 0.000000e+00 : f32
    %max3A_19 = vector.broadcast %max3A : f32 to vector<2048x256xf32>
    %max3A_20 = arith.maximumf %add3A_18, %max3A_19 : vector<2048x256xf32>
    %get3A_21 = arith.index_cast %get3A_0 : i32 to index
    %get3A_22 = arith.constant 0 : index
    %get3A_23 = arith.constant 0 : index
    %get3A_24 = vector.load %arg6[%get3A_21, %get3A_22, %get3A_23] : memref<8x256x256xf32, #tpu.memory_space<vmem>>, vector<1x256x256xf32>
    %get3A_25 = vector.shape_cast %get3A_24 : vector<1x256x256xf32> to vector<256x256xf32>
    %dot_general3A_26 = arith.constant dense<0.000000e+00> : vector<2048x256xf32>
    %dot_general3A_27 = tpu.matmul %max3A_20, %get3A_25, %dot_general3A_26 {dimension_numbers = #tpu.dot_dimension_numbers<[1], [0], [0], [1], [0, 0, 1, 1], [], []>, transpose_lhs_hint = false} : vector<2048x256xf32>, vector<256x256xf32>, vector<2048x256xf32> -> vector<2048x256xf32>
    %get3A_28 = arith.index_cast %get3A_0 : i32 to index
    %get3A_29 = arith.constant 0 : index
    %get3A_30 = arith.constant 0 : index
    %get3A_31 = vector.load %arg7[%get3A_28, %get3A_29, %get3A_30] : memref<8x1x256xf32, #tpu.memory_space<vmem>>, vector<1x1x256xf32>
    %get3A_32 = vector.shape_cast %get3A_31 : vector<1x1x256xf32> to vector<1x256xf32>
    %add3A_33 = vector.broadcast %get3A_32 : vector<1x256xf32> to vector<2048x256xf32>
    %add3A_34 = arith.addf %dot_general3A_27, %add3A_33 : vector<2048x256xf32>
    %max3A_35 = arith.constant 0.000000e+00 : f32
    %max3A_36 = vector.broadcast %max3A_35 : f32 to vector<2048x256xf32>
    %max3A_37 = arith.maximumf %add3A_34, %max3A_36 : vector<2048x256xf32>
    %get3A_38 = arith.index_cast %get3A_0 : i32 to index
    %get3A_39 = arith.constant 0 : index
    %get3A_40 = arith.constant 0 : index
    %get3A_41 = vector.load %arg8[%get3A_38, %get3A_39, %get3A_40] : memref<8x256x256xf32, #tpu.memory_space<vmem>>, vector<1x256x256xf32>
    %get3A_42 = vector.shape_cast %get3A_41 : vector<1x256x256xf32> to vector<256x256xf32>
    %dot_general3A_43 = arith.constant dense<0.000000e+00> : vector<2048x256xf32>
    %dot_general3A_44 = tpu.matmul %max3A_37, %get3A_42, %dot_general3A_43 {dimension_numbers = #tpu.dot_dimension_numbers<[1], [0], [0], [1], [0, 0, 1, 1], [], []>, transpose_lhs_hint = false} : vector<2048x256xf32>, vector<256x256xf32>, vector<2048x256xf32> -> vector<2048x256xf32>
    %get3A_45 = arith.index_cast %get3A_0 : i32 to index
    %get3A_46 = arith.constant 0 : index
    %get3A_47 = arith.constant 0 : index
    %get3A_48 = vector.load %arg9[%get3A_45, %get3A_46, %get3A_47] : memref<8x1x256xf32, #tpu.memory_space<vmem>>, vector<1x1x256xf32>
    %get3A_49 = vector.shape_cast %get3A_48 : vector<1x1x256xf32> to vector<1x256xf32>
    %add3A_50 = vector.broadcast %get3A_49 : vector<1x256xf32> to vector<2048x256xf32>
    %add3A_51 = arith.addf %dot_general3A_44, %add3A_50 : vector<2048x256xf32>
    %max3A_52 = arith.constant 0.000000e+00 : f32
    %max3A_53 = vector.broadcast %max3A_52 : f32 to vector<2048x256xf32>
    %max3A_54 = arith.maximumf %add3A_51, %max3A_53 : vector<2048x256xf32>
    %get3A_55 = arith.index_cast %get3A_0 : i32 to index
    %get3A_56 = arith.constant 0 : index
    %get3A_57 = arith.constant 0 : index
    %get3A_58 = vector.load %arg10[%get3A_55, %get3A_56, %get3A_57] : memref<8x256x256xf32, #tpu.memory_space<vmem>>, vector<1x256x256xf32>
    %get3A_59 = vector.shape_cast %get3A_58 : vector<1x256x256xf32> to vector<256x256xf32>
    %dot_general3A_60 = arith.constant dense<0.000000e+00> : vector<2048x256xf32>
    %dot_general3A_61 = tpu.matmul %max3A_54, %get3A_59, %dot_general3A_60 {dimension_numbers = #tpu.dot_dimension_numbers<[1], [0], [0], [1], [0, 0, 1, 1], [], []>, transpose_lhs_hint = false} : vector<2048x256xf32>, vector<256x256xf32>, vector<2048x256xf32> -> vector<2048x256xf32>
    %get3A_62 = arith.index_cast %get3A_0 : i32 to index
    %get3A_63 = arith.constant 0 : index
    %get3A_64 = arith.constant 0 : index
    %get3A_65 = vector.load %arg11[%get3A_62, %get3A_63, %get3A_64] : memref<8x1x256xf32, #tpu.memory_space<vmem>>, vector<1x1x256xf32>
    %get3A_66 = vector.shape_cast %get3A_65 : vector<1x1x256xf32> to vector<1x256xf32>
    %add3A_67 = vector.broadcast %get3A_66 : vector<1x256xf32> to vector<2048x256xf32>
    %add3A_68 = arith.addf %dot_general3A_61, %add3A_67 : vector<2048x256xf32>
    %slice3A = vector.extract_strided_slice %add3A_68 {offsets = [0, 0], sizes = [2048, 128], strides = [1, 1]} : vector<2048x256xf32> to vector<2048x128xf32>
    %swap3A = arith.constant 0 : index
    %swap3A_69 = arith.constant 0 : index
    %swap3A_70 = vector.load %arg12[%swap3A, %swap3A_69] : memref<2048x128xf32, #tpu.memory_space<vmem>>, vector<2048x128xf32>
    tpu.vector_store %arg12[%swap3A, %swap3A_69], %slice3A {strides = array<i32>} : memref<2048x128xf32, #tpu.memory_space<vmem>>, vector<2048x128xf32>,
    %slice3A_71 = vector.extract_strided_slice %add3A_68 {offsets = [0, 128], sizes = [2048, 128], strides = [1, 1]} : vector<2048x256xf32> to vector<2048x128xf32>
    %swap3A_72 = arith.constant 0 : index
    %swap3A_73 = arith.constant 0 : index
    %swap3A_74 = vector.load %arg13[%swap3A_72, %swap3A_73] : memref<2048x128xf32, #tpu.memory_space<vmem>>, vector<2048x128xf32>
    tpu.vector_store %arg13[%swap3A_72, %swap3A_73], %slice3A_71 {strides = array<i32>} : memref<2048x128xf32, #tpu.memory_space<vmem>>, vector<2048x128xf32>,
    return
  }
  func.func @transform_0(%arg0: i32, %arg1: memref<24xi32, #tpu.memory_space<smem>>) -> (i32, i32) {
    %c0_i32 = arith.constant 0 : i32
    %c0_i32_0 = arith.constant 0 : i32
    return %arg0, %c0_i32 : i32, i32
  }
  func.func @transform_1(%arg0: i32, %arg1: memref<24xi32, #tpu.memory_space<smem>>) -> (i32, i32) {
    %c0_i32 = arith.constant 0 : i32
    %c0_i32_0 = arith.constant 0 : i32
    return %arg0, %c0_i32 : i32, i32
  }
  func.func @transform_2(%arg0: i32, %arg1: memref<24xi32, #tpu.memory_space<smem>>) -> (i32, i32, i32) {
    %c0_i32 = arith.constant 0 : i32
    %c0_i32_0 = arith.constant 0 : i32
    %c0_i32_1 = arith.constant 0 : i32
    %c0_i32_2 = arith.constant 0 : i32
    return %c0_i32, %c0_i32_0, %c0_i32_1 : i32, i32, i32
  }
  func.func @transform_3(%arg0: i32, %arg1: memref<24xi32, #tpu.memory_space<smem>>) -> (i32, i32, i32) {
    %c0_i32 = arith.constant 0 : i32
    %c0_i32_0 = arith.constant 0 : i32
    %c0_i32_1 = arith.constant 0 : i32
    %c0_i32_2 = arith.constant 0 : i32
    return %c0_i32, %c0_i32_0, %c0_i32_1 : i32, i32, i32
  }
  func.func @transform_4(%arg0: i32, %arg1: memref<24xi32, #tpu.memory_space<smem>>) -> (i32, i32, i32) {
    %c0_i32 = arith.constant 0 : i32
    %c0_i32_0 = arith.constant 0 : i32
    %c0_i32_1 = arith.constant 0 : i32
    %c0_i32_2 = arith.constant 0 : i32
    return %c0_i32, %c0_i32_0, %c0_i32_1 : i32, i32, i32
  }
  func.func @transform_5(%arg0: i32, %arg1: memref<24xi32, #tpu.memory_space<smem>>) -> (i32, i32, i32) {
    %c0_i32 = arith.constant 0 : i32
    %c0_i32_0 = arith.constant 0 : i32
    %c0_i32_1 = arith.constant 0 : i32
    %c0_i32_2 = arith.constant 0 : i32
    return %c0_i32, %c0_i32_0, %c0_i32_1 : i32, i32, i32
  }
  func.func @transform_6(%arg0: i32, %arg1: memref<24xi32, #tpu.memory_space<smem>>) -> (i32, i32, i32) {
    %c0_i32 = arith.constant 0 : i32
    %c0_i32_0 = arith.constant 0 : i32
    %c0_i32_1 = arith.constant 0 : i32
    %c0_i32_2 = arith.constant 0 : i32
    return %c0_i32, %c0_i32_0, %c0_i32_1 : i32, i32, i32
  }
  func.func @transform_7(%arg0: i32, %arg1: memref<24xi32, #tpu.memory_space<smem>>) -> (i32, i32, i32) {
    %c0_i32 = arith.constant 0 : i32
    %c0_i32_0 = arith.constant 0 : i32
    %c0_i32_1 = arith.constant 0 : i32
    %c0_i32_2 = arith.constant 0 : i32
    return %c0_i32, %c0_i32_0, %c0_i32_1 : i32, i32, i32
  }
  func.func @transform_8(%arg0: i32, %arg1: memref<24xi32, #tpu.memory_space<smem>>) -> (i32, i32, i32) {
    %c0_i32 = arith.constant 0 : i32
    %c0_i32_0 = arith.constant 0 : i32
    %c0_i32_1 = arith.constant 0 : i32
    %c0_i32_2 = arith.constant 0 : i32
    return %c0_i32, %c0_i32_0, %c0_i32_1 : i32, i32, i32
  }
  func.func @transform_9(%arg0: i32, %arg1: memref<24xi32, #tpu.memory_space<smem>>) -> (i32, i32, i32) {
    %c0_i32 = arith.constant 0 : i32
    %c0_i32_0 = arith.constant 0 : i32
    %c0_i32_1 = arith.constant 0 : i32
    %c0_i32_2 = arith.constant 0 : i32
    return %c0_i32, %c0_i32_0, %c0_i32_1 : i32, i32, i32
  }
  func.func @transform_10(%arg0: i32, %arg1: memref<24xi32, #tpu.memory_space<smem>>) -> (i32, i32) {
    %c0_i32 = arith.constant 0 : i32
    %c0_i32_0 = arith.constant 0 : i32
    return %arg0, %c0_i32 : i32, i32
  }
  func.func @transform_11(%arg0: i32, %arg1: memref<24xi32, #tpu.memory_space<smem>>) -> (i32, i32) {
    %c0_i32 = arith.constant 0 : i32
    %c0_i32_0 = arith.constant 0 : i32
    return %arg0, %c0_i32 : i32, i32
  }
}

module attributes {stable_mosaic.version = 14 : i64} {
  func.func @_head_body(%arg0: i32, %arg1: memref<4096x128xf32, #tpu.memory_space<vmem>>, %arg2: memref<4096x128xf32, #tpu.memory_space<vmem>>, %arg3: memref<4096x1xf32, #tpu.memory_space<vmem>>, %arg4: memref<3x4096xf32, #tpu.memory_space<vmem>>, %arg5: memref<256x256xf32, #tpu.memory_space<vmem>>, %arg6: memref<12x256xf32, #tpu.memory_space<vmem>>, %arg7: memref<12x256xf32, #tpu.memory_space<vmem>>, %arg8: memref<3x256xf32, #tpu.memory_space<vmem>>, %arg9: memref<1x256xf32, #tpu.memory_space<vmem>>, %arg10: memref<128x128xf32, #tpu.memory_space<vmem>>, %arg11: memref<1x128xf32, #tpu.memory_space<vmem>>, %arg12: memref<4096x1xf32, #tpu.memory_space<vmem>>, %arg13: memref<4096x128xf32, #tpu.memory_space<vmem>>, %arg14: memref<1x1xf32, #tpu.memory_space<vmem>>) attributes {dimension_semantics = [#tpu.dimension_semantics<arbitrary>], iteration_bounds = array<i64: 8>, scalar_prefetch = 0 : i64, scratch_operands = 0 : i64, tpu.core_type = #tpu.core_type<tc>, window_params = [{transform_indices = @transform_0, window_bounds = array<i64: 4096, 128>}, {transform_indices = @transform_1, window_bounds = array<i64: 4096, 128>}, {transform_indices = @transform_2, window_bounds = array<i64: 4096, 1>}, {transform_indices = @transform_3, window_bounds = array<i64: 3, 4096>}, {pipeline_mode = #tpu.pipeline_mode<synchronous>, transform_indices = @transform_4, window_bounds = array<i64: 256, 256>}, {pipeline_mode = #tpu.pipeline_mode<synchronous>, transform_indices = @transform_5, window_bounds = array<i64: 12, 256>}, {pipeline_mode = #tpu.pipeline_mode<synchronous>, transform_indices = @transform_6, window_bounds = array<i64: 12, 256>}, {pipeline_mode = #tpu.pipeline_mode<synchronous>, transform_indices = @transform_7, window_bounds = array<i64: 3, 256>}, {pipeline_mode = #tpu.pipeline_mode<synchronous>, transform_indices = @transform_8, window_bounds = array<i64: 1, 256>}, {pipeline_mode = #tpu.pipeline_mode<synchronous>, transform_indices = @transform_9, window_bounds = array<i64: 128, 128>}, {pipeline_mode = #tpu.pipeline_mode<synchronous>, transform_indices = @transform_10, window_bounds = array<i64: 1, 128>}, {transform_indices = @transform_11, window_bounds = array<i64: 4096, 1>}, {transform_indices = @transform_12, window_bounds = array<i64: 4096, 128>}, {pipeline_mode = #tpu.pipeline_mode<synchronous>, transform_indices = @transform_13, window_bounds = array<i64: 1, 1>}]} {
    %get3A = arith.constant 0 : index
    %get3A_0 = arith.constant 0 : index
    %get3A_1 = vector.load %arg1[%get3A, %get3A_0] : memref<4096x128xf32, #tpu.memory_space<vmem>>, vector<4096x128xf32>
    %get3A_2 = arith.constant 0 : index
    %get3A_3 = arith.constant 0 : index
    %get3A_4 = vector.load %arg2[%get3A_2, %get3A_3] : memref<4096x128xf32, #tpu.memory_space<vmem>>, vector<4096x128xf32>
    %concatenate3A = tpu.concatenate %get3A_1, %get3A_4 in 1 : vector<4096x128xf32>, vector<4096x128xf32> -> vector<4096x256xf32>
    %get3A_5 = arith.constant 0 : index
    %get3A_6 = arith.constant 0 : index
    %get3A_7 = vector.load %arg3[%get3A_5, %get3A_6] : memref<4096x1xf32, #tpu.memory_space<vmem>>, vector<4096x1xf32>
    %mul3A = vector.broadcast %get3A_7 : vector<4096x1xf32> to vector<4096x256xf32>
    %mul3A_8 = arith.mulf %concatenate3A, %mul3A : vector<4096x256xf32>
    %get3A_9 = arith.constant 0 : index
    %get3A_10 = arith.constant 0 : index
    %get3A_11 = vector.load %arg4[%get3A_9, %get3A_10] : memref<3x4096xf32, #tpu.memory_space<vmem>>, vector<3x4096xf32>
    %mul3A_12 = arith.constant 1.000000e+00 : f32
    %mul3A_13 = vector.broadcast %mul3A_12 : f32 to vector<3x4096xf32>
    %mul3A_14 = arith.mulf %get3A_11, %mul3A_13 : vector<3x4096xf32>
    %mul3A_15 = arith.constant 2.000000e+00 : f32
    %mul3A_16 = vector.broadcast %mul3A_15 : f32 to vector<3x4096xf32>
    %mul3A_17 = arith.mulf %get3A_11, %mul3A_16 : vector<3x4096xf32>
    %mul3A_18 = arith.constant 4.000000e+00 : f32
    %mul3A_19 = vector.broadcast %mul3A_18 : f32 to vector<3x4096xf32>
    %mul3A_20 = arith.mulf %get3A_11, %mul3A_19 : vector<3x4096xf32>
    %mul3A_21 = arith.constant 8.000000e+00 : f32
    %mul3A_22 = vector.broadcast %mul3A_21 : f32 to vector<3x4096xf32>
    %mul3A_23 = arith.mulf %get3A_11, %mul3A_22 : vector<3x4096xf32>
    %concatenate3A_24 = tpu.concatenate %mul3A_14, %mul3A_17, %mul3A_20, %mul3A_23 in 0 : vector<3x4096xf32>, vector<3x4096xf32>, vector<3x4096xf32>, vector<3x4096xf32> -> vector<12x4096xf32>
    %sin3A = math.sin %concatenate3A_24 : vector<12x4096xf32>
    %cos3A = math.cos %concatenate3A_24 : vector<12x4096xf32>
    %get3A_25 = arith.constant 0 : index
    %get3A_26 = arith.constant 0 : index
    %get3A_27 = vector.load %arg5[%get3A_25, %get3A_26] : memref<256x256xf32, #tpu.memory_space<vmem>>, vector<256x256xf32>
    %dot_general3A = arith.constant dense<0.000000e+00> : vector<4096x256xf32>
    %dot_general3A_28 = tpu.matmul %mul3A_8, %get3A_27, %dot_general3A {dimension_numbers = #tpu.dot_dimension_numbers<[1], [0], [0], [1], [0, 0, 1, 1], [], []>, transpose_lhs_hint = false} : vector<4096x256xf32>, vector<256x256xf32>, vector<4096x256xf32> -> vector<4096x256xf32>
    %get3A_29 = arith.constant 0 : index
    %get3A_30 = arith.constant 0 : index
    %get3A_31 = vector.load %arg6[%get3A_29, %get3A_30] : memref<12x256xf32, #tpu.memory_space<vmem>>, vector<12x256xf32>
    %dot_general3A_32 = arith.constant dense<0.000000e+00> : vector<4096x256xf32>
    %dot_general3A_33 = tpu.matmul %sin3A, %get3A_31, %dot_general3A_32 {dimension_numbers = #tpu.dot_dimension_numbers<[0], [0], [1], [1], [0, 1, 1, 1], [], []>, transpose_lhs_hint = false} : vector<12x4096xf32>, vector<12x256xf32>, vector<4096x256xf32> -> vector<4096x256xf32>
    %add3A = arith.addf %dot_general3A_28, %dot_general3A_33 : vector<4096x256xf32>
    %get3A_34 = arith.constant 0 : index
    %get3A_35 = arith.constant 0 : index
    %get3A_36 = vector.load %arg7[%get3A_34, %get3A_35] : memref<12x256xf32, #tpu.memory_space<vmem>>, vector<12x256xf32>
    %dot_general3A_37 = arith.constant dense<0.000000e+00> : vector<4096x256xf32>
    %dot_general3A_38 = tpu.matmul %cos3A, %get3A_36, %dot_general3A_37 {dimension_numbers = #tpu.dot_dimension_numbers<[0], [0], [1], [1], [0, 1, 1, 1], [], []>, transpose_lhs_hint = false} : vector<12x4096xf32>, vector<12x256xf32>, vector<4096x256xf32> -> vector<4096x256xf32>
    %add3A_39 = arith.addf %add3A, %dot_general3A_38 : vector<4096x256xf32>
    %get3A_40 = arith.constant 0 : index
    %get3A_41 = arith.constant 0 : index
    %get3A_42 = vector.load %arg8[%get3A_40, %get3A_41] : memref<3x256xf32, #tpu.memory_space<vmem>>, vector<3x256xf32>
    %dot_general3A_43 = arith.constant dense<0.000000e+00> : vector<4096x256xf32>
    %dot_general3A_44 = tpu.matmul %get3A_11, %get3A_42, %dot_general3A_43 {dimension_numbers = #tpu.dot_dimension_numbers<[0], [0], [1], [1], [0, 1, 1, 1], [], []>, transpose_lhs_hint = false} : vector<3x4096xf32>, vector<3x256xf32>, vector<4096x256xf32> -> vector<4096x256xf32>
    %add3A_45 = arith.addf %add3A_39, %dot_general3A_44 : vector<4096x256xf32>
    %get3A_46 = arith.constant 0 : index
    %get3A_47 = arith.constant 0 : index
    %get3A_48 = vector.load %arg9[%get3A_46, %get3A_47] : memref<1x256xf32, #tpu.memory_space<vmem>>, vector<1x256xf32>
    %add3A_49 = vector.broadcast %get3A_48 : vector<1x256xf32> to vector<4096x256xf32>
    %add3A_50 = arith.addf %add3A_45, %add3A_49 : vector<4096x256xf32>
    %slice3A = vector.extract_strided_slice %add3A_50 {offsets = [0, 128], sizes = [4096, 1], strides = [1, 1]} : vector<4096x256xf32> to vector<4096x1xf32>
    %max3A = arith.constant 0.000000e+00 : f32
    %max3A_51 = vector.broadcast %max3A : f32 to vector<4096x1xf32>
    %max3A_52 = arith.maximumf %slice3A, %max3A_51 : vector<4096x1xf32>
    %abs3A = math.absf %slice3A : vector<4096x1xf32>
    %neg3A = arith.constant 0.000000e+00 : f32
    %neg3A_53 = vector.broadcast %neg3A : f32 to vector<4096x1xf32>
    %neg3A_54 = arith.subf %neg3A_53, %abs3A : vector<4096x1xf32>
    %exp3A = math.exp %neg3A_54 : vector<4096x1xf32>
    %add3A_55 = arith.constant 1.000000e+00 : f32
    %add3A_56 = vector.broadcast %add3A_55 : f32 to vector<4096x1xf32>
    %add3A_57 = arith.addf %add3A_56, %exp3A : vector<4096x1xf32>
    %log3A = math.log %add3A_57 : vector<4096x1xf32>
    %add3A_58 = arith.addf %max3A_52, %log3A : vector<4096x1xf32>
    %swap3A = arith.constant 0 : index
    %swap3A_59 = arith.constant 0 : index
    %swap3A_60 = vector.load %arg12[%swap3A, %swap3A_59] : memref<4096x1xf32, #tpu.memory_space<vmem>>, vector<4096x1xf32>
    tpu.vector_store %arg12[%swap3A, %swap3A_59], %add3A_58 {strides = array<i32>} : memref<4096x1xf32, #tpu.memory_space<vmem>>, vector<4096x1xf32>,
    %slice3A_61 = vector.extract_strided_slice %add3A_50 {offsets = [0, 0], sizes = [4096, 128], strides = [1, 1]} : vector<4096x256xf32> to vector<4096x128xf32>
    %max3A_62 = arith.constant 0.000000e+00 : f32
    %max3A_63 = vector.broadcast %max3A_62 : f32 to vector<4096x128xf32>
    %max3A_64 = arith.maximumf %slice3A_61, %max3A_63 : vector<4096x128xf32>
    %get3A_65 = arith.constant 0 : index
    %get3A_66 = arith.constant 0 : index
    %get3A_67 = vector.load %arg10[%get3A_65, %get3A_66] : memref<128x128xf32, #tpu.memory_space<vmem>>, vector<128x128xf32>
    %dot_general3A_68 = arith.constant dense<0.000000e+00> : vector<4096x128xf32>
    %dot_general3A_69 = tpu.matmul %max3A_64, %get3A_67, %dot_general3A_68 {dimension_numbers = #tpu.dot_dimension_numbers<[1], [0], [0], [1], [0, 0, 1, 1], [], []>, transpose_lhs_hint = false} : vector<4096x128xf32>, vector<128x128xf32>, vector<4096x128xf32> -> vector<4096x128xf32>
    %get3A_70 = arith.constant 0 : index
    %get3A_71 = arith.constant 0 : index
    %get3A_72 = vector.load %arg11[%get3A_70, %get3A_71] : memref<1x128xf32, #tpu.memory_space<vmem>>, vector<1x128xf32>
    %add3A_73 = vector.broadcast %get3A_72 : vector<1x128xf32> to vector<4096x128xf32>
    %add3A_74 = arith.addf %dot_general3A_69, %add3A_73 : vector<4096x128xf32>
    %neg3A_75 = arith.constant 0.000000e+00 : f32
    %neg3A_76 = vector.broadcast %neg3A_75 : f32 to vector<4096x128xf32>
    %neg3A_77 = arith.subf %neg3A_76, %add3A_74 : vector<4096x128xf32>
    %exp3A_78 = math.exp %neg3A_77 : vector<4096x128xf32>
    %add3A_79 = arith.constant 1.000000e+00 : f32
    %add3A_80 = vector.broadcast %add3A_79 : f32 to vector<4096x128xf32>
    %add3A_81 = arith.addf %add3A_80, %exp3A_78 : vector<4096x128xf32>
    %div3A = arith.constant 1.000000e+00 : f32
    %div3A_82 = vector.broadcast %div3A : f32 to vector<4096x128xf32>
    %div3A_83 = arith.divf %div3A_82, %add3A_81 : vector<4096x128xf32>
    %swap3A_84 = arith.constant 0 : index
    %swap3A_85 = arith.constant 0 : index
    %swap3A_86 = vector.load %arg13[%swap3A_84, %swap3A_85] : memref<4096x128xf32, #tpu.memory_space<vmem>>, vector<4096x128xf32>
    tpu.vector_store %arg13[%swap3A_84, %swap3A_85], %div3A_83 {strides = array<i32>} : memref<4096x128xf32, #tpu.memory_space<vmem>>, vector<4096x128xf32>,
    %eq3A = arith.constant 0 : i32
    %eq3A_87 = arith.cmpi eq, %arg0, %eq3A : i32
    %convert_element_type3A = arith.extui %eq3A_87 : i1 to i32
    %cond3A = arith.constant 0 : i32
    %cond3A_88 = arith.cmpi ne, %convert_element_type3A, %cond3A : i32
    scf.if %cond3A_88 {
      %broadcast_in_dim3A_97 = arith.constant 0.000000e+00 : f32
      %broadcast_in_dim3A_98 = vector.broadcast %broadcast_in_dim3A_97 : f32 to vector<1x1xf32>
      %swap3A_99 = arith.constant 0 : index
      %swap3A_100 = arith.constant 0 : index
      %swap3A_101 = vector.load %arg14[%swap3A_99, %swap3A_100] : memref<1x1xf32, #tpu.memory_space<vmem>>, vector<1x1xf32>
      tpu.vector_store %arg14[%swap3A_99, %swap3A_100], %broadcast_in_dim3A_98 {strides = array<i32>} : memref<1x1xf32, #tpu.memory_space<vmem>>, vector<1x1xf32>,
    } else {
    }
    %get3A_89 = arith.constant 0 : index
    %get3A_90 = arith.constant 0 : index
    %get3A_91 = vector.load %arg14[%get3A_89, %get3A_90] : memref<1x1xf32, #tpu.memory_space<vmem>>, vector<1x1xf32>
    %reduce_sum3A = arith.constant dense<0.000000e+00> : vector<1xf32>
    %reduce_sum3A_92 = vector.multi_reduction <add>, %add3A_58, %reduce_sum3A [0] : vector<4096x1xf32> to vector<1xf32>
    %broadcast_in_dim3A = vector.shape_cast %reduce_sum3A_92 : vector<1xf32> to vector<1x1xf32>
    %add3A_93 = arith.addf %get3A_91, %broadcast_in_dim3A : vector<1x1xf32>
    %swap3A_94 = arith.constant 0 : index
    %swap3A_95 = arith.constant 0 : index
    %swap3A_96 = vector.load %arg14[%swap3A_94, %swap3A_95] : memref<1x1xf32, #tpu.memory_space<vmem>>, vector<1x1xf32>
    tpu.vector_store %arg14[%swap3A_94, %swap3A_95], %add3A_93 {strides = array<i32>} : memref<1x1xf32, #tpu.memory_space<vmem>>, vector<1x1xf32>,
    return
  }
  func.func @transform_0(%arg0: i32) -> (i32, i32) {
    %c0_i32 = arith.constant 0 : i32
    %c0_i32_0 = arith.constant 0 : i32
    return %arg0, %c0_i32 : i32, i32
  }
  func.func @transform_1(%arg0: i32) -> (i32, i32) {
    %c0_i32 = arith.constant 0 : i32
    %c0_i32_0 = arith.constant 0 : i32
    return %arg0, %c0_i32 : i32, i32
  }
  func.func @transform_2(%arg0: i32) -> (i32, i32) {
    %c0_i32 = arith.constant 0 : i32
    %c0_i32_0 = arith.constant 0 : i32
    return %arg0, %c0_i32 : i32, i32
  }
  func.func @transform_3(%arg0: i32) -> (i32, i32) {
    %c0_i32 = arith.constant 0 : i32
    %c0_i32_0 = arith.constant 0 : i32
    return %c0_i32, %arg0 : i32, i32
  }
  func.func @transform_4(%arg0: i32) -> (i32, i32) {
    %c0_i32 = arith.constant 0 : i32
    %c0_i32_0 = arith.constant 0 : i32
    %c0_i32_1 = arith.constant 0 : i32
    return %c0_i32, %c0_i32_0 : i32, i32
  }
  func.func @transform_5(%arg0: i32) -> (i32, i32) {
    %c0_i32 = arith.constant 0 : i32
    %c0_i32_0 = arith.constant 0 : i32
    %c0_i32_1 = arith.constant 0 : i32
    return %c0_i32, %c0_i32_0 : i32, i32
  }
  func.func @transform_6(%arg0: i32) -> (i32, i32) {
    %c0_i32 = arith.constant 0 : i32
    %c0_i32_0 = arith.constant 0 : i32
    %c0_i32_1 = arith.constant 0 : i32
    return %c0_i32, %c0_i32_0 : i32, i32
  }
  func.func @transform_7(%arg0: i32) -> (i32, i32) {
    %c0_i32 = arith.constant 0 : i32
    %c0_i32_0 = arith.constant 0 : i32
    %c0_i32_1 = arith.constant 0 : i32
    return %c0_i32, %c0_i32_0 : i32, i32
  }
  func.func @transform_8(%arg0: i32) -> (i32, i32) {
    %c0_i32 = arith.constant 0 : i32
    %c0_i32_0 = arith.constant 0 : i32
    %c0_i32_1 = arith.constant 0 : i32
    return %c0_i32, %c0_i32_0 : i32, i32
  }
  func.func @transform_9(%arg0: i32) -> (i32, i32) {
    %c0_i32 = arith.constant 0 : i32
    %c0_i32_0 = arith.constant 0 : i32
    %c0_i32_1 = arith.constant 0 : i32
    return %c0_i32, %c0_i32_0 : i32, i32
  }
  func.func @transform_10(%arg0: i32) -> (i32, i32) {
    %c0_i32 = arith.constant 0 : i32
    %c0_i32_0 = arith.constant 0 : i32
    %c0_i32_1 = arith.constant 0 : i32
    return %c0_i32, %c0_i32_0 : i32, i32
  }
  func.func @transform_11(%arg0: i32) -> (i32, i32) {
    %c0_i32 = arith.constant 0 : i32
    %c0_i32_0 = arith.constant 0 : i32
    return %arg0, %c0_i32 : i32, i32
  }
  func.func @transform_12(%arg0: i32) -> (i32, i32) {
    %c0_i32 = arith.constant 0 : i32
    %c0_i32_0 = arith.constant 0 : i32
    return %arg0, %c0_i32 : i32, i32
  }
  func.func @transform_13(%arg0: i32) -> (i32, i32) {
    %c0_i32 = arith.constant 0 : i32
    %c0_i32_0 = arith.constant 0 : i32
    %c0_i32_1 = arith.constant 0 : i32
    return %c0_i32, %c0_i32_0 : i32, i32
  }
}

</mosaic_0001>

<sc_bundles>
// kernel: kernel.11.cloned.1.call-start
scs
__scs_entry_jumppad:
0x0: {  	(pc) =	sbr.rel $0x88, $3  }
0x1: {  	(tag) =	ssettag $0x0;
	lr =	simm.s32 $0x1  }
0x2: {  	[smem:$0x3F8C] =	sst lr;
	_ =	strace $0xD0000000  }
0x3: {  	_ = 	snop  }
0x4: {  	_ = 	snop  }
0x5: {  	_ = 	snop  }
0x6: {  	_ = 	snop  }
0x7: {  	_ = 	snop  }
__scs_overlays_trampoline_lowered:
0x8: {  	[smem:$0x3F9B] =	sst s0  }
0x9: {  	[smem:$0x3F9C] =	sst s1  }
0xa: {  	[smem:$0x3F9D] =	sst s2  }
0xb: {  	[smem:$0x3F9E] =	sst s3  }
0xc: {  	[smem:$0x3F9F] =	sst s4  }
0xd: {  	[smem:$0x3FA0] =	sst s5  }
0xe: {  	[smem:$0x3FA1] =	sst s6  }
0xf: {  	[smem:$0x3FA2] =	sst s7  }
0x10: {  	[smem:$0x3FA3] =	sst s8  }
0x11: {  	[smem:$0x3FA4] =	sst s9;
	s0 =	simm.s32 @!p0 $0x0  }
0x12: {  	s1 =	sld [smem:$0x3F8A];
	s0 =	simm.s32 @p0 $0x1  }
0x13: {  	[smem:$0x3FA5] =	sst s0;
	s0 =	simm.s32 @!p1 $0x0  }
0x14: {  	s2 =	sld [smem:$0x3F89];
	s0 =	simm.s32 @p1 $0x1  }
0x15: {  	[smem:$0x3FA6] =	sst s0;
	s0 =	simm.s32 @!p2 $0x0  }
0x16: {  	s3 =	sld [smem:$0x3FDB];
	s0 =	simm.s32 @p2 $0x1  }
0x17: {  	s4 =	simm.s32 $0x1BF5;
	[smem:$0x3FA8] =	sst s0  }
0x18: {  	s0 =	sld [smem:$0x3F8B];
	_ =	swait.ge [sflag:s4], $0x0  }
0x19: {  	s7 =	sld [smem:$0x3F8C]  }
0x1a: {  	s8 =	sadd.s32 $0xFFFFE003, lr  }
0x1b: {  	s9 =	sadd.s32 $0xFFFFFEF7, lr;
	s5 =	simm.s32 $0xFFFFFFFF;
	p2 =	slt.u32 s8, $0xFFFFF086  }
0x1c: {  	p1 =	slt.u32 s9, $0xF7A;
	s5 =	simm.s32 @!p2 $0x0  }
0x1d: {  	s5 =	simm.s32 @p1 $0x1;
	p0 =	seq.s32 s7, s2  }
0x1e: {  	s7 =	smul.u32 @!p0 $0xF7A, s2;
	p2 =	seq.s32 @!p0 s5, $0x0  }
0x1f: {  	s9 =	smul.u32 $0xF7A, s1;
	s8 =	simm.s32 @!p0 $0x1BF5;
	p2 =	por !p2, p0  }
0x20: {  	[sflag:s8] =	ssyncset.s32 @!p0 $0xFFFFF086;
	s6 =	sadd.s32 @!p0 s3, s7;
	s7 =	simm.s32 @!p0 $0x108  }
0x21: {  	s3 =	sadd.s32 s3, s9;
	s6 =	sadd.s32 @!p0 $0x88, s6;
	s7 =	simm.s32 @p2 $0x1082  }
0x22: {  	[simem:s7], [sflag:s8] =	dma.local @!p0 [hbm:s6], $0xF7A  }
0x23: {  	s9 =	sor.u32 $0xD0000000, s2;
	s6 =	simm.s32 $0x108;
	_ =	swait.ge @!p0 [sflag:s8], $0x0  }
0x24: {  	s3 =	sadd.s32 $0x88, s3;
	s6 =	simm.s32 @!p1 $0x1082;
	[sflag:s4] =	ssyncset.s32 $0xFFFFF086  }
0x25: {  	[simem:s6], [sflag:s4] =	dma.local [hbm:s3], $0xF7A  }
0x26: {  	[smem:$0x3F8C] =	sst s1;
	(tag) =	ssettag s2;
	_ =	strace s9  }
0x27: {  	s1 =	sld [smem:$0x3F9C]  }
0x28: {  	s2 =	sld [smem:$0x3F9D]  }
0x29: {  	s4 =	sld [smem:$0x3F9F]  }
0x2a: {  	p0 =	seq.s32 s5, $0x0;
	s5 =	sld [smem:$0x3FA0]  }
0x2b: {  	s6 =	sld [smem:$0x3FA1]  }
0x2c: {  	s7 =	sld [smem:$0x3FA2]  }
0x2d: {  	s3 =	simm.s32 $0x108;
	s8 =	sld [smem:$0x3FA3]  }
0x2e: {  	s3 =	simm.s32 @!p0 $0x1082;
	s9 =	sld [smem:$0x3FA4]  }
0x2f: {  	lr =	sadd.s32 s0, s3;
	s0 =	sld [smem:$0x3F9B]  }
0x30: {  	s3 =	sld [smem:$0x3F9E]  }
0x31: {  	[smem:$0x3FA7] =	sst s10  }
0x32: {  	s10 =	sld [smem:$0x3FA5];
	_ =	sdelay $0x3  }
0x33: {  	p0 =	seq.s32 s10, $0x1;
	s10 =	sld [smem:$0x3FA7];
	_ =	sdelay $0x3  }
0x34: {  	[smem:$0x3FA7] =	sst s10  }
0x35: {  	s10 =	sld [smem:$0x3FA6];
	_ =	sdelay $0x3  }
0x36: {  	p1 =	seq.s32 s10, $0x1;
	s10 =	sld [smem:$0x3FA7];
	_ =	sdelay $0x3  }
0x37: {  	[smem:$0x3FA7] =	sst s10  }
0x38: {  	s10 =	sld [smem:$0x3FA8]  }
0x39: {  	_ = 	snop;
	(pc) =	sbr.ind lr, $3  }
0x3a: {  	_ = 	snop  }
0x3b: {  	_ = 	snop  }
0x3c: {  	p2 =	seq.s32 s10, $0x1;
	s10 =	sld [smem:$0x3FA7]  }
0x3d: {  	_ =	shalt  }
0x3e: {  	_ =	shalt  }
0x3f: {  	_ =	shalt  }
0x40: {  	_ =	shalt  }
0x41: {  	_ =	shalt  }
0x42: {  	_ =	shalt  }
0x43: {  	_ =	shalt  }
0x44: {  	_ =	shalt  }
0x45: {  	_ =	shalt  }
0x46: {  	_ =	shalt  }
0x47: {  	_ =	shalt  }
0x48: {  	_ =	shalt  }
0x49: {  	_ =	shalt  }
0x4a: {  	_ =	shalt  }
0x4b: {  	_ =	shalt  }
0x4c: {  	_ =	shalt  }
0x4d: {  	_ =	shalt  }
0x4e: {  	_ =	shalt  }
0x4f: {  	_ =	shalt  }
0x50: {  	_ =	shalt  }
0x51: {  	_ =	shalt  }
0x52: {  	_ =	shalt  }
0x53: {  	_ =	shalt  }
0x54: {  	_ =	shalt  }
0x55: {  	_ =	shalt  }
0x56: {  	_ =	shalt  }
0x57: {  	_ =	shalt  }
0x58: {  	_ =	shalt  }
0x59: {  	_ =	shalt  }
0x5a: {  	_ =	shalt  }
0x5b: {  	_ =	shalt  }
0x5c: {  	_ =	shalt  }
0x5d: {  	_ =	shalt  }
0x5e: {  	_ =	shalt  }
0x5f: {  	_ =	shalt  }
0x60: {  	_ =	shalt  }
0x61: {  	_ =	shalt  }
0x62: {  	_ =	shalt  }
0x63: {  	_ =	shalt  }
0x64: {  	_ =	shalt  }
0x65: {  	_ =	shalt  }
0x66: {  	_ =	shalt  }
0x67: {  	_ =	shalt  }
0x68: {  	_ =	shalt  }
0x69: {  	_ =	shalt  }
0x6a: {  	_ =	shalt  }
0x6b: {  	_ =	shalt  }
0x6c: {  	_ =	shalt  }
0x6d: {  	_ =	shalt  }
0x6e: {  	_ =	shalt  }
0x6f: {  	_ =	shalt  }
0x70: {  	_ =	shalt  }
0x71: {  	_ =	shalt  }
0x72: {  	_ =	shalt  }
0x73: {  	_ =	shalt  }
0x74: {  	_ =	shalt  }
0x75: {  	_ =	shalt  }
0x76: {  	_ =	shalt  }
0x77: {  	_ =	shalt  }
0x78: {  	_ =	shalt  }
0x79: {  	_ =	shalt  }
0x7a: {  	_ =	shalt  }
0x7b: {  	_ =	shalt  }
0x7c: {  	_ =	shalt  }
0x7d: {  	_ =	shalt  }
0x7e: {  	_ =	shalt  }
0x7f: {  	_ =	shalt  }
0x80: {  	_ =	shalt  }
0x81: {  	_ =	shalt  }
0x82: {  	_ =	shalt  }
0x83: {  	_ =	shalt  }
0x84: {  	_ =	shalt  }
0x85: {  	_ =	shalt  }
0x86: {  	_ =	shalt  }
0x87: {  	_ =	shalt  }
.Lfunc_end0:
.L_simem_size_0:
called_computation.1_lowered:
.L_overlay_start_0:
0x88: {  	s2 =	sld [smem:$0x3FD9]  }
0x89: {  	s3 =	sld [smem:$0x3FFE];
	_ =	sdelay $0x1  }
0x8a: {  	s1 =	srdreg.scid  }
0x8b: {  	s0 =	sand.u32 $0x1, s1  }
0x8c: {  	s14 =	sshll.u32 s0, $0xA;
	s2 =	sadd.s32 s3, s2  }
0x8d: {  	s2 =	sadd.s32 s2, s14  }
0x8e: {  	[smem:$0x3FB3] =	sst s2  }
0x8f: {  	_ = 	snop  }
0x90: {  	s2 =	sld [smem:$0x3FD0];
	_ =	sdelay $0x2  }
0x91: {  	s15 =	simm.s32 $0xA;
	s4 =	simm.s32 $0x10  }
0x92: {  	[smem:s4], [sflag:s15] =	dma.local [hbm:s2], $0x1  }
0x93: {  	_ =	swait.eq [sflag:s15], $0x1  }
0x94: {  	[sflag:s15] =	ssyncset.done $0x0  }
0x95: {  	[sflag:s15] =	ssyncadd.s32 $0xFFFFFFFF  }
0x96: {  	s16 =	sld [smem:$0x10];
	(tm) =	ssettm $0x1  }
0x97: {  	s17 =	sld [smem:$0x3FFB];
	_ =	sdelay $0x3  }
0x98: {  	_ =	strace s17  }
0x99: {  	s3 =	sld [smem:$0x3FFC];
	_ =	sdelay $0x3  }
0x9a: {  	_ =	strace s3  }
0x9b: {  	s3 =	sld [smem:$0x3FFD];
	_ =	sdelay $0x3  }
0x9c: {  	_ =	strace s3  }
0x9d: {  	_ =	strace $0x8FFFFFFF  }
0x9e: {  	s18 =	sld [smem:$0x3FDB];
	_ =	sdelay $0x1  }
0x9f: {  	s19 =	simm.s32 $_scs_section_size  }
0xa0: {  	s5 =	simm.s32 $_size__tile_overlayer_lowered;
	s6 =	simm.s32 $_tile_overlayer_lowered  }
0xa1: {  	s22 =	simm.s32 $0x1BFF;
	s21 =	sshll.u32 s6, $0x1;
	s3 =	sadd.s32 s19, s18  }
0xa2: {  	s7 =	simm.s32 $0x0;
	s20 =	sshll.u32 s5, $0x1;
	s5 =	sadd.s32 s21, s3  }
0xa3: {  	[timem:s7], [sflag:s22] =	dma.local [hbm:s5], s20  }
0xa4: {  	_ =	swait.ge [sflag:s22], s20  }
0xa5: {  	s4 =	ssub.s32 $0x0, s20;
	[sflag:s22] =	ssyncset.done $0x0  }
0xa6: {  	[sflag:s22] =	ssyncadd.s32 s4;
	_ =	sdelay $0x1  }
0xa7: {  	s23 =	simm.s32 $0x1B8B  }
0xa8: {  	_ =	swait.ge [sflag:s23], $0x1  }
0xa9: {  	[sflag:s23] =	ssyncset.done $0x0  }
0xaa: {  	s25 =	simm.s32 $0x1B8E;
	s24 =	sld [smem:$0x3FFE];
	[sflag:s23] =	ssyncadd.s32 $0xFFFFFFFF  }
0xab: {  	s26 =	simm.s32 $execute0_lowered;
	[smem:$0x3FD2] =	sst s25  }
0xac: {  	s5 =	sshll.u32 s26, $0x1;
	_ =	strace $0x80000049;
	[dreg:$0x1] =	wrdreg $0xFFFFFFFF  }
0xad: {  	s28 =	simm.s32 $_size_execute0_lowered;
	s3 =	sadd.s32 s3, s5;
	[dreg:$0x0] =	wrdreg $0x0  }
0xae: {  	s5 =	sshll.u32 s28, $0x1;
	[dreg:$0x2] =	wrdreg s3  }
0xaf: {  	[dreg:$0x3] =	wrdreg s5  }
0xb0: {  	[dreg:$0x4] =	wrdreg $0xC0  }
0xb1: {  	_ =	task [dreg:s7], $0x5FFFF  }
0xb2: {  	[dreg:$0x1] =	wrdreg $0xFFFFFFFF  }
0xb3: {  	[dreg:$0x0] =	wrdreg $0x60  }
0xb4: {  	[dreg:$0x2] =	wrdreg s24  }
0xb5: {  	[dreg:$0x3] =	wrdreg s16  }
0xb6: {  	[dreg:$0x4] =	wrdreg $0x9  }
0xb7: {  	_ =	task.clear_ibuf [dreg:s7], $0x5FFFF;
	_ =	strace $0x90000049  }
0xb8: {  	s29 =	simm.s32 $0x9;
	_ =	strace $0x8000004B  }
0xb9: {  	_ =	swait.ge [sflag:s29], $0x1  }
0xba: {  	[sflag:s29] =	ssyncadd.s32 $0xFFFFFFFF  }
0xbb: {  	_ =	strace $0x9000004B  }
0xbc: {  	_ =	sfence  }
0xbd: {  	s30 =	sld [smem:$0x0];
	_ =	sdelay $0x2  }
0xbe: {  	s31 =	sshll.u32 s1, $0xD;
	s1 =	sshrl.u32 s1, $0x2  }
0xbf: {  	s3 =	sand.u32 $0x4000, s31;
	s1 =	sadd.s32 s1, s30  }
0xc0: {  	s0 =	sor.u32 s3, s0;
	s1 =	sshll.u32 s1, $0x11  }
0xc1: {  	s0 =	sor.u32 s1, s0  }
0xc2: {  	s0 =	sadd.s32 $0x8F2B, s0  }
0xc3: {  	[sflag:s0] =	ssyncadd.remote.s32 $0x1  }
0xc4: {  	_ =	sfence.sel $0xFFFF  }
0xc5: {  	[dreg:$0x0] =	wrdreg $0xFFFFFFFF;
	(pc) =	sbr.abs _section_cstart, $3  }
0xc6: {  	[dreg:$0x1] =	wrdreg $0xFFFFFFFF  }
0xc7: {  	_ =	task.clear_ibuf [dreg:s7], $0x2FFFF;
	_ =	strace $0x9FFFFFFF  }
0xc8: {  	(tm) =	ssettm $0x7FFFFFFF  }
0xc9: {  	_ =	shalt  }
tec
execute0_lowered:
.L_overlay_start_1:
0x0: {  	(tag) =	ssettag $0x1  }
0x1: {  	s0 =	srdreg.scid  }
0x2: {  	s2 =	stileid.u32;
	s1 =	sand.u32 $0x1, s0  }
0x3: {  	s7 =	rddreg [dreg:$0x0];
	s3 =	sshll.u32 s2, $0xB;
	s4 =	sshll.u32 s1, $0xA  }
0x4: {  	s23 =	rddreg [dreg:$0x1];
	s2 =	simm.s32 $0x0;
	s3 =	sor.u32 s4, s3  }
0x5: {  	s29 =	sadd.s32 $0x203400, s7;
	[smem:$0x7FF] =	sst s2;
	s4 =	sshrl.u32 s3, $0x3  }
0x6: {  	_ =	strace $0x8000004A;
	[dreg:$0x6] =	wrdreg s29;
	s0 =	sadd.s32 s23, s4  }
0x7: {  	s30 =	sadd.s32 $0x3400, s7;
	[dreg:$0x3] =	wrdreg s0;
	s0 =	sshll.u32 s3, $0x4  }
0x8: {  	s3 =	sadd.s32 s30, s0;
	s24 =	rddreg [dreg:$0x3]  }
0x9: {  	s25 =	sadd.s32 s29, s0;
	[dreg:$0x4] =	wrdreg s3  }
0xa: {  	[dreg:$0x5] =	wrdreg s25;
	s3 =	simm.s32 $0x3  }
0xb: {  	[tilespmem:s2], [sflag:$0x3] =	stream.linear.gather [hbm4b:s24+s2], $0x400, $0x38;
	[tilespmem:$0x8400] =	vst v63  }
0xc: {  	_ =	swait.ge [sflag:s3], $0x400  }
0xd: {  	s5 =	simm.s32 $0x80;
	[sflag:s3] =	ssyncset.done $0x0  }
0xe: {  	s6 =	simm.s32 $0x400;
	s4 =	sadd.s32 $0x403400, s7;
	[sflag:s3] =	ssyncadd.s32 $0xFFFFFC00  }
0xf: {  	[tilespmem:s6], [sflag:$0x1] =	stream.indirect.gather [hbm4b:s4+s5], $0x80, s2, s5, $0xb8;
	[tilespmem:$0x8400] =	vst v63  }
0x10: {  	s8 =	simm.s32 $0x4400;
	s9 =	simm.s32 $0x1;
	s7 =	sadd.s32 $0x4C3400, s7  }
0x11: {  	[tilespmem:s8], [sflag:$0x2] =	stream.indirect.gather [hbm4b:s7+s5], $0x80, s2, s5, $0xb8;
	[tilespmem:$0x8400] =	vst v63  }
0x12: {  	_ =	swait.ge [sflag:s9], $0x4000  }
0x13: {  	[sflag:s9] =	ssyncset.done $0x0  }
0x14: {  	s10 =	simm.s32 $0x2;
	[sflag:s9] =	ssyncadd.s32 $0xFFFFC000  }
0x15: {  	_ =	swait.ge [sflag:s10], $0x4000  }
0x16: {  	[sflag:s10] =	ssyncset.done $0x0  }
0x17: {  	s11 =	rddreg [dreg:$0x4];
	[sflag:s10] =	ssyncadd.s32 $0xFFFFC000  }
0x18: {  	[hbm4b:s11+s2] =	stream.linear.scatter [tilespmem:s6], [sflag:$0x3], $0x4000, $0x38;
	[tilespmem:$0x8400] =	vst v63  }
0x19: {  	_ =	swait.ge [sflag:s3], $0x4000  }
0x1a: {  	[sflag:s3] =	ssyncset.done $0x0  }
0x1b: {  	s26 =	rddreg [dreg:$0x5];
	[sflag:s3] =	ssyncadd.s32 $0xFFFFC000  }
0x1c: {  	[hbm4b:s26+s2] =	stream.linear.scatter [tilespmem:s8], [sflag:$0x3], $0x4000, $0x38;
	[tilespmem:$0x8400] =	vst v63  }
0x1d: {  	_ =	swait.ge [sflag:s3], $0x4000  }
0x1e: {  	[sflag:s3] =	ssyncset.done $0x0  }
0x1f: {  	[sflag:s3] =	ssyncadd.s32 $0xFFFFC000  }
0x20: {  	[tilespmem:s6], [sflag:$0x1] =	stream.indirect.gather [hbm4b:s4+s5], $0x80, s5, s5, $0xb8;
	[tilespmem:$0x8400] =	vst v63  }
0x21: {  	_ = 	snop  }
0x22: {  	[tilespmem:s8], [sflag:$0x2] =	stream.indirect.gather [hbm4b:s7+s5], $0x80, s5, s5, $0xb8;
	[tilespmem:$0x8400] =	vst v63  }
0x23: {  	_ =	swait.ge [sflag:s9], $0x4000  }
0x24: {  	[sflag:s9] =	ssyncset.done $0x0  }
0x25: {  	[sflag:s9] =	ssyncadd.s32 $0xFFFFC000  }
0x26: {  	_ =	swait.ge [sflag:s10], $0x4000  }
0x27: {  	s12 =	sor.u32 $0x800, s0;
	[sflag:s10] =	ssyncset.done $0x0  }
0x28: {  	s11 =	sadd.s32 s30, s12;
	[sflag:s10] =	ssyncadd.s32 $0xFFFFC000  }
0x29: {  	[hbm4b:s11+s2] =	stream.linear.scatter [tilespmem:s6], [sflag:$0x3], $0x4000, $0x38;
	[tilespmem:$0x8400] =	vst v63  }
0x2a: {  	_ =	swait.ge [sflag:s3], $0x4000  }
0x2b: {  	[sflag:s3] =	ssyncset.done $0x0  }
0x2c: {  	s12 =	sadd.s32 s29, s12;
	[sflag:s3] =	ssyncadd.s32 $0xFFFFC000  }
0x2d: {  	[hbm4b:s12+s2] =	stream.linear.scatter [tilespmem:s8], [sflag:$0x3], $0x4000, $0x38;
	[tilespmem:$0x8400] =	vst v63  }
0x2e: {  	_ =	swait.ge [sflag:s3], $0x4000  }
0x2f: {  	[sflag:s3] =	ssyncset.done $0x0  }
0x30: {  	s13 =	simm.s32 $0x100;
	[sflag:s3] =	ssyncadd.s32 $0xFFFFC000  }
0x31: {  	[tilespmem:s6], [sflag:$0x1] =	stream.indirect.gather [hbm4b:s4+s5], $0x80, s13, s5, $0xb8;
	[tilespmem:$0x8400] =	vst v63  }
0x32: {  	_ = 	snop  }
0x33: {  	[tilespmem:s8], [sflag:$0x2] =	stream.indirect.gather [hbm4b:s7+s5], $0x80, s13, s5, $0xb8;
	[tilespmem:$0x8400] =	vst v63  }
0x34: {  	_ =	swait.ge [sflag:s9], $0x4000  }
0x35: {  	[sflag:s9] =	ssyncset.done $0x0  }
0x36: {  	[sflag:s9] =	ssyncadd.s32 $0xFFFFC000  }
0x37: {  	_ =	swait.ge [sflag:s10], $0x4000  }
0x38: {  	s15 =	sor.u32 $0x1000, s0;
	[sflag:s10] =	ssyncset.done $0x0  }
0x39: {  	s14 =	sadd.s32 s30, s15;
	[sflag:s10] =	ssyncadd.s32 $0xFFFFC000  }
0x3a: {  	[hbm4b:s14+s2] =	stream.linear.scatter [tilespmem:s6], [sflag:$0x3], $0x4000, $0x38;
	[tilespmem:$0x8400] =	vst v63  }
0x3b: {  	_ =	swait.ge [sflag:s3], $0x4000  }
0x3c: {  	[sflag:s3] =	ssyncset.done $0x0  }
0x3d: {  	s15 =	sadd.s32 s29, s15;
	[sflag:s3] =	ssyncadd.s32 $0xFFFFC000  }
0x3e: {  	[hbm4b:s15+s2] =	stream.linear.scatter [tilespmem:s8], [sflag:$0x3], $0x4000, $0x38;
	[tilespmem:$0x8400] =	vst v63  }
0x3f: {  	_ =	swait.ge [sflag:s3], $0x4000  }
0x40: {  	[sflag:s3] =	ssyncset.done $0x0  }
0x41: {  	s16 =	simm.s32 $0x180;
	[sflag:s3] =	ssyncadd.s32 $0xFFFFC000  }
0x42: {  	[tilespmem:s6], [sflag:$0x1] =	stream.indirect.gather [hbm4b:s4+s5], $0x80, s16, s5, $0xb8;
	[tilespmem:$0x8400] =	vst v63  }
0x43: {  	_ = 	snop  }
0x44: {  	[tilespmem:s8], [sflag:$0x2] =	stream.indirect.gather [hbm4b:s7+s5], $0x80, s16, s5, $0xb8;
	[tilespmem:$0x8400] =	vst v63  }
0x45: {  	_ =	swait.ge [sflag:s9], $0x4000  }
0x46: {  	[sflag:s9] =	ssyncset.done $0x0  }
0x47: {  	[sflag:s9] =	ssyncadd.s32 $0xFFFFC000  }
0x48: {  	_ =	swait.ge [sflag:s10], $0x4000  }
0x49: {  	s18 =	sor.u32 $0x1800, s0;
	[sflag:s10] =	ssyncset.done $0x0  }
0x4a: {  	s17 =	sadd.s32 s30, s18;
	[sflag:s10] =	ssyncadd.s32 $0xFFFFC000  }
0x4b: {  	[hbm4b:s17+s2] =	stream.linear.scatter [tilespmem:s6], [sflag:$0x3], $0x4000, $0x38;
	[tilespmem:$0x8400] =	vst v63  }
0x4c: {  	_ =	swait.ge [sflag:s3], $0x4000  }
0x4d: {  	[sflag:s3] =	ssyncset.done $0x0  }
0x4e: {  	s18 =	sadd.s32 s29, s18;
	[sflag:s3] =	ssyncadd.s32 $0xFFFFC000  }
0x4f: {  	[hbm4b:s18+s2] =	stream.linear.scatter [tilespmem:s8], [sflag:$0x3], $0x4000, $0x38;
	[tilespmem:$0x8400] =	vst v63  }
0x50: {  	_ =	swait.ge [sflag:s3], $0x4000  }
0x51: {  	[sflag:s3] =	ssyncset.done $0x0  }
0x52: {  	s19 =	simm.s32 $0x200;
	[sflag:s3] =	ssyncadd.s32 $0xFFFFC000  }
0x53: {  	[tilespmem:s6], [sflag:$0x1] =	stream.indirect.gather [hbm4b:s4+s5], $0x80, s19, s5, $0xb8;
	[tilespmem:$0x8400] =	vst v63  }
0x54: {  	_ = 	snop  }
0x55: {  	[tilespmem:s8], [sflag:$0x2] =	stream.indirect.gather [hbm4b:s7+s5], $0x80, s19, s5, $0xb8;
	[tilespmem:$0x8400] =	vst v63  }
0x56: {  	_ =	swait.ge [sflag:s9], $0x4000  }
0x57: {  	[sflag:s9] =	ssyncset.done $0x0  }
0x58: {  	[sflag:s9] =	ssyncadd.s32 $0xFFFFC000  }
0x59: {  	_ =	swait.ge [sflag:s10], $0x4000  }
0x5a: {  	s21 =	sor.u32 $0x2000, s0;
	[sflag:s10] =	ssyncset.done $0x0  }
0x5b: {  	s20 =	sadd.s32 s30, s21;
	[sflag:s10] =	ssyncadd.s32 $0xFFFFC000  }
0x5c: {  	[hbm4b:s20+s2] =	stream.linear.scatter [tilespmem:s6], [sflag:$0x3], $0x4000, $0x38;
	[tilespmem:$0x8400] =	vst v63  }
0x5d: {  	_ =	swait.ge [sflag:s3], $0x4000  }
0x5e: {  	[sflag:s3] =	ssyncset.done $0x0  }
0x5f: {  	s21 =	sadd.s32 s29, s21;
	[sflag:s3] =	ssyncadd.s32 $0xFFFFC000  }
0x60: {  	[hbm4b:s21+s2] =	stream.linear.scatter [tilespmem:s8], [sflag:$0x3], $0x4000, $0x38;
	[tilespmem:$0x8400] =	vst v63  }
0x61: {  	_ =	swait.ge [sflag:s3], $0x4000  }
0x62: {  	[sflag:s3] =	ssyncset.done $0x0  }
0x63: {  	s22 =	simm.s32 $0x280;
	[sflag:s3] =	ssyncadd.s32 $0xFFFFC000  }
0x64: {  	[tilespmem:s6], [sflag:$0x1] =	stream.indirect.gather [hbm4b:s4+s5], $0x80, s22, s5, $0xb8;
	[tilespmem:$0x8400] =	vst v63  }
0x65: {  	_ = 	snop  }
0x66: {  	[tilespmem:s8], [sflag:$0x2] =	stream.indirect.gather [hbm4b:s7+s5], $0x80, s22, s5, $0xb8;
	[tilespmem:$0x8400] =	vst v63  }
0x67: {  	_ =	swait.ge [sflag:s9], $0x4000  }
0x68: {  	[sflag:s9] =	ssyncset.done $0x0  }
0x69: {  	[sflag:s9] =	ssyncadd.s32 $0xFFFFC000  }
0x6a: {  	_ =	swait.ge [sflag:s10], $0x4000  }
0x6b: {  	s24 =	sor.u32 $0x2800, s0;
	[sflag:s10] =	ssyncset.done $0x0  }
0x6c: {  	s23 =	sadd.s32 s30, s24;
	[sflag:s10] =	ssyncadd.s32 $0xFFFFC000  }
0x6d: {  	[hbm4b:s23+s2] =	stream.linear.scatter [tilespmem:s6], [sflag:$0x3], $0x4000, $0x38;
	[tilespmem:$0x8400] =	vst v63  }
0x6e: {  	_ =	swait.ge [sflag:s3], $0x4000  }
0x6f: {  	[sflag:s3] =	ssyncset.done $0x0  }
0x70: {  	s24 =	sadd.s32 s29, s24;
	[sflag:s3] =	ssyncadd.s32 $0xFFFFC000  }
0x71: {  	[hbm4b:s24+s2] =	stream.linear.scatter [tilespmem:s8], [sflag:$0x3], $0x4000, $0x38;
	[tilespmem:$0x8400] =	vst v63  }
0x72: {  	_ =	swait.ge [sflag:s3], $0x4000  }
0x73: {  	[sflag:s3] =	ssyncset.done $0x0  }
0x74: {  	s25 =	simm.s32 $0x300;
	[sflag:s3] =	ssyncadd.s32 $0xFFFFC000  }
0x75: {  	[tilespmem:s6], [sflag:$0x1] =	stream.indirect.gather [hbm4b:s4+s5], $0x80, s25, s5, $0xb8;
	[tilespmem:$0x8400] =	vst v63  }
0x76: {  	_ = 	snop  }
0x77: {  	[tilespmem:s8], [sflag:$0x2] =	stream.indirect.gather [hbm4b:s7+s5], $0x80, s25, s5, $0xb8;
	[tilespmem:$0x8400] =	vst v63  }
0x78: {  	_ =	swait.ge [sflag:s9], $0x4000  }
0x79: {  	[sflag:s9] =	ssyncset.done $0x0  }
0x7a: {  	[sflag:s9] =	ssyncadd.s32 $0xFFFFC000  }
0x7b: {  	_ =	swait.ge [sflag:s10], $0x4000  }
0x7c: {  	s28 =	sor.u32 $0x3000, s0;
	[sflag:s10] =	ssyncset.done $0x0  }
0x7d: {  	s26 =	sadd.s32 s30, s28;
	[sflag:s10] =	ssyncadd.s32 $0xFFFFC000  }
0x7e: {  	[hbm4b:s26+s2] =	stream.linear.scatter [tilespmem:s6], [sflag:$0x3], $0x4000, $0x38;
	[tilespmem:$0x8400] =	vst v63  }
0x7f: {  	_ =	swait.ge [sflag:s3], $0x4000  }
0x80: {  	[sflag:s3] =	ssyncset.done $0x0  }
0x81: {  	s28 =	sadd.s32 s29, s28;
	[sflag:s3] =	ssyncadd.s32 $0xFFFFC000  }
0x82: {  	[hbm4b:s28+s2] =	stream.linear.scatter [tilespmem:s8], [sflag:$0x3], $0x4000, $0x38;
	[tilespmem:$0x8400] =	vst v63  }
0x83: {  	_ =	swait.ge [sflag:s3], $0x4000  }
0x84: {  	[sflag:s3] =	ssyncset.done $0x0  }
0x85: {  	s29 =	simm.s32 $0x380;
	[sflag:s3] =	ssyncadd.s32 $0xFFFFC000  }
0x86: {  	[tilespmem:s6], [sflag:$0x1] =	stream.indirect.gather [hbm4b:s4+s5], $0x80, s29, s5, $0xb8;
	[tilespmem:$0x8400] =	vst v63  }
0x87: {  	_ = 	snop  }
0x88: {  	[tilespmem:s8], [sflag:$0x2] =	stream.indirect.gather [hbm4b:s7+s5], $0x80, s29, s5, $0xb8;
	[tilespmem:$0x8400] =	vst v63  }
0x89: {  	_ =	swait.ge [sflag:s9], $0x4000  }
0x8a: {  	s1 =	ssub.s32 $0x2, s1;
	[sflag:s9] =	ssyncset.done $0x0  }
0x8b: {  	s31 =	sshrl.u32 s1, $0x1;
	[sflag:s9] =	ssyncadd.s32 $0xFFFFC000  }
0x8c: {  	s1 =	ssub.s32 s1, s31;
	_ =	swait.ge [sflag:s10], $0x4000  }
0x8d: {  	s1 =	smax.u32 s1, $0x1;
	s0 =	sor.u32 $0x3800, s0;
	[sflag:s10] =	ssyncset.done $0x0  }
0x8e: {  	p0 =	sne.s32 s1, $0x1;
	s30 =	sadd.s32 s30, s0;
	[sflag:s10] =	ssyncadd.s32 $0xFFFFC000  }
0x8f: {  	[hbm4b:s30+s2] =	stream.linear.scatter [tilespmem:s6], [sflag:$0x3], $0x4000, $0x38;
	[tilespmem:$0x8400] =	vst v63  }
.Ltmp0:
0x90: {  	_ =	swait.ge [sflag:s3], $0x4000;
	(pc) =	sbr.rel @!p0 .LBB2_2-.Ltmp0, $4  }
0x91: {  	[sflag:s3] =	ssyncset.done $0x0;
	s31 =	rddreg [dreg:$0x6]  }
0x92: {  	s31 =	sadd.s32 s31, s0;
	[sflag:s3] =	ssyncadd.s32 $0xFFFFC000  }
0x93: {  	[hbm4b:s31+s2] =	stream.linear.scatter [tilespmem:s8], [sflag:$0x3], $0x4000, $0x38;
	[tilespmem:$0x8400] =	vst v63  }
0x94: {  	s1 =	sadd.s32 $0xFFFFFFFF, s1;
	_ =	swait.ge [sflag:s3], $0x4000  }
.LBB2_1:
0x95: {  	[sflag:s3] =	ssyncset.done $0x0  }
0x96: {  	s0 =	rddreg [dreg:$0x3];
	[sflag:s3] =	ssyncadd.s32 $0xFFFFC000  }
0x97: {  	[tilespmem:s2], [sflag:$0x3] =	stream.linear.gather [hbm4b:s0+s2], $0x400, $0x38;
	[tilespmem:$0x8400] =	vst v63  }
0x98: {  	_ =	swait.ge [sflag:s3], $0x400  }
0x99: {  	[sflag:s3] =	ssyncset.done $0x0  }
0x9a: {  	[sflag:s3] =	ssyncadd.s32 $0xFFFFFC00  }
0x9b: {  	[tilespmem:s6], [sflag:$0x1] =	stream.indirect.gather [hbm4b:s4+s5], $0x80, s2, s5, $0xb8;
	[tilespmem:$0x8400] =	vst v63  }
0x9c: {  	_ = 	snop  }
0x9d: {  	[tilespmem:s8], [sflag:$0x2] =	stream.indirect.gather [hbm4b:s7+s5], $0x80, s2, s5, $0xb8;
	[tilespmem:$0x8400] =	vst v63  }
0x9e: {  	_ =	swait.ge [sflag:s9], $0x4000  }
0x9f: {  	[sflag:s9] =	ssyncset.done $0x0  }
0xa0: {  	[sflag:s9] =	ssyncadd.s32 $0xFFFFC000  }
0xa1: {  	_ =	swait.ge [sflag:s10], $0x4000  }
0xa2: {  	[sflag:s10] =	ssyncset.done $0x0  }
0xa3: {  	s0 =	rddreg [dreg:$0x4];
	[sflag:s10] =	ssyncadd.s32 $0xFFFFC000  }
0xa4: {  	[hbm4b:s0+s2] =	stream.linear.scatter [tilespmem:s6], [sflag:$0x3], $0x4000, $0x38;
	[tilespmem:$0x8400] =	vst v63  }
0xa5: {  	_ =	swait.ge [sflag:s3], $0x4000  }
0xa6: {  	[sflag:s3] =	ssyncset.done $0x0  }
0xa7: {  	s0 =	rddreg [dreg:$0x5];
	[sflag:s3] =	ssyncadd.s32 $0xFFFFC000  }
0xa8: {  	[hbm4b:s0+s2] =	stream.linear.scatter [tilespmem:s8], [sflag:$0x3], $0x4000, $0x38;
	[tilespmem:$0x8400] =	vst v63  }
0xa9: {  	_ =	swait.ge [sflag:s3], $0x4000  }
0xaa: {  	[sflag:s3] =	ssyncset.done $0x0  }
0xab: {  	[sflag:s3] =	ssyncadd.s32 $0xFFFFC000  }
0xac: {  	[tilespmem:s6], [sflag:$0x1] =	stream.indirect.gather [hbm4b:s4+s5], $0x80, s5, s5, $0xb8;
	[tilespmem:$0x8400] =	vst v63  }
0xad: {  	_ = 	snop  }
0xae: {  	[tilespmem:s8], [sflag:$0x2] =	stream.indirect.gather [hbm4b:s7+s5], $0x80, s5, s5, $0xb8;
	[tilespmem:$0x8400] =	vst v63  }
0xaf: {  	_ =	swait.ge [sflag:s9], $0x4000  }
0xb0: {  	[sflag:s9] =	ssyncset.done $0x0  }
0xb1: {  	[sflag:s9] =	ssyncadd.s32 $0xFFFFC000  }
0xb2: {  	_ =	swait.ge [sflag:s10], $0x4000  }
0xb3: {  	[sflag:s10] =	ssyncset.done $0x0  }
0xb4: {  	[sflag:s10] =	ssyncadd.s32 $0xFFFFC000  }
0xb5: {  	[hbm4b:s11+s2] =	stream.linear.scatter [tilespmem:s6], [sflag:$0x3], $0x4000, $0x38;
	[tilespmem:$0x8400] =	vst v63  }
0xb6: {  	_ =	swait.ge [sflag:s3], $0x4000  }
0xb7: {  	[sflag:s3] =	ssyncset.done $0x0  }
0xb8: {  	[sflag:s3] =	ssyncadd.s32 $0xFFFFC000  }
0xb9: {  	[hbm4b:s12+s2] =	stream.linear.scatter [tilespmem:s8], [sflag:$0x3], $0x4000, $0x38;
	[tilespmem:$0x8400] =	vst v63  }
0xba: {  	_ =	swait.ge [sflag:s3], $0x4000  }
0xbb: {  	[sflag:s3] =	ssyncset.done $0x0  }
0xbc: {  	[sflag:s3] =	ssyncadd.s32 $0xFFFFC000  }
0xbd: {  	[tilespmem:s6], [sflag:$0x1] =	stream.indirect.gather [hbm4b:s4+s5], $0x80, s13, s5, $0xb8;
	[tilespmem:$0x8400] =	vst v63  }
0xbe: {  	_ = 	snop  }
0xbf: {  	[tilespmem:s8], [sflag:$0x2] =	stream.indirect.gather [hbm4b:s7+s5], $0x80, s13, s5, $0xb8;
	[tilespmem:$0x8400] =	vst v63  }
0xc0: {  	_ =	swait.ge [sflag:s9], $0x4000  }
0xc1: {  	[sflag:s9] =	ssyncset.done $0x0  }
0xc2: {  	[sflag:s9] =	ssyncadd.s32 $0xFFFFC000  }
0xc3: {  	_ =	swait.ge [sflag:s10], $0x4000  }
0xc4: {  	[sflag:s10] =	ssyncset.done $0x0  }
0xc5: {  	[sflag:s10] =	ssyncadd.s32 $0xFFFFC000  }
0xc6: {  	[hbm4b:s14+s2] =	stream.linear.scatter [tilespmem:s6], [sflag:$0x3], $0x4000, $0x38;
	[tilespmem:$0x8400] =	vst v63  }
0xc7: {  	_ =	swait.ge [sflag:s3], $0x4000  }
0xc8: {  	[sflag:s3] =	ssyncset.done $0x0  }
0xc9: {  	[sflag:s3] =	ssyncadd.s32 $0xFFFFC000  }
0xca: {  	[hbm4b:s15+s2] =	stream.linear.scatter [tilespmem:s8], [sflag:$0x3], $0x4000, $0x38;
	[tilespmem:$0x8400] =	vst v63  }
0xcb: {  	_ =	swait.ge [sflag:s3], $0x4000  }
0xcc: {  	[sflag:s3] =	ssyncset.done $0x0  }
0xcd: {  	[sflag:s3] =	ssyncadd.s32 $0xFFFFC000  }
0xce: {  	[tilespmem:s6], [sflag:$0x1] =	stream.indirect.gather [hbm4b:s4+s5], $0x80, s16, s5, $0xb8;
	[tilespmem:$0x8400] =	vst v63  }
0xcf: {  	_ = 	snop  }
0xd0: {  	[tilespmem:s8], [sflag:$0x2] =	stream.indirect.gather [hbm4b:s7+s5], $0x80, s16, s5, $0xb8;
	[tilespmem:$0x8400] =	vst v63  }
0xd1: {  	_ =	swait.ge [sflag:s9], $0x4000  }
0xd2: {  	[sflag:s9] =	ssyncset.done $0x0  }
0xd3: {  	[sflag:s9] =	ssyncadd.s32 $0xFFFFC000  }
0xd4: {  	_ =	swait.ge [sflag:s10], $0x4000  }
0xd5: {  	[sflag:s10] =	ssyncset.done $0x0  }
0xd6: {  	[sflag:s10] =	ssyncadd.s32 $0xFFFFC000  }
0xd7: {  	[hbm4b:s17+s2] =	stream.linear.scatter [tilespmem:s6], [sflag:$0x3], $0x4000, $0x38;
	[tilespmem:$0x8400] =	vst v63  }
0xd8: {  	_ =	swait.ge [sflag:s3], $0x4000  }
0xd9: {  	[sflag:s3] =	ssyncset.done $0x0  }
0xda: {  	[sflag:s3] =	ssyncadd.s32 $0xFFFFC000  }
0xdb: {  	[hbm4b:s18+s2] =	stream.linear.scatter [tilespmem:s8], [sflag:$0x3], $0x4000, $0x38;
	[tilespmem:$0x8400] =	vst v63  }
0xdc: {  	_ =	swait.ge [sflag:s3], $0x4000  }
0xdd: {  	[sflag:s3] =	ssyncset.done $0x0  }
0xde: {  	[sflag:s3] =	ssyncadd.s32 $0xFFFFC000  }
0xdf: {  	[tilespmem:s6], [sflag:$0x1] =	stream.indirect.gather [hbm4b:s4+s5], $0x80, s19, s5, $0xb8;
	[tilespmem:$0x8400] =	vst v63  }
0xe0: {  	_ = 	snop  }
0xe1: {  	[tilespmem:s8], [sflag:$0x2] =	stream.indirect.gather [hbm4b:s7+s5], $0x80, s19, s5, $0xb8;
	[tilespmem:$0x8400] =	vst v63  }
0xe2: {  	_ =	swait.ge [sflag:s9], $0x4000  }
0xe3: {  	[sflag:s9] =	ssyncset.done $0x0  }
0xe4: {  	[sflag:s9] =	ssyncadd.s32 $0xFFFFC000  }
0xe5: {  	_ =	swait.ge [sflag:s10], $0x4000  }
0xe6: {  	[sflag:s10] =	ssyncset.done $0x0  }
0xe7: {  	[sflag:s10] =	ssyncadd.s32 $0xFFFFC000  }
0xe8: {  	[hbm4b:s20+s2] =	stream.linear.scatter [tilespmem:s6], [sflag:$0x3], $0x4000, $0x38;
	[tilespmem:$0x8400] =	vst v63  }
0xe9: {  	_ =	swait.ge [sflag:s3], $0x4000  }
0xea: {  	[sflag:s3] =	ssyncset.done $0x0  }
0xeb: {  	[sflag:s3] =	ssyncadd.s32 $0xFFFFC000  }
0xec: {  	[hbm4b:s21+s2] =	stream.linear.scatter [tilespmem:s8], [sflag:$0x3], $0x4000, $0x38;
	[tilespmem:$0x8400] =	vst v63  }
0xed: {  	_ =	swait.ge [sflag:s3], $0x4000  }
0xee: {  	[sflag:s3] =	ssyncset.done $0x0  }
0xef: {  	[sflag:s3] =	ssyncadd.s32 $0xFFFFC000  }
0xf0: {  	[tilespmem:s6], [sflag:$0x1] =	stream.indirect.gather [hbm4b:s4+s5], $0x80, s22, s5, $0xb8;
	[tilespmem:$0x8400] =	vst v63  }
0xf1: {  	_ = 	snop  }
0xf2: {  	[tilespmem:s8], [sflag:$0x2] =	stream.indirect.gather [hbm4b:s7+s5], $0x80, s22, s5, $0xb8;
	[tilespmem:$0x8400] =	vst v63  }
0xf3: {  	_ =	swait.ge [sflag:s9], $0x4000  }
0xf4: {  	[sflag:s9] =	ssyncset.done $0x0  }
0xf5: {  	[sflag:s9] =	ssyncadd.s32 $0xFFFFC000  }
0xf6: {  	_ =	swait.ge [sflag:s10], $0x4000  }
0xf7: {  	[sflag:s10] =	ssyncset.done $0x0  }
0xf8: {  	[sflag:s10] =	ssyncadd.s32 $0xFFFFC000  }
0xf9: {  	[hbm4b:s23+s2] =	stream.linear.scatter [tilespmem:s6], [sflag:$0x3], $0x4000, $0x38;
	[tilespmem:$0x8400] =	vst v63  }
0xfa: {  	_ =	swait.ge [sflag:s3], $0x4000  }
0xfb: {  	[sflag:s3] =	ssyncset.done $0x0  }
0xfc: {  	[sflag:s3] =	ssyncadd.s32 $0xFFFFC000  }
0xfd: {  	[hbm4b:s24+s2] =	stream.linear.scatter [tilespmem:s8], [sflag:$0x3], $0x4000, $0x38;
	[tilespmem:$0x8400] =	vst v63  }
0xfe: {  	_ =	swait.ge [sflag:s3], $0x4000  }
0xff: {  	[sflag:s3] =	ssyncset.done $0x0  }
0x100: {  	[sflag:s3] =	ssyncadd.s32 $0xFFFFC000  }
0x101: {  	[tilespmem:s6], [sflag:$0x1] =	stream.indirect.gather [hbm4b:s4+s5], $0x80, s25, s5, $0xb8;
	[tilespmem:$0x8400] =	vst v63  }
0x102: {  	_ = 	snop  }
0x103: {  	[tilespmem:s8], [sflag:$0x2] =	stream.indirect.gather [hbm4b:s7+s5], $0x80, s25, s5, $0xb8;
	[tilespmem:$0x8400] =	vst v63  }
0x104: {  	_ =	swait.ge [sflag:s9], $0x4000  }
0x105: {  	[sflag:s9] =	ssyncset.done $0x0  }
0x106: {  	[sflag:s9] =	ssyncadd.s32 $0xFFFFC000  }
0x107: {  	_ =	swait.ge [sflag:s10], $0x4000  }
0x108: {  	[sflag:s10] =	ssyncset.done $0x0  }
0x109: {  	[sflag:s10] =	ssyncadd.s32 $0xFFFFC000  }
0x10a: {  	[hbm4b:s26+s2] =	stream.linear.scatter [tilespmem:s6], [sflag:$0x3], $0x4000, $0x38;
	[tilespmem:$0x8400] =	vst v63  }
0x10b: {  	_ =	swait.ge [sflag:s3], $0x4000  }
0x10c: {  	[sflag:s3] =	ssyncset.done $0x0  }
0x10d: {  	[sflag:s3] =	ssyncadd.s32 $0xFFFFC000  }
0x10e: {  	[hbm4b:s28+s2] =	stream.linear.scatter [tilespmem:s8], [sflag:$0x3], $0x4000, $0x38;
	[tilespmem:$0x8400] =	vst v63  }
0x10f: {  	_ =	swait.ge [sflag:s3], $0x4000  }
0x110: {  	[sflag:s3] =	ssyncset.done $0x0  }
0x111: {  	[sflag:s3] =	ssyncadd.s32 $0xFFFFC000  }
0x112: {  	[tilespmem:s6], [sflag:$0x1] =	stream.indirect.gather [hbm4b:s4+s5], $0x80, s29, s5, $0xb8;
	[tilespmem:$0x8400] =	vst v63  }
0x113: {  	_ = 	snop  }
0x114: {  	[tilespmem:s8], [sflag:$0x2] =	stream.indirect.gather [hbm4b:s7+s5], $0x80, s29, s5, $0xb8;
	[tilespmem:$0x8400] =	vst v63  }
0x115: {  	_ =	swait.ge [sflag:s9], $0x4000  }
0x116: {  	[sflag:s9] =	ssyncset.done $0x0  }
0x117: {  	[sflag:s9] =	ssyncadd.s32 $0xFFFFC000  }
0x118: {  	_ =	swait.ge [sflag:s10], $0x4000  }
0x119: {  	[sflag:s10] =	ssyncset.done $0x0  }
0x11a: {  	p0 =	sne.s32 s1, $0x1;
	[sflag:s10] =	ssyncadd.s32 $0xFFFFC000  }
0x11b: {  	[hbm4b:s30+s2] =	stream.linear.scatter [tilespmem:s6], [sflag:$0x3], $0x4000, $0x38;
	[tilespmem:$0x8400] =	vst v63  }
.Ltmp1:
0x11c: {  	_ =	swait.ge [sflag:s3], $0x4000;
	(pc) =	sbr.rel @p0 .LBB2_1-.Ltmp1, $4  }
0x11d: {  	[sflag:s3] =	ssyncset.done $0x0  }
0x11e: {  	[sflag:s3] =	ssyncadd.s32 $0xFFFFC000  }
0x11f: {  	[hbm4b:s31+s2] =	stream.linear.scatter [tilespmem:s8], [sflag:$0x3], $0x4000, $0x38;
	[tilespmem:$0x8400] =	vst v63  }
0x120: {  	s1 =	sadd.s32 $0xFFFFFFFF, s1;
	_ =	swait.ge [sflag:s3], $0x4000  }
.LBB2_2:
0x121: {  	[sflag:s3] =	ssyncset.done $0x0  }
0x122: {  	[sflag:s3] =	ssyncadd.s32 $0xFFFFC000  }
0x123: {  	_ =	sfence.sel $0x180000  }
0x124: {  	[bflag:$0x0] =	sbarrier.arrive $0xFFFF  }
0x125: {  	_ =	strace $0x9000004A  }
0x126: {  	s0 =	stileid.u32;
	[bflag:$0x2] =	sbarrier.arrive $0xFFFF  }
0x127: {  	p0 =	sne.s32 s0, $0x0;
	s0 =	rddreg [dreg:$0x2]  }
0x128: {  	s0 =	sadd.s32 @!p0 $0x100000, s0  }
0x129: {  	[sflag:s0] =	ssyncadd.tile.s32 @!p0 $0x1;
	_ =	shalt  }
.Lfunc_end2:
_tile_overlayer_lowered:
.L_overlay_start_2:
0x12a: {  	(tag) =	ssettag $0x2  }
0x12b: {  	s0 =	rddreg [dreg:$0x0];
	s2 =	stileid.u32  }
0x12c: {  	s1 =	rddreg [dreg:$0x1];
	p0 =	sne.s32 s2, $0x0  }
0x12d: {  	s3 =	rddreg [dreg:$0x2];
	[bflag:$0x3] =	sbarrier.arrive $0xFFFF;
	s2 =	simm.s32 @!p0 $0x1C03  }
0x12e: {  	[timem:s3], [sflag:s2] =	dma.local @!p0 [hbm:s0], s1  }
0x12f: {  	s0 =	simm.s32 @!p0 $0x3  }
0x130: {  	_ =	swait.ge @!p0 [sflag:s0], s1  }
0x131: {  	s1 =	ssub.s32 @!p0 $0x0, s1;
	[sflag:s0] =	ssyncset.done @!p0 $0x0  }
0x132: {  	[sflag:s0] =	ssyncadd.s32 @!p0 s1  }
0x133: {  	[bflag:$0x3] =	sbarrier.arrive $0xFFFF  }
0x134: {  	_ =	shalt  }

// kernel: kernel.8.cloned.1.call-start
scs
__scs_entry_jumppad:
0x0: {  	(pc) =	sbr.rel $0x88, $3  }
0x1: {  	(tag) =	ssettag $0x0;
	lr =	simm.s32 $0x1  }
0x2: {  	[smem:$0x3F8C] =	sst lr;
	_ =	strace $0xD0000000  }
0x3: {  	_ = 	snop  }
0x4: {  	_ = 	snop  }
0x5: {  	_ = 	snop  }
0x6: {  	_ = 	snop  }
0x7: {  	_ = 	snop  }
__scs_overlays_trampoline_lowered:
0x8: {  	[smem:$0x3F9B] =	sst s0  }
0x9: {  	[smem:$0x3F9C] =	sst s1  }
0xa: {  	[smem:$0x3F9D] =	sst s2  }
0xb: {  	[smem:$0x3F9E] =	sst s3  }
0xc: {  	[smem:$0x3F9F] =	sst s4  }
0xd: {  	[smem:$0x3FA0] =	sst s5  }
0xe: {  	[smem:$0x3FA1] =	sst s6  }
0xf: {  	[smem:$0x3FA2] =	sst s7  }
0x10: {  	[smem:$0x3FA3] =	sst s8  }
0x11: {  	[smem:$0x3FA4] =	sst s9;
	s0 =	simm.s32 @!p0 $0x0  }
0x12: {  	s1 =	sld [smem:$0x3F8A];
	s0 =	simm.s32 @p0 $0x1  }
0x13: {  	[smem:$0x3FA5] =	sst s0;
	s0 =	simm.s32 @!p1 $0x0  }
0x14: {  	s2 =	sld [smem:$0x3F89];
	s0 =	simm.s32 @p1 $0x1  }
0x15: {  	[smem:$0x3FA6] =	sst s0;
	s0 =	simm.s32 @!p2 $0x0  }
0x16: {  	s3 =	sld [smem:$0x3FDB];
	s0 =	simm.s32 @p2 $0x1  }
0x17: {  	s4 =	simm.s32 $0x1BF5;
	[smem:$0x3FA8] =	sst s0  }
0x18: {  	s0 =	sld [smem:$0x3F8B];
	_ =	swait.ge [sflag:s4], $0x0  }
0x19: {  	s7 =	sld [smem:$0x3F8C]  }
0x1a: {  	s8 =	sadd.s32 $0xFFFFE003, lr  }
0x1b: {  	s9 =	sadd.s32 $0xFFFFFEF7, lr;
	s5 =	simm.s32 $0xFFFFFFFF;
	p2 =	slt.u32 s8, $0xFFFFF086  }
0x1c: {  	p1 =	slt.u32 s9, $0xF7A;
	s5 =	simm.s32 @!p2 $0x0  }
0x1d: {  	s5 =	simm.s32 @p1 $0x1;
	p0 =	seq.s32 s7, s2  }
0x1e: {  	s7 =	smul.u32 @!p0 $0xF7A, s2;
	p2 =	seq.s32 @!p0 s5, $0x0  }
0x1f: {  	s9 =	smul.u32 $0xF7A, s1;
	s8 =	simm.s32 @!p0 $0x1BF5;
	p2 =	por !p2, p0  }
0x20: {  	[sflag:s8] =	ssyncset.s32 @!p0 $0xFFFFF086;
	s6 =	sadd.s32 @!p0 s3, s7;
	s7 =	simm.s32 @!p0 $0x108  }
0x21: {  	s3 =	sadd.s32 s3, s9;
	s6 =	sadd.s32 @!p0 $0x88, s6;
	s7 =	simm.s32 @p2 $0x1082  }
0x22: {  	[simem:s7], [sflag:s8] =	dma.local @!p0 [hbm:s6], $0xF7A  }
0x23: {  	s9 =	sor.u32 $0xD0000000, s2;
	s6 =	simm.s32 $0x108;
	_ =	swait.ge @!p0 [sflag:s8], $0x0  }
0x24: {  	s3 =	sadd.s32 $0x88, s3;
	s6 =	simm.s32 @!p1 $0x1082;
	[sflag:s4] =	ssyncset.s32 $0xFFFFF086  }
0x25: {  	[simem:s6], [sflag:s4] =	dma.local [hbm:s3], $0xF7A  }
0x26: {  	[smem:$0x3F8C] =	sst s1;
	(tag) =	ssettag s2;
	_ =	strace s9  }
0x27: {  	s1 =	sld [smem:$0x3F9C]  }
0x28: {  	s2 =	sld [smem:$0x3F9D]  }
0x29: {  	s4 =	sld [smem:$0x3F9F]  }
0x2a: {  	p0 =	seq.s32 s5, $0x0;
	s5 =	sld [smem:$0x3FA0]  }
0x2b: {  	s6 =	sld [smem:$0x3FA1]  }
0x2c: {  	s7 =	sld [smem:$0x3FA2]  }
0x2d: {  	s3 =	simm.s32 $0x108;
	s8 =	sld [smem:$0x3FA3]  }
0x2e: {  	s3 =	simm.s32 @!p0 $0x1082;
	s9 =	sld [smem:$0x3FA4]  }
0x2f: {  	lr =	sadd.s32 s0, s3;
	s0 =	sld [smem:$0x3F9B]  }
0x30: {  	s3 =	sld [smem:$0x3F9E]  }
0x31: {  	[smem:$0x3FA7] =	sst s10  }
0x32: {  	s10 =	sld [smem:$0x3FA5];
	_ =	sdelay $0x3  }
0x33: {  	p0 =	seq.s32 s10, $0x1;
	s10 =	sld [smem:$0x3FA7];
	_ =	sdelay $0x3  }
0x34: {  	[smem:$0x3FA7] =	sst s10  }
0x35: {  	s10 =	sld [smem:$0x3FA6];
	_ =	sdelay $0x3  }
0x36: {  	p1 =	seq.s32 s10, $0x1;
	s10 =	sld [smem:$0x3FA7];
	_ =	sdelay $0x3  }
0x37: {  	[smem:$0x3FA7] =	sst s10  }
0x38: {  	s10 =	sld [smem:$0x3FA8]  }
0x39: {  	_ = 	snop;
	(pc) =	sbr.ind lr, $3  }
0x3a: {  	_ = 	snop  }
0x3b: {  	_ = 	snop  }
0x3c: {  	p2 =	seq.s32 s10, $0x1;
	s10 =	sld [smem:$0x3FA7]  }
0x3d: {  	_ =	shalt  }
0x3e: {  	_ =	shalt  }
0x3f: {  	_ =	shalt  }
0x40: {  	_ =	shalt  }
0x41: {  	_ =	shalt  }
0x42: {  	_ =	shalt  }
0x43: {  	_ =	shalt  }
0x44: {  	_ =	shalt  }
0x45: {  	_ =	shalt  }
0x46: {  	_ =	shalt  }
0x47: {  	_ =	shalt  }
0x48: {  	_ =	shalt  }
0x49: {  	_ =	shalt  }
0x4a: {  	_ =	shalt  }
0x4b: {  	_ =	shalt  }
0x4c: {  	_ =	shalt  }
0x4d: {  	_ =	shalt  }
0x4e: {  	_ =	shalt  }
0x4f: {  	_ =	shalt  }
0x50: {  	_ =	shalt  }
0x51: {  	_ =	shalt  }
0x52: {  	_ =	shalt  }
0x53: {  	_ =	shalt  }
0x54: {  	_ =	shalt  }
0x55: {  	_ =	shalt  }
0x56: {  	_ =	shalt  }
0x57: {  	_ =	shalt  }
0x58: {  	_ =	shalt  }
0x59: {  	_ =	shalt  }
0x5a: {  	_ =	shalt  }
0x5b: {  	_ =	shalt  }
0x5c: {  	_ =	shalt  }
0x5d: {  	_ =	shalt  }
0x5e: {  	_ =	shalt  }
0x5f: {  	_ =	shalt  }
0x60: {  	_ =	shalt  }
0x61: {  	_ =	shalt  }
0x62: {  	_ =	shalt  }
0x63: {  	_ =	shalt  }
0x64: {  	_ =	shalt  }
0x65: {  	_ =	shalt  }
0x66: {  	_ =	shalt  }
0x67: {  	_ =	shalt  }
0x68: {  	_ =	shalt  }
0x69: {  	_ =	shalt  }
0x6a: {  	_ =	shalt  }
0x6b: {  	_ =	shalt  }
0x6c: {  	_ =	shalt  }
0x6d: {  	_ =	shalt  }
0x6e: {  	_ =	shalt  }
0x6f: {  	_ =	shalt  }
0x70: {  	_ =	shalt  }
0x71: {  	_ =	shalt  }
0x72: {  	_ =	shalt  }
0x73: {  	_ =	shalt  }
0x74: {  	_ =	shalt  }
0x75: {  	_ =	shalt  }
0x76: {  	_ =	shalt  }
0x77: {  	_ =	shalt  }
0x78: {  	_ =	shalt  }
0x79: {  	_ =	shalt  }
0x7a: {  	_ =	shalt  }
0x7b: {  	_ =	shalt  }
0x7c: {  	_ =	shalt  }
0x7d: {  	_ =	shalt  }
0x7e: {  	_ =	shalt  }
0x7f: {  	_ =	shalt  }
0x80: {  	_ =	shalt  }
0x81: {  	_ =	shalt  }
0x82: {  	_ =	shalt  }
0x83: {  	_ =	shalt  }
0x84: {  	_ =	shalt  }
0x85: {  	_ =	shalt  }
0x86: {  	_ =	shalt  }
0x87: {  	_ =	shalt  }
.Lfunc_end0:
.L_simem_size_0:
called_computation_lowered:
.L_overlay_start_0:
0x88: {  	s2 =	sld [smem:$0x3FD9]  }
0x89: {  	s3 =	sld [smem:$0x3FFE];
	_ =	sdelay $0x1  }
0x8a: {  	s1 =	srdreg.scid  }
0x8b: {  	s0 =	sand.u32 $0x1, s1  }
0x8c: {  	s14 =	sshll.u32 s0, $0xA;
	s2 =	sadd.s32 s3, s2  }
0x8d: {  	s2 =	sadd.s32 s2, s14  }
0x8e: {  	[smem:$0x3FB3] =	sst s2  }
0x8f: {  	_ = 	snop  }
0x90: {  	s2 =	sld [smem:$0x3FD0];
	_ =	sdelay $0x2  }
0x91: {  	s15 =	simm.s32 $0xA;
	s4 =	simm.s32 $0x10  }
0x92: {  	[smem:s4], [sflag:s15] =	dma.local [hbm:s2], $0x1  }
0x93: {  	_ =	swait.eq [sflag:s15], $0x1  }
0x94: {  	[sflag:s15] =	ssyncset.done $0x0  }
0x95: {  	[sflag:s15] =	ssyncadd.s32 $0xFFFFFFFF  }
0x96: {  	s16 =	sld [smem:$0x10];
	(tm) =	ssettm $0x1  }
0x97: {  	s17 =	sld [smem:$0x3FFB];
	_ =	sdelay $0x3  }
0x98: {  	_ =	strace s17  }
0x99: {  	s3 =	sld [smem:$0x3FFC];
	_ =	sdelay $0x3  }
0x9a: {  	_ =	strace s3  }
0x9b: {  	s3 =	sld [smem:$0x3FFD];
	_ =	sdelay $0x3  }
0x9c: {  	_ =	strace s3  }
0x9d: {  	_ =	strace $0x8FFFFFFF  }
0x9e: {  	s18 =	sld [smem:$0x3FDB];
	_ =	sdelay $0x1  }
0x9f: {  	s19 =	simm.s32 $_scs_section_size  }
0xa0: {  	s5 =	simm.s32 $_size__tile_overlayer_lowered;
	s6 =	simm.s32 $_tile_overlayer_lowered  }
0xa1: {  	s22 =	simm.s32 $0x1BFF;
	s21 =	sshll.u32 s6, $0x1;
	s3 =	sadd.s32 s19, s18  }
0xa2: {  	s7 =	simm.s32 $0x0;
	s20 =	sshll.u32 s5, $0x1;
	s5 =	sadd.s32 s21, s3  }
0xa3: {  	[timem:s7], [sflag:s22] =	dma.local [hbm:s5], s20  }
0xa4: {  	_ =	swait.ge [sflag:s22], s20  }
0xa5: {  	s4 =	ssub.s32 $0x0, s20;
	[sflag:s22] =	ssyncset.done $0x0  }
0xa6: {  	[sflag:s22] =	ssyncadd.s32 s4;
	_ =	sdelay $0x1  }
0xa7: {  	s23 =	simm.s32 $0x1B8B  }
0xa8: {  	_ =	swait.ge [sflag:s23], $0x1  }
0xa9: {  	[sflag:s23] =	ssyncset.done $0x0  }
0xaa: {  	s25 =	simm.s32 $0x1B8E;
	s24 =	sld [smem:$0x3FFE];
	[sflag:s23] =	ssyncadd.s32 $0xFFFFFFFF  }
0xab: {  	s26 =	simm.s32 $execute0_lowered;
	[smem:$0x3FD2] =	sst s25  }
0xac: {  	s5 =	sshll.u32 s26, $0x1;
	_ =	strace $0x80000046;
	[dreg:$0x1] =	wrdreg $0xFFFFFFFF  }
0xad: {  	s28 =	simm.s32 $_size_execute0_lowered;
	s3 =	sadd.s32 s3, s5;
	[dreg:$0x0] =	wrdreg $0x0  }
0xae: {  	s5 =	sshll.u32 s28, $0x1;
	[dreg:$0x2] =	wrdreg s3  }
0xaf: {  	[dreg:$0x3] =	wrdreg s5  }
0xb0: {  	[dreg:$0x4] =	wrdreg $0xC0  }
0xb1: {  	_ =	task [dreg:s7], $0x5FFFF  }
0xb2: {  	[dreg:$0x1] =	wrdreg $0xFFFFFFFF  }
0xb3: {  	[dreg:$0x0] =	wrdreg $0x60  }
0xb4: {  	[dreg:$0x2] =	wrdreg s24  }
0xb5: {  	[dreg:$0x3] =	wrdreg s16  }
0xb6: {  	[dreg:$0x4] =	wrdreg $0x9  }
0xb7: {  	_ =	task.clear_ibuf [dreg:s7], $0x5FFFF;
	_ =	strace $0x90000046  }
0xb8: {  	s29 =	simm.s32 $0x9;
	_ =	strace $0x80000048  }
0xb9: {  	_ =	swait.ge [sflag:s29], $0x1  }
0xba: {  	[sflag:s29] =	ssyncadd.s32 $0xFFFFFFFF  }
0xbb: {  	_ =	strace $0x90000048  }
0xbc: {  	_ =	sfence  }
0xbd: {  	s30 =	sld [smem:$0x0];
	_ =	sdelay $0x2  }
0xbe: {  	s31 =	sshll.u32 s1, $0xD;
	s1 =	sshrl.u32 s1, $0x2  }
0xbf: {  	s3 =	sand.u32 $0x4000, s31;
	s1 =	sadd.s32 s1, s30  }
0xc0: {  	s0 =	sor.u32 s3, s0;
	s1 =	sshll.u32 s1, $0x11  }
0xc1: {  	s0 =	sor.u32 s1, s0  }
0xc2: {  	s0 =	sadd.s32 $0x8F2B, s0  }
0xc3: {  	[sflag:s0] =	ssyncadd.remote.s32 $0x1  }
0xc4: {  	_ =	sfence.sel $0xFFFF  }
0xc5: {  	[dreg:$0x0] =	wrdreg $0xFFFFFFFF;
	(pc) =	sbr.abs _section_cstart, $3  }
0xc6: {  	[dreg:$0x1] =	wrdreg $0xFFFFFFFF  }
0xc7: {  	_ =	task.clear_ibuf [dreg:s7], $0x2FFFF;
	_ =	strace $0x9FFFFFFF  }
0xc8: {  	(tm) =	ssettm $0x7FFFFFFF  }
0xc9: {  	_ =	shalt  }
tec
execute0_lowered:
.L_overlay_start_1:
0x0: {  	(tag) =	ssettag $0x1  }
0x1: {  	s1 =	srdreg.scid  }
0x2: {  	s0 =	stileid.u32;
	s1 =	sand.u32 $0x1, s1  }
0x3: {  	s8 =	rddreg [dreg:$0x0];
	s4 =	sshll.u32 s0, $0xB;
	s5 =	sshll.u32 s1, $0xA  }
0x4: {  	s3 =	rddreg [dreg:$0x1];
	s2 =	simm.s32 $0x0;
	s4 =	sor.u32 s5, s4  }
0x5: {  	[smem:$0x7FF] =	sst s2;
	s29 =	sadd.s32 $0x203400, s8;
	s5 =	sshrl.u32 s4, $0x3  }
0x6: {  	s30 =	sadd.s32 $0x3400, s8;
	s31 =	sshll.u32 s4, $0x4;
	s3 =	sadd.s32 s3, s5  }
0x7: {  	_ =	strace $0x80000047;
	s23 =	sadd.s32 s29, s31;
	[dreg:$0x3] =	wrdreg s3  }
0x8: {  	s25 =	sadd.s32 s30, s31;
	[dreg:$0x4] =	wrdreg s23  }
0x9: {  	[dreg:$0x5] =	wrdreg s25  }
0xa: {  	s3 =	simm.s32 $0x3;
	s24 =	rddreg [dreg:$0x3]  }
0xb: {  	[tilespmem:s2], [sflag:$0x3] =	stream.linear.gather [hbm4b:s24+s2], $0x400, $0x38;
	[tilespmem:$0x8400] =	vst v63  }
0xc: {  	_ =	swait.ge [sflag:s3], $0x400  }
0xd: {  	[sflag:s3] =	ssyncset.done $0x0  }
0xe: {  	s4 =	simm.s32 $0x400;
	s26 =	rddreg [dreg:$0x4];
	[sflag:s3] =	ssyncadd.s32 $0xFFFFFC00  }
0xf: {  	[tilespmem:s4], [sflag:$0x3] =	stream.linear.gather [hbm4b:s26+s2], $0x4000, $0x38;
	[tilespmem:$0x8400] =	vst v63  }
0x10: {  	_ =	swait.ge [sflag:s3], $0x4000  }
0x11: {  	[sflag:s3] =	ssyncset.done $0x0  }
0x12: {  	s5 =	simm.s32 $0x4400;
	s6 =	rddreg [dreg:$0x5];
	[sflag:s3] =	ssyncadd.s32 $0xFFFFC000  }
0x13: {  	[tilespmem:s5], [sflag:$0x3] =	stream.linear.gather [hbm4b:s6+s2], $0x4000, $0x38;
	[tilespmem:$0x8400] =	vst v63  }
0x14: {  	_ =	swait.ge [sflag:s3], $0x4000  }
0x15: {  	[sflag:s3] =	ssyncset.done $0x0  }
0x16: {  	s7 =	simm.s32 $0x80;
	s6 =	sadd.s32 $0x283400, s8;
	[sflag:s3] =	ssyncadd.s32 $0xFFFFC000  }
0x17: {  	[hbm4b:s6+s7] =	stream.indirect.scatter [tilespmem:s4], [sflag:$0x1], $0x80, s2, s7, $0xb8;
	[tilespmem:$0x8400] =	vst v63  }
0x18: {  	s9 =	simm.s32 $0x1;
	s8 =	sadd.s32 $0x343400, s8  }
0x19: {  	[hbm4b:s8+s7] =	stream.indirect.scatter [tilespmem:s5], [sflag:$0x2], $0x80, s2, s7, $0xb8;
	[tilespmem:$0x8400] =	vst v63  }
0x1a: {  	_ =	swait.ge [sflag:s9], $0x4000  }
0x1b: {  	[sflag:s9] =	ssyncset.done $0x0  }
0x1c: {  	s10 =	simm.s32 $0x2;
	[sflag:s9] =	ssyncadd.s32 $0xFFFFC000  }
0x1d: {  	_ =	swait.ge [sflag:s10], $0x4000  }
0x1e: {  	s12 =	sor.u32 $0x800, s31;
	[sflag:s10] =	ssyncset.done $0x0  }
0x1f: {  	s11 =	sadd.s32 s29, s12;
	[sflag:s10] =	ssyncadd.s32 $0xFFFFC000  }
0x20: {  	[tilespmem:s4], [sflag:$0x3] =	stream.linear.gather [hbm4b:s11+s2], $0x4000, $0x38;
	[tilespmem:$0x8400] =	vst v63  }
0x21: {  	_ =	swait.ge [sflag:s3], $0x4000  }
0x22: {  	[sflag:s3] =	ssyncset.done $0x0  }
0x23: {  	s12 =	sadd.s32 s30, s12;
	[sflag:s3] =	ssyncadd.s32 $0xFFFFC000  }
0x24: {  	[tilespmem:s5], [sflag:$0x3] =	stream.linear.gather [hbm4b:s12+s2], $0x4000, $0x38;
	[tilespmem:$0x8400] =	vst v63  }
0x25: {  	_ =	swait.ge [sflag:s3], $0x4000  }
0x26: {  	[sflag:s3] =	ssyncset.done $0x0  }
0x27: {  	[sflag:s3] =	ssyncadd.s32 $0xFFFFC000  }
0x28: {  	[hbm4b:s6+s7] =	stream.indirect.scatter [tilespmem:s4], [sflag:$0x1], $0x80, s7, s7, $0xb8;
	[tilespmem:$0x8400] =	vst v63  }
0x29: {  	_ = 	snop  }
0x2a: {  	[hbm4b:s8+s7] =	stream.indirect.scatter [tilespmem:s5], [sflag:$0x2], $0x80, s7, s7, $0xb8;
	[tilespmem:$0x8400] =	vst v63  }
0x2b: {  	_ =	swait.ge [sflag:s9], $0x4000  }
0x2c: {  	[sflag:s9] =	ssyncset.done $0x0  }
0x2d: {  	[sflag:s9] =	ssyncadd.s32 $0xFFFFC000  }
0x2e: {  	_ =	swait.ge [sflag:s10], $0x4000  }
0x2f: {  	s14 =	sor.u32 $0x1000, s31;
	[sflag:s10] =	ssyncset.done $0x0  }
0x30: {  	s13 =	sadd.s32 s29, s14;
	[sflag:s10] =	ssyncadd.s32 $0xFFFFC000  }
0x31: {  	[tilespmem:s4], [sflag:$0x3] =	stream.linear.gather [hbm4b:s13+s2], $0x4000, $0x38;
	[tilespmem:$0x8400] =	vst v63  }
0x32: {  	_ =	swait.ge [sflag:s3], $0x4000  }
0x33: {  	[sflag:s3] =	ssyncset.done $0x0  }
0x34: {  	s14 =	sadd.s32 s30, s14;
	[sflag:s3] =	ssyncadd.s32 $0xFFFFC000  }
0x35: {  	[tilespmem:s5], [sflag:$0x3] =	stream.linear.gather [hbm4b:s14+s2], $0x4000, $0x38;
	[tilespmem:$0x8400] =	vst v63  }
0x36: {  	_ =	swait.ge [sflag:s3], $0x4000  }
0x37: {  	[sflag:s3] =	ssyncset.done $0x0  }
0x38: {  	s15 =	simm.s32 $0x100;
	[sflag:s3] =	ssyncadd.s32 $0xFFFFC000  }
0x39: {  	[hbm4b:s6+s7] =	stream.indirect.scatter [tilespmem:s4], [sflag:$0x1], $0x80, s15, s7, $0xb8;
	[tilespmem:$0x8400] =	vst v63  }
0x3a: {  	_ = 	snop  }
0x3b: {  	[hbm4b:s8+s7] =	stream.indirect.scatter [tilespmem:s5], [sflag:$0x2], $0x80, s15, s7, $0xb8;
	[tilespmem:$0x8400] =	vst v63  }
0x3c: {  	_ =	swait.ge [sflag:s9], $0x4000  }
0x3d: {  	[sflag:s9] =	ssyncset.done $0x0  }
0x3e: {  	[sflag:s9] =	ssyncadd.s32 $0xFFFFC000  }
0x3f: {  	_ =	swait.ge [sflag:s10], $0x4000  }
0x40: {  	s17 =	sor.u32 $0x1800, s31;
	[sflag:s10] =	ssyncset.done $0x0  }
0x41: {  	s16 =	sadd.s32 s29, s17;
	[sflag:s10] =	ssyncadd.s32 $0xFFFFC000  }
0x42: {  	[tilespmem:s4], [sflag:$0x3] =	stream.linear.gather [hbm4b:s16+s2], $0x4000, $0x38;
	[tilespmem:$0x8400] =	vst v63  }
0x43: {  	_ =	swait.ge [sflag:s3], $0x4000  }
0x44: {  	[sflag:s3] =	ssyncset.done $0x0  }
0x45: {  	s17 =	sadd.s32 s30, s17;
	[sflag:s3] =	ssyncadd.s32 $0xFFFFC000  }
0x46: {  	[tilespmem:s5], [sflag:$0x3] =	stream.linear.gather [hbm4b:s17+s2], $0x4000, $0x38;
	[tilespmem:$0x8400] =	vst v63  }
0x47: {  	_ =	swait.ge [sflag:s3], $0x4000  }
0x48: {  	[sflag:s3] =	ssyncset.done $0x0  }
0x49: {  	s18 =	simm.s32 $0x180;
	[sflag:s3] =	ssyncadd.s32 $0xFFFFC000  }
0x4a: {  	[hbm4b:s6+s7] =	stream.indirect.scatter [tilespmem:s4], [sflag:$0x1], $0x80, s18, s7, $0xb8;
	[tilespmem:$0x8400] =	vst v63  }
0x4b: {  	_ = 	snop  }
0x4c: {  	[hbm4b:s8+s7] =	stream.indirect.scatter [tilespmem:s5], [sflag:$0x2], $0x80, s18, s7, $0xb8;
	[tilespmem:$0x8400] =	vst v63  }
0x4d: {  	_ =	swait.ge [sflag:s9], $0x4000  }
0x4e: {  	[sflag:s9] =	ssyncset.done $0x0  }
0x4f: {  	[sflag:s9] =	ssyncadd.s32 $0xFFFFC000  }
0x50: {  	_ =	swait.ge [sflag:s10], $0x4000  }
0x51: {  	s20 =	sor.u32 $0x2000, s31;
	[sflag:s10] =	ssyncset.done $0x0  }
0x52: {  	s19 =	sadd.s32 s29, s20;
	[sflag:s10] =	ssyncadd.s32 $0xFFFFC000  }
0x53: {  	[tilespmem:s4], [sflag:$0x3] =	stream.linear.gather [hbm4b:s19+s2], $0x4000, $0x38;
	[tilespmem:$0x8400] =	vst v63  }
0x54: {  	_ =	swait.ge [sflag:s3], $0x4000  }
0x55: {  	[sflag:s3] =	ssyncset.done $0x0  }
0x56: {  	s20 =	sadd.s32 s30, s20;
	[sflag:s3] =	ssyncadd.s32 $0xFFFFC000  }
0x57: {  	[tilespmem:s5], [sflag:$0x3] =	stream.linear.gather [hbm4b:s20+s2], $0x4000, $0x38;
	[tilespmem:$0x8400] =	vst v63  }
0x58: {  	_ =	swait.ge [sflag:s3], $0x4000  }
0x59: {  	[sflag:s3] =	ssyncset.done $0x0  }
0x5a: {  	s21 =	simm.s32 $0x200;
	[sflag:s3] =	ssyncadd.s32 $0xFFFFC000  }
0x5b: {  	[hbm4b:s6+s7] =	stream.indirect.scatter [tilespmem:s4], [sflag:$0x1], $0x80, s21, s7, $0xb8;
	[tilespmem:$0x8400] =	vst v63  }
0x5c: {  	_ = 	snop  }
0x5d: {  	[hbm4b:s8+s7] =	stream.indirect.scatter [tilespmem:s5], [sflag:$0x2], $0x80, s21, s7, $0xb8;
	[tilespmem:$0x8400] =	vst v63  }
0x5e: {  	_ =	swait.ge [sflag:s9], $0x4000  }
0x5f: {  	[sflag:s9] =	ssyncset.done $0x0  }
0x60: {  	[sflag:s9] =	ssyncadd.s32 $0xFFFFC000  }
0x61: {  	_ =	swait.ge [sflag:s10], $0x4000  }
0x62: {  	s23 =	sor.u32 $0x2800, s31;
	[sflag:s10] =	ssyncset.done $0x0  }
0x63: {  	s22 =	sadd.s32 s29, s23;
	[sflag:s10] =	ssyncadd.s32 $0xFFFFC000  }
0x64: {  	[tilespmem:s4], [sflag:$0x3] =	stream.linear.gather [hbm4b:s22+s2], $0x4000, $0x38;
	[tilespmem:$0x8400] =	vst v63  }
0x65: {  	_ =	swait.ge [sflag:s3], $0x4000  }
0x66: {  	[sflag:s3] =	ssyncset.done $0x0  }
0x67: {  	s23 =	sadd.s32 s30, s23;
	[sflag:s3] =	ssyncadd.s32 $0xFFFFC000  }
0x68: {  	[tilespmem:s5], [sflag:$0x3] =	stream.linear.gather [hbm4b:s23+s2], $0x4000, $0x38;
	[tilespmem:$0x8400] =	vst v63  }
0x69: {  	_ =	swait.ge [sflag:s3], $0x4000  }
0x6a: {  	[sflag:s3] =	ssyncset.done $0x0  }
0x6b: {  	s24 =	simm.s32 $0x280;
	[sflag:s3] =	ssyncadd.s32 $0xFFFFC000  }
0x6c: {  	[hbm4b:s6+s7] =	stream.indirect.scatter [tilespmem:s4], [sflag:$0x1], $0x80, s24, s7, $0xb8;
	[tilespmem:$0x8400] =	vst v63  }
0x6d: {  	_ = 	snop  }
0x6e: {  	[hbm4b:s8+s7] =	stream.indirect.scatter [tilespmem:s5], [sflag:$0x2], $0x80, s24, s7, $0xb8;
	[tilespmem:$0x8400] =	vst v63  }
0x6f: {  	_ =	swait.ge [sflag:s9], $0x4000  }
0x70: {  	[sflag:s9] =	ssyncset.done $0x0  }
0x71: {  	[sflag:s9] =	ssyncadd.s32 $0xFFFFC000  }
0x72: {  	_ =	swait.ge [sflag:s10], $0x4000  }
0x73: {  	s26 =	sor.u32 $0x3000, s31;
	[sflag:s10] =	ssyncset.done $0x0  }
0x74: {  	s25 =	sadd.s32 s29, s26;
	[sflag:s10] =	ssyncadd.s32 $0xFFFFC000  }
0x75: {  	[tilespmem:s4], [sflag:$0x3] =	stream.linear.gather [hbm4b:s25+s2], $0x4000, $0x38;
	[tilespmem:$0x8400] =	vst v63  }
0x76: {  	_ =	swait.ge [sflag:s3], $0x4000  }
0x77: {  	[sflag:s3] =	ssyncset.done $0x0  }
0x78: {  	s26 =	sadd.s32 s30, s26;
	[sflag:s3] =	ssyncadd.s32 $0xFFFFC000  }
0x79: {  	[tilespmem:s5], [sflag:$0x3] =	stream.linear.gather [hbm4b:s26+s2], $0x4000, $0x38;
	[tilespmem:$0x8400] =	vst v63  }
0x7a: {  	_ =	swait.ge [sflag:s3], $0x4000  }
0x7b: {  	[sflag:s3] =	ssyncset.done $0x0  }
0x7c: {  	s28 =	simm.s32 $0x300;
	[sflag:s3] =	ssyncadd.s32 $0xFFFFC000  }
0x7d: {  	[hbm4b:s6+s7] =	stream.indirect.scatter [tilespmem:s4], [sflag:$0x1], $0x80, s28, s7, $0xb8;
	[tilespmem:$0x8400] =	vst v63  }
0x7e: {  	_ = 	snop  }
0x7f: {  	[hbm4b:s8+s7] =	stream.indirect.scatter [tilespmem:s5], [sflag:$0x2], $0x80, s28, s7, $0xb8;
	[tilespmem:$0x8400] =	vst v63  }
0x80: {  	_ =	swait.ge [sflag:s9], $0x4000  }
0x81: {  	[sflag:s9] =	ssyncset.done $0x0  }
0x82: {  	[sflag:s9] =	ssyncadd.s32 $0xFFFFC000  }
0x83: {  	_ =	swait.ge [sflag:s10], $0x4000  }
0x84: {  	s31 =	sor.u32 $0x3800, s31;
	[sflag:s10] =	ssyncset.done $0x0  }
0x85: {  	s29 =	sadd.s32 s29, s31;
	[sflag:s10] =	ssyncadd.s32 $0xFFFFC000  }
0x86: {  	[tilespmem:s4], [sflag:$0x3] =	stream.linear.gather [hbm4b:s29+s2], $0x4000, $0x38;
	[tilespmem:$0x8400] =	vst v63  }
0x87: {  	_ =	swait.ge [sflag:s3], $0x4000  }
0x88: {  	[sflag:s3] =	ssyncset.done $0x0  }
0x89: {  	s1 =	ssub.s32 $0x2, s1;
	s30 =	sadd.s32 s30, s31;
	[sflag:s3] =	ssyncadd.s32 $0xFFFFC000  }
0x8a: {  	[tilespmem:s5], [sflag:$0x3] =	stream.linear.gather [hbm4b:s30+s2], $0x4000, $0x38;
	[tilespmem:$0x8400] =	vst v63  }
0x8b: {  	s0 =	sshrl.u32 s1, $0x1;
	_ =	swait.ge [sflag:s3], $0x4000  }
0x8c: {  	s0 =	ssub.s32 s1, s0;
	[sflag:s3] =	ssyncset.done $0x0  }
0x8d: {  	s0 =	smax.u32 s0, $0x1;
	s31 =	simm.s32 $0x380;
	[sflag:s3] =	ssyncadd.s32 $0xFFFFC000  }
0x8e: {  	[hbm4b:s6+s7] =	stream.indirect.scatter [tilespmem:s4], [sflag:$0x1], $0x80, s31, s7, $0xb8;
	[tilespmem:$0x8400] =	vst v63  }
0x8f: {  	p0 =	sne.s32 s0, $0x1  }
0x90: {  	[hbm4b:s8+s7] =	stream.indirect.scatter [tilespmem:s5], [sflag:$0x2], $0x80, s31, s7, $0xb8;
	[tilespmem:$0x8400] =	vst v63  }
.Ltmp0:
0x91: {  	_ =	swait.ge [sflag:s9], $0x4000;
	(pc) =	sbr.rel @!p0 .LBB2_2-.Ltmp0, $4  }
0x92: {  	[sflag:s9] =	ssyncset.done $0x0  }
0x93: {  	[sflag:s9] =	ssyncadd.s32 $0xFFFFC000  }
0x94: {  	_ =	swait.ge [sflag:s10], $0x4000  }
0x95: {  	s1 =	sadd.s32 $0xFFFFFFFF, s0;
	[sflag:s10] =	ssyncset.done $0x0  }
.LBB2_1:
0x96: {  	s0 =	rddreg [dreg:$0x3];
	[sflag:s10] =	ssyncadd.s32 $0xFFFFC000  }
0x97: {  	[tilespmem:s2], [sflag:$0x3] =	stream.linear.gather [hbm4b:s0+s2], $0x400, $0x38;
	[tilespmem:$0x8400] =	vst v63  }
0x98: {  	_ =	swait.ge [sflag:s3], $0x400  }
0x99: {  	[sflag:s3] =	ssyncset.done $0x0  }
0x9a: {  	s0 =	rddreg [dreg:$0x4];
	[sflag:s3] =	ssyncadd.s32 $0xFFFFFC00  }
0x9b: {  	[tilespmem:s4], [sflag:$0x3] =	stream.linear.gather [hbm4b:s0+s2], $0x4000, $0x38;
	[tilespmem:$0x8400] =	vst v63  }
0x9c: {  	_ =	swait.ge [sflag:s3], $0x4000  }
0x9d: {  	[sflag:s3] =	ssyncset.done $0x0  }
0x9e: {  	s0 =	rddreg [dreg:$0x5];
	[sflag:s3] =	ssyncadd.s32 $0xFFFFC000  }
0x9f: {  	[tilespmem:s5], [sflag:$0x3] =	stream.linear.gather [hbm4b:s0+s2], $0x4000, $0x38;
	[tilespmem:$0x8400] =	vst v63  }
0xa0: {  	_ =	swait.ge [sflag:s3], $0x4000  }
0xa1: {  	[sflag:s3] =	ssyncset.done $0x0  }
0xa2: {  	[sflag:s3] =	ssyncadd.s32 $0xFFFFC000  }
0xa3: {  	[hbm4b:s6+s7] =	stream.indirect.scatter [tilespmem:s4], [sflag:$0x1], $0x80, s2, s7, $0xb8;
	[tilespmem:$0x8400] =	vst v63  }
0xa4: {  	_ = 	snop  }
0xa5: {  	[hbm4b:s8+s7] =	stream.indirect.scatter [tilespmem:s5], [sflag:$0x2], $0x80, s2, s7, $0xb8;
	[tilespmem:$0x8400] =	vst v63  }
0xa6: {  	_ =	swait.ge [sflag:s9], $0x4000  }
0xa7: {  	[sflag:s9] =	ssyncset.done $0x0  }
0xa8: {  	[sflag:s9] =	ssyncadd.s32 $0xFFFFC000  }
0xa9: {  	_ =	swait.ge [sflag:s10], $0x4000  }
0xaa: {  	[sflag:s10] =	ssyncset.done $0x0  }
0xab: {  	[sflag:s10] =	ssyncadd.s32 $0xFFFFC000  }
0xac: {  	[tilespmem:s4], [sflag:$0x3] =	stream.linear.gather [hbm4b:s11+s2], $0x4000, $0x38;
	[tilespmem:$0x8400] =	vst v63  }
0xad: {  	_ =	swait.ge [sflag:s3], $0x4000  }
0xae: {  	[sflag:s3] =	ssyncset.done $0x0  }
0xaf: {  	[sflag:s3] =	ssyncadd.s32 $0xFFFFC000  }
0xb0: {  	[tilespmem:s5], [sflag:$0x3] =	stream.linear.gather [hbm4b:s12+s2], $0x4000, $0x38;
	[tilespmem:$0x8400] =	vst v63  }
0xb1: {  	_ =	swait.ge [sflag:s3], $0x4000  }
0xb2: {  	[sflag:s3] =	ssyncset.done $0x0  }
0xb3: {  	[sflag:s3] =	ssyncadd.s32 $0xFFFFC000  }
0xb4: {  	[hbm4b:s6+s7] =	stream.indirect.scatter [tilespmem:s4], [sflag:$0x1], $0x80, s7, s7, $0xb8;
	[tilespmem:$0x8400] =	vst v63  }
0xb5: {  	_ = 	snop  }
0xb6: {  	[hbm4b:s8+s7] =	stream.indirect.scatter [tilespmem:s5], [sflag:$0x2], $0x80, s7, s7, $0xb8;
	[tilespmem:$0x8400] =	vst v63  }
0xb7: {  	_ =	swait.ge [sflag:s9], $0x4000  }
0xb8: {  	[sflag:s9] =	ssyncset.done $0x0  }
0xb9: {  	[sflag:s9] =	ssyncadd.s32 $0xFFFFC000  }
0xba: {  	_ =	swait.ge [sflag:s10], $0x4000  }
0xbb: {  	[sflag:s10] =	ssyncset.done $0x0  }
0xbc: {  	[sflag:s10] =	ssyncadd.s32 $0xFFFFC000  }
0xbd: {  	[tilespmem:s4], [sflag:$0x3] =	stream.linear.gather [hbm4b:s13+s2], $0x4000, $0x38;
	[tilespmem:$0x8400] =	vst v63  }
0xbe: {  	_ =	swait.ge [sflag:s3], $0x4000  }
0xbf: {  	[sflag:s3] =	ssyncset.done $0x0  }
0xc0: {  	[sflag:s3] =	ssyncadd.s32 $0xFFFFC000  }
0xc1: {  	[tilespmem:s5], [sflag:$0x3] =	stream.linear.gather [hbm4b:s14+s2], $0x4000, $0x38;
	[tilespmem:$0x8400] =	vst v63  }
0xc2: {  	_ =	swait.ge [sflag:s3], $0x4000  }
0xc3: {  	[sflag:s3] =	ssyncset.done $0x0  }
0xc4: {  	[sflag:s3] =	ssyncadd.s32 $0xFFFFC000  }
0xc5: {  	[hbm4b:s6+s7] =	stream.indirect.scatter [tilespmem:s4], [sflag:$0x1], $0x80, s15, s7, $0xb8;
	[tilespmem:$0x8400] =	vst v63  }
0xc6: {  	_ = 	snop  }
0xc7: {  	[hbm4b:s8+s7] =	stream.indirect.scatter [tilespmem:s5], [sflag:$0x2], $0x80, s15, s7, $0xb8;
	[tilespmem:$0x8400] =	vst v63  }
0xc8: {  	_ =	swait.ge [sflag:s9], $0x4000  }
0xc9: {  	[sflag:s9] =	ssyncset.done $0x0  }
0xca: {  	[sflag:s9] =	ssyncadd.s32 $0xFFFFC000  }
0xcb: {  	_ =	swait.ge [sflag:s10], $0x4000  }
0xcc: {  	[sflag:s10] =	ssyncset.done $0x0  }
0xcd: {  	[sflag:s10] =	ssyncadd.s32 $0xFFFFC000  }
0xce: {  	[tilespmem:s4], [sflag:$0x3] =	stream.linear.gather [hbm4b:s16+s2], $0x4000, $0x38;
	[tilespmem:$0x8400] =	vst v63  }
0xcf: {  	_ =	swait.ge [sflag:s3], $0x4000  }
0xd0: {  	[sflag:s3] =	ssyncset.done $0x0  }
0xd1: {  	[sflag:s3] =	ssyncadd.s32 $0xFFFFC000  }
0xd2: {  	[tilespmem:s5], [sflag:$0x3] =	stream.linear.gather [hbm4b:s17+s2], $0x4000, $0x38;
	[tilespmem:$0x8400] =	vst v63  }
0xd3: {  	_ =	swait.ge [sflag:s3], $0x4000  }
0xd4: {  	[sflag:s3] =	ssyncset.done $0x0  }
0xd5: {  	[sflag:s3] =	ssyncadd.s32 $0xFFFFC000  }
0xd6: {  	[hbm4b:s6+s7] =	stream.indirect.scatter [tilespmem:s4], [sflag:$0x1], $0x80, s18, s7, $0xb8;
	[tilespmem:$0x8400] =	vst v63  }
0xd7: {  	_ = 	snop  }
0xd8: {  	[hbm4b:s8+s7] =	stream.indirect.scatter [tilespmem:s5], [sflag:$0x2], $0x80, s18, s7, $0xb8;
	[tilespmem:$0x8400] =	vst v63  }
0xd9: {  	_ =	swait.ge [sflag:s9], $0x4000  }
0xda: {  	[sflag:s9] =	ssyncset.done $0x0  }
0xdb: {  	[sflag:s9] =	ssyncadd.s32 $0xFFFFC000  }
0xdc: {  	_ =	swait.ge [sflag:s10], $0x4000  }
0xdd: {  	[sflag:s10] =	ssyncset.done $0x0  }
0xde: {  	[sflag:s10] =	ssyncadd.s32 $0xFFFFC000  }
0xdf: {  	[tilespmem:s4], [sflag:$0x3] =	stream.linear.gather [hbm4b:s19+s2], $0x4000, $0x38;
	[tilespmem:$0x8400] =	vst v63  }
0xe0: {  	_ =	swait.ge [sflag:s3], $0x4000  }
0xe1: {  	[sflag:s3] =	ssyncset.done $0x0  }
0xe2: {  	[sflag:s3] =	ssyncadd.s32 $0xFFFFC000  }
0xe3: {  	[tilespmem:s5], [sflag:$0x3] =	stream.linear.gather [hbm4b:s20+s2], $0x4000, $0x38;
	[tilespmem:$0x8400] =	vst v63  }
0xe4: {  	_ =	swait.ge [sflag:s3], $0x4000  }
0xe5: {  	[sflag:s3] =	ssyncset.done $0x0  }
0xe6: {  	[sflag:s3] =	ssyncadd.s32 $0xFFFFC000  }
0xe7: {  	[hbm4b:s6+s7] =	stream.indirect.scatter [tilespmem:s4], [sflag:$0x1], $0x80, s21, s7, $0xb8;
	[tilespmem:$0x8400] =	vst v63  }
0xe8: {  	_ = 	snop  }
0xe9: {  	[hbm4b:s8+s7] =	stream.indirect.scatter [tilespmem:s5], [sflag:$0x2], $0x80, s21, s7, $0xb8;
	[tilespmem:$0x8400] =	vst v63  }
0xea: {  	_ =	swait.ge [sflag:s9], $0x4000  }
0xeb: {  	[sflag:s9] =	ssyncset.done $0x0  }
0xec: {  	[sflag:s9] =	ssyncadd.s32 $0xFFFFC000  }
0xed: {  	_ =	swait.ge [sflag:s10], $0x4000  }
0xee: {  	[sflag:s10] =	ssyncset.done $0x0  }
0xef: {  	[sflag:s10] =	ssyncadd.s32 $0xFFFFC000  }
0xf0: {  	[tilespmem:s4], [sflag:$0x3] =	stream.linear.gather [hbm4b:s22+s2], $0x4000, $0x38;
	[tilespmem:$0x8400] =	vst v63  }
0xf1: {  	_ =	swait.ge [sflag:s3], $0x4000  }
0xf2: {  	[sflag:s3] =	ssyncset.done $0x0  }
0xf3: {  	[sflag:s3] =	ssyncadd.s32 $0xFFFFC000  }
0xf4: {  	[tilespmem:s5], [sflag:$0x3] =	stream.linear.gather [hbm4b:s23+s2], $0x4000, $0x38;
	[tilespmem:$0x8400] =	vst v63  }
0xf5: {  	_ =	swait.ge [sflag:s3], $0x4000  }
0xf6: {  	[sflag:s3] =	ssyncset.done $0x0  }
0xf7: {  	[sflag:s3] =	ssyncadd.s32 $0xFFFFC000  }
0xf8: {  	[hbm4b:s6+s7] =	stream.indirect.scatter [tilespmem:s4], [sflag:$0x1], $0x80, s24, s7, $0xb8;
	[tilespmem:$0x8400] =	vst v63  }
0xf9: {  	_ = 	snop  }
0xfa: {  	[hbm4b:s8+s7] =	stream.indirect.scatter [tilespmem:s5], [sflag:$0x2], $0x80, s24, s7, $0xb8;
	[tilespmem:$0x8400] =	vst v63  }
0xfb: {  	_ =	swait.ge [sflag:s9], $0x4000  }
0xfc: {  	[sflag:s9] =	ssyncset.done $0x0  }
0xfd: {  	[sflag:s9] =	ssyncadd.s32 $0xFFFFC000  }
0xfe: {  	_ =	swait.ge [sflag:s10], $0x4000  }
0xff: {  	[sflag:s10] =	ssyncset.done $0x0  }
0x100: {  	[sflag:s10] =	ssyncadd.s32 $0xFFFFC000  }
0x101: {  	[tilespmem:s4], [sflag:$0x3] =	stream.linear.gather [hbm4b:s25+s2], $0x4000, $0x38;
	[tilespmem:$0x8400] =	vst v63  }
0x102: {  	_ =	swait.ge [sflag:s3], $0x4000  }
0x103: {  	[sflag:s3] =	ssyncset.done $0x0  }
0x104: {  	[sflag:s3] =	ssyncadd.s32 $0xFFFFC000  }
0x105: {  	[tilespmem:s5], [sflag:$0x3] =	stream.linear.gather [hbm4b:s26+s2], $0x4000, $0x38;
	[tilespmem:$0x8400] =	vst v63  }
0x106: {  	_ =	swait.ge [sflag:s3], $0x4000  }
0x107: {  	[sflag:s3] =	ssyncset.done $0x0  }
0x108: {  	[sflag:s3] =	ssyncadd.s32 $0xFFFFC000  }
0x109: {  	[hbm4b:s6+s7] =	stream.indirect.scatter [tilespmem:s4], [sflag:$0x1], $0x80, s28, s7, $0xb8;
	[tilespmem:$0x8400] =	vst v63  }
0x10a: {  	_ = 	snop  }
0x10b: {  	[hbm4b:s8+s7] =	stream.indirect.scatter [tilespmem:s5], [sflag:$0x2], $0x80, s28, s7, $0xb8;
	[tilespmem:$0x8400] =	vst v63  }
0x10c: {  	_ =	swait.ge [sflag:s9], $0x4000  }
0x10d: {  	[sflag:s9] =	ssyncset.done $0x0  }
0x10e: {  	[sflag:s9] =	ssyncadd.s32 $0xFFFFC000  }
0x10f: {  	_ =	swait.ge [sflag:s10], $0x4000  }
0x110: {  	[sflag:s10] =	ssyncset.done $0x0  }
0x111: {  	[sflag:s10] =	ssyncadd.s32 $0xFFFFC000  }
0x112: {  	[tilespmem:s4], [sflag:$0x3] =	stream.linear.gather [hbm4b:s29+s2], $0x4000, $0x38;
	[tilespmem:$0x8400] =	vst v63  }
0x113: {  	_ =	swait.ge [sflag:s3], $0x4000  }
0x114: {  	[sflag:s3] =	ssyncset.done $0x0  }
0x115: {  	[sflag:s3] =	ssyncadd.s32 $0xFFFFC000  }
0x116: {  	[tilespmem:s5], [sflag:$0x3] =	stream.linear.gather [hbm4b:s30+s2], $0x4000, $0x38;
	[tilespmem:$0x8400] =	vst v63  }
0x117: {  	_ =	swait.ge [sflag:s3], $0x4000  }
0x118: {  	[sflag:s3] =	ssyncset.done $0x0  }
0x119: {  	[sflag:s3] =	ssyncadd.s32 $0xFFFFC000  }
0x11a: {  	[hbm4b:s6+s7] =	stream.indirect.scatter [tilespmem:s4], [sflag:$0x1], $0x80, s31, s7, $0xb8;
	[tilespmem:$0x8400] =	vst v63  }
0x11b: {  	p0 =	sne.s32 s1, $0x1  }
0x11c: {  	[hbm4b:s8+s7] =	stream.indirect.scatter [tilespmem:s5], [sflag:$0x2], $0x80, s31, s7, $0xb8;
	[tilespmem:$0x8400] =	vst v63  }
.Ltmp1:
0x11d: {  	_ =	swait.ge [sflag:s9], $0x4000;
	(pc) =	sbr.rel @p0 .LBB2_1-.Ltmp1, $4  }
0x11e: {  	[sflag:s9] =	ssyncset.done $0x0  }
0x11f: {  	[sflag:s9] =	ssyncadd.s32 $0xFFFFC000  }
0x120: {  	_ =	swait.ge [sflag:s10], $0x4000  }
0x121: {  	s1 =	sadd.s32 $0xFFFFFFFF, s1;
	[sflag:s10] =	ssyncset.done $0x0  }
.LBB2_2:
0x122: {  	[sflag:s10] =	ssyncadd.s32 $0xFFFFC000  }
0x123: {  	_ =	sfence.sel $0x180000  }
0x124: {  	[bflag:$0x0] =	sbarrier.arrive $0xFFFF  }
0x125: {  	_ =	strace $0x90000047  }
0x126: {  	s0 =	stileid.u32;
	[bflag:$0x2] =	sbarrier.arrive $0xFFFF  }
0x127: {  	p0 =	sne.s32 s0, $0x0;
	s0 =	rddreg [dreg:$0x2]  }
0x128: {  	s0 =	sadd.s32 @!p0 $0x100000, s0  }
0x129: {  	[sflag:s0] =	ssyncadd.tile.s32 @!p0 $0x1;
	_ =	shalt  }
.Lfunc_end2:
_tile_overlayer_lowered:
.L_overlay_start_2:
0x12a: {  	(tag) =	ssettag $0x2  }
0x12b: {  	s0 =	rddreg [dreg:$0x0];
	s2 =	stileid.u32  }
0x12c: {  	s1 =	rddreg [dreg:$0x1];
	p0 =	sne.s32 s2, $0x0  }
0x12d: {  	s3 =	rddreg [dreg:$0x2];
	[bflag:$0x3] =	sbarrier.arrive $0xFFFF;
	s2 =	simm.s32 @!p0 $0x1C03  }
0x12e: {  	[timem:s3], [sflag:s2] =	dma.local @!p0 [hbm:s0], s1  }
0x12f: {  	s0 =	simm.s32 @!p0 $0x3  }
0x130: {  	_ =	swait.ge @!p0 [sflag:s0], s1  }
0x131: {  	s1 =	ssub.s32 @!p0 $0x0, s1;
	[sflag:s0] =	ssyncset.done @!p0 $0x0  }
0x132: {  	[sflag:s0] =	ssyncadd.s32 @!p0 s1  }
0x133: {  	[bflag:$0x3] =	sbarrier.arrive $0xFFFF  }
0x134: {  	_ =	shalt  }

</sc_bundles>
